<compile_context>
chip_gen: v7x
topology: tpu7x:2x2x1
jax: 0.10.2.dev20260603
libtpu: 0.0.44.dev20260713+nightly
codegen_flags: <defaults>
</compile_context>

<pallas_src>
import jax
import jax.numpy as jnp
from jax import lax
from jax.experimental import pallas as pl
from jax.experimental.pallas import tpu as pltpu
from jax.experimental.pallas import tpu_sc as plsc

X_MIN, Y_MIN, Z_MIN = 0.0, -50.0, -2.0
GRID_INV = 2.5

B, N, C = 8, 131072, 5
ROWS = B * N
OUT_C = 4

NUM_CORES = 2
NUM_SUBCORES = 16
NW = NUM_CORES * NUM_SUBCORES
ROWS_PER_W = ROWS // NW
CHUNK = 8192
N_CHUNKS = ROWS_PER_W // CHUNK
LANES = 16

_MINS = (X_MIN, Y_MIN, Z_MIN)


def _sc_body(in_hbm, feat_hbm, idx_hbm, *scratch):
    ins = (scratch[0:4], scratch[4:8])
    qs = (scratch[8:11], scratch[11:14])
    b_v = scratch[14]
    sem_in = scratch[15:17]
    sem_feat = scratch[17:19]
    sem_idx = scratch[19:21]
    sem_b = scratch[21]

    cid = lax.axis_index("c")
    sid = lax.axis_index("s")
    wid = sid * NUM_CORES + cid
    row0 = wid * ROWS_PER_W
    b = row0 // N
    n_off = row0 % N

    ones = jnp.ones((LANES,), jnp.int32)
    zeros = jnp.zeros((LANES,), jnp.int32)
    bvec = zeros + b

    def issue_in(k):
        s = k % 2
        return [
            pltpu.async_copy(
                in_hbm.at[c, b, pl.ds(n_off + k * CHUNK, CHUNK)],
                ins[s][c], sem_in[s])
            for c in range(4)
        ]

    first_in = issue_in(0)

    @plsc.parallel_loop(0, CHUNK // LANES, unroll=8)
    def fill_b(i):
        b_v[pl.ds(i * LANES, LANES)] = bvec

    b_descs = [
        pltpu.async_copy(b_v, idx_hbm.at[0, pl.ds(row0 + k * CHUNK, CHUNK)],
                         sem_b)
        for k in range(N_CHUNKS)
    ]

    def feat_copy(k, c):
        s = k % 2
        return pltpu.async_copy(
            ins[s][c], feat_hbm.at[c, pl.ds(row0 + k * CHUNK, CHUNK)],
            sem_feat[s])

    def idx_copy(k, c):
        s = k % 2
        return pltpu.async_copy(
            qs[s][c], idx_hbm.at[3 - c, pl.ds(row0 + k * CHUNK, CHUNK)],
            sem_idx[s])

    def quant_channel(k, c):
        s = k % 2

        @plsc.parallel_loop(0, CHUNK // LANES, unroll=4)
        def quant(i):
            sl = pl.ds(i * LANES, LANES)
            v = (ins[s][c][sl] - _MINS[c]) * GRID_INV
            t = lax.convert_element_type(v, jnp.int32)
            tf = lax.convert_element_type(t, jnp.float32)
            qs[s][c][sl] = t + lax.select(v > tf, ones, zeros)

    in_d = {0: first_in}
    out_d = {}
    for k in range(N_CHUNKS):
        if k + 1 < N_CHUNKS:
            if k >= 1:
                for d in out_d.pop(k - 1):
                    d.wait()
            in_d[k + 1] = issue_in(k + 1)
        descs = []
        in_descs = in_d.pop(k)
        for c in range(3):
            in_descs[c].wait()
            descs.append(feat_copy(k, c))
            quant_channel(k, c)
            descs.append(idx_copy(k, c))
        in_descs[3].wait()
        descs.append(feat_copy(k, 3))
        out_d[k] = descs
    for key in sorted(out_d):
        for d in out_d[key]:
            d.wait()
    for d in b_descs:
        d.wait()


@jax.jit
def kernel(rdr_sparse_cube):
    planar = jnp.transpose(rdr_sparse_cube, (2, 0, 1))
    mesh = plsc.VectorSubcoreMesh(
        core_axis_name="c", subcore_axis_name="s",
        num_cores=NUM_CORES, num_subcores=NUM_SUBCORES)
    feat_t, idx_t = pl.kernel(
        _sc_body,
        out_type=(
            jax.ShapeDtypeStruct((OUT_C, ROWS), jnp.float32),
            jax.ShapeDtypeStruct((OUT_C, ROWS), jnp.int32),
        ),
        mesh=mesh,
        scratch_types=(
            [pltpu.VMEM((CHUNK,), jnp.float32) for _ in range(8)]
            + [pltpu.VMEM((CHUNK,), jnp.int32) for _ in range(6)]
            + [pltpu.VMEM((CHUNK,), jnp.int32)]
            + [pltpu.SemaphoreType.DMA] * 7
        ),
    )(planar)
    return feat_t.T, idx_t.T

# --- scband reference (transcript-rebuilt; emitter-appended) ---
"""Pipeline reference for scband-radar-sparse-processor-266287972906 (READ-ONLY COPY).

The authoritative reference and input builder live on the scoring server;
editing this copy changes nothing except your own understanding.
"""

import jax, jax.numpy as jnp
import numpy as np

X_MIN, Y_MIN, Z_MIN = 0.0, -50.0, -2.0
GRID_SIZE = 0.4
INPUT_DIM = 4


def setup_inputs(seed: int = 0) -> dict:
    key = jax.random.key(seed)
    sp = jax.random.uniform(key, (8, 131072, 5), dtype=jnp.float32)
    return {"rdr_sparse_cube": sp}


def reference(rdr_sparse_cube):
    B, N, C = rdr_sparse_cube.shape
    # per-batch indices, equivalent to torch.cat of torch.full((N,1), b)
    batch_idx = jnp.repeat(jnp.arange(B, dtype=jnp.int32), N)[:, None]
    sp_cube = rdr_sparse_cube.reshape(B * N, C)
    sp_cube = sp_cube[:, :INPUT_DIM]
    x_coord = sp_cube[:, 0:1]
    y_coord = sp_cube[:, 1:2]
    z_coord = sp_cube[:, 2:3]
    z_ind = jnp.ceil((z_coord - Z_MIN) / GRID_SIZE).astype(jnp.int32)
    y_ind = jnp.ceil((y_coord - Y_MIN) / GRID_SIZE).astype(jnp.int32)
    x_ind = jnp.ceil((x_coord - X_MIN) / GRID_SIZE).astype(jnp.int32)
    sp_indices = jnp.concatenate((batch_idx, z_ind, y_ind, x_ind), axis=-1)
    # dict_item['sp_features'], dict_item['sp_indices']
    return sp_cube, sp_indices

if __name__ == "__main__":
    import jax
    _d = setup_inputs()
    print(jax.jit(kernel)(*tuple(_d.values())))

</pallas_src>

<mosaic_0001>
#map = affine_map<(d0, d1) -> (0, 0, 0)>
#map1 = affine_map<(d0, d1) -> (0, 0)>
module attributes {stable_mosaic.version = 14 : i64} {
  func.func @_sc_body(%arg0: i32, %arg1: i32, %arg2: memref<5x8x131072xf32, #tpu.memory_space<hbm>>, %arg3: memref<4x1048576xf32, #tpu.memory_space<hbm>>, %arg4: memref<4x1048576xi32, #tpu.memory_space<hbm>>, %arg5: memref<8192xf32, #tpu.memory_space<vmem>>, %arg6: memref<8192xf32, #tpu.memory_space<vmem>>, %arg7: memref<8192xf32, #tpu.memory_space<vmem>>, %arg8: memref<8192xf32, #tpu.memory_space<vmem>>, %arg9: memref<8192xf32, #tpu.memory_space<vmem>>, %arg10: memref<8192xf32, #tpu.memory_space<vmem>>, %arg11: memref<8192xf32, #tpu.memory_space<vmem>>, %arg12: memref<8192xf32, #tpu.memory_space<vmem>>, %arg13: memref<8192xi32, #tpu.memory_space<vmem>>, %arg14: memref<8192xi32, #tpu.memory_space<vmem>>, %arg15: memref<8192xi32, #tpu.memory_space<vmem>>, %arg16: memref<8192xi32, #tpu.memory_space<vmem>>, %arg17: memref<8192xi32, #tpu.memory_space<vmem>>, %arg18: memref<8192xi32, #tpu.memory_space<vmem>>, %arg19: memref<8192xi32, #tpu.memory_space<vmem>>, %arg20: memref<!tpu.dma_semaphore, #tpu.memory_space<semaphore_mem>>, %arg21: memref<!tpu.dma_semaphore, #tpu.memory_space<semaphore_mem>>, %arg22: memref<!tpu.dma_semaphore, #tpu.memory_space<semaphore_mem>>, %arg23: memref<!tpu.dma_semaphore, #tpu.memory_space<semaphore_mem>>, %arg24: memref<!tpu.dma_semaphore, #tpu.memory_space<semaphore_mem>>, %arg25: memref<!tpu.dma_semaphore, #tpu.memory_space<semaphore_mem>>, %arg26: memref<!tpu.dma_semaphore, #tpu.memory_space<semaphore_mem>>) attributes {dimension_semantics = [#tpu.dimension_semantics<core_parallel>, #tpu.dimension_semantics<subcore_parallel>], iteration_bounds = array<i64: 2, 16>, scalar_prefetch = 0 : i64, scratch_operands = 22 : i64, tpu.core_type = #tpu.core_type<sc_vector_subcore>, window_params = [{transform_indices = #map}, {transform_indices = #map1}, {transform_indices = #map1}]} {
    %mul3A = arith.constant 2 : i32
    %mul3A_0 = arith.muli %arg1, %mul3A : i32
    %add3A = arith.addi %mul3A_0, %arg0 : i32
    %mul3A_1 = arith.constant 32768 : i32
    %mul3A_2 = arith.muli %add3A, %mul3A_1 : i32
    %jit3A = arith.constant 131072 : i32
    %div3A = arith.divsi %mul3A_2, %jit3A : i32
    %sign3A = arith.constant 0 : i32
    %sign3A_3 = arith.cmpi sgt, %mul3A_2, %sign3A : i32
    %sign3A_4 = arith.extui %sign3A_3 : i1 to i32
    %sign3A_5 = arith.constant 0 : i32
    %sign3A_6 = arith.cmpi slt, %mul3A_2, %sign3A_5 : i32
    %sign3A_7 = arith.extui %sign3A_6 : i1 to i32
    %sign3A_8 = arith.subi %sign3A_4, %sign3A_7 : i32
    %sign3A_9 = arith.constant 0 : i32
    %sign3A_10 = arith.cmpi sgt, %jit3A, %sign3A_9 : i32
    %sign3A_11 = arith.extui %sign3A_10 : i1 to i32
    %sign3A_12 = arith.constant 0 : i32
    %sign3A_13 = arith.cmpi slt, %jit3A, %sign3A_12 : i32
    %sign3A_14 = arith.extui %sign3A_13 : i1 to i32
    %sign3A_15 = arith.subi %sign3A_11, %sign3A_14 : i32
    %ne3A = arith.cmpi ne, %sign3A_8, %sign3A_15 : i32
    %rem3A = arith.remsi %mul3A_2, %jit3A : i32
    %ne3A_16 = arith.constant 0 : i32
    %ne3A_17 = arith.cmpi ne, %rem3A, %ne3A_16 : i32
    %and3A = arith.andi %ne3A, %ne3A_17 : i1
    %sub3A = arith.constant 1 : i32
    %sub3A_18 = arith.subi %div3A, %sub3A : i32
    %select_n3A = arith.select %and3A, %sub3A_18, %div3A : i32
    %jit3A_19 = arith.constant 131072 : i32
    %eq3A = arith.constant 0 : i32
    %eq3A_20 = arith.cmpi eq, %jit3A_19, %eq3A : i32
    %jit3A_21 = arith.constant 1 : i32
    %select_n3A_22 = arith.select %eq3A_20, %jit3A_21, %jit3A_19 : i32
    %rem3A_23 = arith.remsi %mul3A_2, %select_n3A_22 : i32
    %ne3A_24 = arith.constant 0 : i32
    %ne3A_25 = arith.cmpi ne, %rem3A_23, %ne3A_24 : i32
    %lt3A = arith.constant 0 : i32
    %lt3A_26 = arith.cmpi slt, %rem3A_23, %lt3A : i32
    %lt3A_27 = arith.constant 0 : i32
    %lt3A_28 = arith.cmpi slt, %select_n3A_22, %lt3A_27 : i32
    %ne3A_29 = arith.xori %lt3A_26, %lt3A_28 : i1
    %and3A_30 = arith.andi %ne3A_29, %ne3A_25 : i1
    %add3A_31 = arith.addi %rem3A_23, %select_n3A_22 : i32
    %select_n3A_32 = arith.select %and3A_30, %add3A_31, %rem3A_23 : i32
    %broadcast_in_dim3A = arith.constant 1 : i32
    %broadcast_in_dim3A_33 = vector.broadcast %broadcast_in_dim3A : i32 to vector<16xi32>
    %broadcast_in_dim3A_34 = arith.constant 0 : i32
    %broadcast_in_dim3A_35 = vector.broadcast %broadcast_in_dim3A_34 : i32 to vector<16xi32>
    %add3A_36 = vector.broadcast %select_n3A : i32 to vector<16xi32>
    %add3A_37 = arith.addi %broadcast_in_dim3A_35, %add3A_36 : vector<16xi32>
    %add3A_38 = arith.constant 0 : i32
    %add3A_39 = arith.addi %select_n3A_32, %add3A_38 : i32
    %dma_start3A = arith.constant 0 : i32
    %dma_start3A_40 = tpu.memref_slice %arg2[%dma_start3A, %select_n3A, %add3A_39] : memref<5x8x131072xf32, #tpu.memory_space<hbm>> -> memref<1x1x8192xf32, #tpu.memory_space<hbm>>
    %dma_start3A_41 = tpu.memref_squeeze %dma_start3A_40 : memref<1x1x8192xf32, #tpu.memory_space<hbm>> -> memref<8192xf32, #tpu.memory_space<hbm>>
    %dma_start3A_42 = tpu.memref_slice %arg2[%dma_start3A, %select_n3A, %add3A_39] : memref<5x8x131072xf32, #tpu.memory_space<hbm>> -> memref<1x1x8192xf32, #tpu.memory_space<hbm>>
    %dma_start3A_43 = tpu.memref_squeeze %dma_start3A_42 : memref<1x1x8192xf32, #tpu.memory_space<hbm>> -> memref<8192xf32, #tpu.memory_space<hbm>>
    tpu.enqueue_dma source(%dma_start3A_43 : memref<8192xf32, #tpu.memory_space<hbm>>) target(%arg5 : memref<8192xf32, #tpu.memory_space<vmem>>) target_semaphore(%arg20 : memref<!tpu.dma_semaphore, #tpu.memory_space<semaphore_mem>>)
    %add3A_44 = arith.constant 0 : i32
    %add3A_45 = arith.addi %select_n3A_32, %add3A_44 : i32
    %dma_start3A_46 = arith.constant 1 : i32
    %dma_start3A_47 = tpu.memref_slice %arg2[%dma_start3A_46, %select_n3A, %add3A_45] : memref<5x8x131072xf32, #tpu.memory_space<hbm>> -> memref<1x1x8192xf32, #tpu.memory_space<hbm>>
    %dma_start3A_48 = tpu.memref_squeeze %dma_start3A_47 : memref<1x1x8192xf32, #tpu.memory_space<hbm>> -> memref<8192xf32, #tpu.memory_space<hbm>>
    %dma_start3A_49 = tpu.memref_slice %arg2[%dma_start3A_46, %select_n3A, %add3A_45] : memref<5x8x131072xf32, #tpu.memory_space<hbm>> -> memref<1x1x8192xf32, #tpu.memory_space<hbm>>
    %dma_start3A_50 = tpu.memref_squeeze %dma_start3A_49 : memref<1x1x8192xf32, #tpu.memory_space<hbm>> -> memref<8192xf32, #tpu.memory_space<hbm>>
    tpu.enqueue_dma source(%dma_start3A_50 : memref<8192xf32, #tpu.memory_space<hbm>>) target(%arg6 : memref<8192xf32, #tpu.memory_space<vmem>>) target_semaphore(%arg20 : memref<!tpu.dma_semaphore, #tpu.memory_space<semaphore_mem>>)
    %add3A_51 = arith.constant 0 : i32
    %add3A_52 = arith.addi %select_n3A_32, %add3A_51 : i32
    %dma_start3A_53 = arith.constant 2 : i32
    %dma_start3A_54 = tpu.memref_slice %arg2[%dma_start3A_53, %select_n3A, %add3A_52] : memref<5x8x131072xf32, #tpu.memory_space<hbm>> -> memref<1x1x8192xf32, #tpu.memory_space<hbm>>
    %dma_start3A_55 = tpu.memref_squeeze %dma_start3A_54 : memref<1x1x8192xf32, #tpu.memory_space<hbm>> -> memref<8192xf32, #tpu.memory_space<hbm>>
    %dma_start3A_56 = tpu.memref_slice %arg2[%dma_start3A_53, %select_n3A, %add3A_52] : memref<5x8x131072xf32, #tpu.memory_space<hbm>> -> memref<1x1x8192xf32, #tpu.memory_space<hbm>>
    %dma_start3A_57 = tpu.memref_squeeze %dma_start3A_56 : memref<1x1x8192xf32, #tpu.memory_space<hbm>> -> memref<8192xf32, #tpu.memory_space<hbm>>
    tpu.enqueue_dma source(%dma_start3A_57 : memref<8192xf32, #tpu.memory_space<hbm>>) target(%arg7 : memref<8192xf32, #tpu.memory_space<vmem>>) target_semaphore(%arg20 : memref<!tpu.dma_semaphore, #tpu.memory_space<semaphore_mem>>)
    %add3A_58 = arith.constant 0 : i32
    %add3A_59 = arith.addi %select_n3A_32, %add3A_58 : i32
    %dma_start3A_60 = arith.constant 3 : i32
    %dma_start3A_61 = tpu.memref_slice %arg2[%dma_start3A_60, %select_n3A, %add3A_59] : memref<5x8x131072xf32, #tpu.memory_space<hbm>> -> memref<1x1x8192xf32, #tpu.memory_space<hbm>>
    %dma_start3A_62 = tpu.memref_squeeze %dma_start3A_61 : memref<1x1x8192xf32, #tpu.memory_space<hbm>> -> memref<8192xf32, #tpu.memory_space<hbm>>
    %dma_start3A_63 = tpu.memref_slice %arg2[%dma_start3A_60, %select_n3A, %add3A_59] : memref<5x8x131072xf32, #tpu.memory_space<hbm>> -> memref<1x1x8192xf32, #tpu.memory_space<hbm>>
    %dma_start3A_64 = tpu.memref_squeeze %dma_start3A_63 : memref<1x1x8192xf32, #tpu.memory_space<hbm>> -> memref<8192xf32, #tpu.memory_space<hbm>>
    tpu.enqueue_dma source(%dma_start3A_64 : memref<8192xf32, #tpu.memory_space<hbm>>) target(%arg8 : memref<8192xf32, #tpu.memory_space<vmem>>) target_semaphore(%arg20 : memref<!tpu.dma_semaphore, #tpu.memory_space<semaphore_mem>>)
    %parallel_loop3A = arith.constant 0 : i32
    %parallel_loop3A_65 = arith.constant 512 : i32
    %parallel_loop3A_66 = arith.constant 1 : i32
    scf.for %parallel_loop3A_650 = %parallel_loop3A to %parallel_loop3A_65 step %parallel_loop3A_66  : i32 {
      %parallel_loop3A_651 = arith.constant 16 : i32
      %parallel_loop3A_652 = arith.muli %parallel_loop3A_650, %parallel_loop3A_651 : i32
      %parallel_loop3A_653 = arith.index_cast %parallel_loop3A_652 : i32 to index
      %parallel_loop3A_654 = tpu.vector_load %arg19[%parallel_loop3A_653] {strides = array<i32>} : memref<8192xi32, #tpu.memory_space<vmem>>, vector<16xi32>,
      %parallel_loop3A_655 = vector.shape_cast %parallel_loop3A_654 : vector<16xi32> to vector<16xi32>
      %parallel_loop3A_656 = vector.shape_cast %add3A_37 : vector<16xi32> to vector<16xi32>
      tpu.vector_store %arg19[%parallel_loop3A_653], %parallel_loop3A_656 {strides = array<i32>} : memref<8192xi32, #tpu.memory_space<vmem>>, vector<16xi32>,
    } {sc.loop_unroll_factor = 8 : i64, sc.parallel_access}
    %add3A_67 = arith.constant 0 : i32
    %add3A_68 = arith.addi %mul3A_2, %add3A_67 : i32
    %dma_start3A_69 = arith.constant 0 : i32
    %dma_start3A_70 = tpu.memref_slice %arg4[%dma_start3A_69, %add3A_68] : memref<4x1048576xi32, #tpu.memory_space<hbm>> -> memref<1x8192xi32, #tpu.memory_space<hbm>>
    %dma_start3A_71 = tpu.memref_squeeze %dma_start3A_70 : memref<1x8192xi32, #tpu.memory_space<hbm>> -> memref<8192xi32, #tpu.memory_space<hbm>>
    %dma_start3A_72 = tpu.memref_slice %arg4[%dma_start3A_69, %add3A_68] : memref<4x1048576xi32, #tpu.memory_space<hbm>> -> memref<1x8192xi32, #tpu.memory_space<hbm>>
    %dma_start3A_73 = tpu.memref_squeeze %dma_start3A_72 : memref<1x8192xi32, #tpu.memory_space<hbm>> -> memref<8192xi32, #tpu.memory_space<hbm>>
    tpu.enqueue_dma source(%arg19 : memref<8192xi32, #tpu.memory_space<vmem>>) target(%dma_start3A_73 : memref<8192xi32, #tpu.memory_space<hbm>>) target_semaphore(%arg26 : memref<!tpu.dma_semaphore, #tpu.memory_space<semaphore_mem>>)
    %add3A_74 = arith.constant 8192 : i32
    %add3A_75 = arith.addi %mul3A_2, %add3A_74 : i32
    %dma_start3A_76 = arith.constant 0 : i32
    %dma_start3A_77 = tpu.memref_slice %arg4[%dma_start3A_76, %add3A_75] : memref<4x1048576xi32, #tpu.memory_space<hbm>> -> memref<1x8192xi32, #tpu.memory_space<hbm>>
    %dma_start3A_78 = tpu.memref_squeeze %dma_start3A_77 : memref<1x8192xi32, #tpu.memory_space<hbm>> -> memref<8192xi32, #tpu.memory_space<hbm>>
    %dma_start3A_79 = tpu.memref_slice %arg4[%dma_start3A_76, %add3A_75] : memref<4x1048576xi32, #tpu.memory_space<hbm>> -> memref<1x8192xi32, #tpu.memory_space<hbm>>
    %dma_start3A_80 = tpu.memref_squeeze %dma_start3A_79 : memref<1x8192xi32, #tpu.memory_space<hbm>> -> memref<8192xi32, #tpu.memory_space<hbm>>
    tpu.enqueue_dma source(%arg19 : memref<8192xi32, #tpu.memory_space<vmem>>) target(%dma_start3A_80 : memref<8192xi32, #tpu.memory_space<hbm>>) target_semaphore(%arg26 : memref<!tpu.dma_semaphore, #tpu.memory_space<semaphore_mem>>)
    %add3A_81 = arith.constant 16384 : i32
    %add3A_82 = arith.addi %mul3A_2, %add3A_81 : i32
    %dma_start3A_83 = arith.constant 0 : i32
    %dma_start3A_84 = tpu.memref_slice %arg4[%dma_start3A_83, %add3A_82] : memref<4x1048576xi32, #tpu.memory_space<hbm>> -> memref<1x8192xi32, #tpu.memory_space<hbm>>
    %dma_start3A_85 = tpu.memref_squeeze %dma_start3A_84 : memref<1x8192xi32, #tpu.memory_space<hbm>> -> memref<8192xi32, #tpu.memory_space<hbm>>
    %dma_start3A_86 = tpu.memref_slice %arg4[%dma_start3A_83, %add3A_82] : memref<4x1048576xi32, #tpu.memory_space<hbm>> -> memref<1x8192xi32, #tpu.memory_space<hbm>>
    %dma_start3A_87 = tpu.memref_squeeze %dma_start3A_86 : memref<1x8192xi32, #tpu.memory_space<hbm>> -> memref<8192xi32, #tpu.memory_space<hbm>>
    tpu.enqueue_dma source(%arg19 : memref<8192xi32, #tpu.memory_space<vmem>>) target(%dma_start3A_87 : memref<8192xi32, #tpu.memory_space<hbm>>) target_semaphore(%arg26 : memref<!tpu.dma_semaphore, #tpu.memory_space<semaphore_mem>>)
    %add3A_88 = arith.constant 24576 : i32
    %add3A_89 = arith.addi %mul3A_2, %add3A_88 : i32
    %dma_start3A_90 = arith.constant 0 : i32
    %dma_start3A_91 = tpu.memref_slice %arg4[%dma_start3A_90, %add3A_89] : memref<4x1048576xi32, #tpu.memory_space<hbm>> -> memref<1x8192xi32, #tpu.memory_space<hbm>>
    %dma_start3A_92 = tpu.memref_squeeze %dma_start3A_91 : memref<1x8192xi32, #tpu.memory_space<hbm>> -> memref<8192xi32, #tpu.memory_space<hbm>>
    %dma_start3A_93 = tpu.memref_slice %arg4[%dma_start3A_90, %add3A_89] : memref<4x1048576xi32, #tpu.memory_space<hbm>> -> memref<1x8192xi32, #tpu.memory_space<hbm>>
    %dma_start3A_94 = tpu.memref_squeeze %dma_start3A_93 : memref<1x8192xi32, #tpu.memory_space<hbm>> -> memref<8192xi32, #tpu.memory_space<hbm>>
    tpu.enqueue_dma source(%arg19 : memref<8192xi32, #tpu.memory_space<vmem>>) target(%dma_start3A_94 : memref<8192xi32, #tpu.memory_space<hbm>>) target_semaphore(%arg26 : memref<!tpu.dma_semaphore, #tpu.memory_space<semaphore_mem>>)
    %add3A_95 = arith.constant 8192 : i32
    %add3A_96 = arith.addi %select_n3A_32, %add3A_95 : i32
    %dma_start3A_97 = arith.constant 0 : i32
    %dma_start3A_98 = tpu.memref_slice %arg2[%dma_start3A_97, %select_n3A, %add3A_96] : memref<5x8x131072xf32, #tpu.memory_space<hbm>> -> memref<1x1x8192xf32, #tpu.memory_space<hbm>>
    %dma_start3A_99 = tpu.memref_squeeze %dma_start3A_98 : memref<1x1x8192xf32, #tpu.memory_space<hbm>> -> memref<8192xf32, #tpu.memory_space<hbm>>
    %dma_start3A_100 = tpu.memref_slice %arg2[%dma_start3A_97, %select_n3A, %add3A_96] : memref<5x8x131072xf32, #tpu.memory_space<hbm>> -> memref<1x1x8192xf32, #tpu.memory_space<hbm>>
    %dma_start3A_101 = tpu.memref_squeeze %dma_start3A_100 : memref<1x1x8192xf32, #tpu.memory_space<hbm>> -> memref<8192xf32, #tpu.memory_space<hbm>>
    tpu.enqueue_dma source(%dma_start3A_101 : memref<8192xf32, #tpu.memory_space<hbm>>) target(%arg9 : memref<8192xf32, #tpu.memory_space<vmem>>) target_semaphore(%arg21 : memref<!tpu.dma_semaphore, #tpu.memory_space<semaphore_mem>>)
    %add3A_102 = arith.constant 8192 : i32
    %add3A_103 = arith.addi %select_n3A_32, %add3A_102 : i32
    %dma_start3A_104 = arith.constant 1 : i32
    %dma_start3A_105 = tpu.memref_slice %arg2[%dma_start3A_104, %select_n3A, %add3A_103] : memref<5x8x131072xf32, #tpu.memory_space<hbm>> -> memref<1x1x8192xf32, #tpu.memory_space<hbm>>
    %dma_start3A_106 = tpu.memref_squeeze %dma_start3A_105 : memref<1x1x8192xf32, #tpu.memory_space<hbm>> -> memref<8192xf32, #tpu.memory_space<hbm>>
    %dma_start3A_107 = tpu.memref_slice %arg2[%dma_start3A_104, %select_n3A, %add3A_103] : memref<5x8x131072xf32, #tpu.memory_space<hbm>> -> memref<1x1x8192xf32, #tpu.memory_space<hbm>>
    %dma_start3A_108 = tpu.memref_squeeze %dma_start3A_107 : memref<1x1x8192xf32, #tpu.memory_space<hbm>> -> memref<8192xf32, #tpu.memory_space<hbm>>
    tpu.enqueue_dma source(%dma_start3A_108 : memref<8192xf32, #tpu.memory_space<hbm>>) target(%arg10 : memref<8192xf32, #tpu.memory_space<vmem>>) target_semaphore(%arg21 : memref<!tpu.dma_semaphore, #tpu.memory_space<semaphore_mem>>)
    %add3A_109 = arith.constant 8192 : i32
    %add3A_110 = arith.addi %select_n3A_32, %add3A_109 : i32
    %dma_start3A_111 = arith.constant 2 : i32
    %dma_start3A_112 = tpu.memref_slice %arg2[%dma_start3A_111, %select_n3A, %add3A_110] : memref<5x8x131072xf32, #tpu.memory_space<hbm>> -> memref<1x1x8192xf32, #tpu.memory_space<hbm>>
    %dma_start3A_113 = tpu.memref_squeeze %dma_start3A_112 : memref<1x1x8192xf32, #tpu.memory_space<hbm>> -> memref<8192xf32, #tpu.memory_space<hbm>>
    %dma_start3A_114 = tpu.memref_slice %arg2[%dma_start3A_111, %select_n3A, %add3A_110] : memref<5x8x131072xf32, #tpu.memory_space<hbm>> -> memref<1x1x8192xf32, #tpu.memory_space<hbm>>
    %dma_start3A_115 = tpu.memref_squeeze %dma_start3A_114 : memref<1x1x8192xf32, #tpu.memory_space<hbm>> -> memref<8192xf32, #tpu.memory_space<hbm>>
    tpu.enqueue_dma source(%dma_start3A_115 : memref<8192xf32, #tpu.memory_space<hbm>>) target(%arg11 : memref<8192xf32, #tpu.memory_space<vmem>>) target_semaphore(%arg21 : memref<!tpu.dma_semaphore, #tpu.memory_space<semaphore_mem>>)
    %add3A_116 = arith.constant 8192 : i32
    %add3A_117 = arith.addi %select_n3A_32, %add3A_116 : i32
    %dma_start3A_118 = arith.constant 3 : i32
    %dma_start3A_119 = tpu.memref_slice %arg2[%dma_start3A_118, %select_n3A, %add3A_117] : memref<5x8x131072xf32, #tpu.memory_space<hbm>> -> memref<1x1x8192xf32, #tpu.memory_space<hbm>>
    %dma_start3A_120 = tpu.memref_squeeze %dma_start3A_119 : memref<1x1x8192xf32, #tpu.memory_space<hbm>> -> memref<8192xf32, #tpu.memory_space<hbm>>
    %dma_start3A_121 = tpu.memref_slice %arg2[%dma_start3A_118, %select_n3A, %add3A_117] : memref<5x8x131072xf32, #tpu.memory_space<hbm>> -> memref<1x1x8192xf32, #tpu.memory_space<hbm>>
    %dma_start3A_122 = tpu.memref_squeeze %dma_start3A_121 : memref<1x1x8192xf32, #tpu.memory_space<hbm>> -> memref<8192xf32, #tpu.memory_space<hbm>>
    tpu.enqueue_dma source(%dma_start3A_122 : memref<8192xf32, #tpu.memory_space<hbm>>) target(%arg12 : memref<8192xf32, #tpu.memory_space<vmem>>) target_semaphore(%arg21 : memref<!tpu.dma_semaphore, #tpu.memory_space<semaphore_mem>>)
    %dma_wait3A = arith.constant 0 : i32
    %dma_wait3A_123 = tpu.memref_slice %arg2[%dma_wait3A, %select_n3A, %add3A_39] : memref<5x8x131072xf32, #tpu.memory_space<hbm>> -> memref<1x1x8192xf32, #tpu.memory_space<hbm>>
    %dma_wait3A_124 = tpu.memref_squeeze %dma_wait3A_123 : memref<1x1x8192xf32, #tpu.memory_space<hbm>> -> memref<8192xf32, #tpu.memory_space<hbm>>
    %dma_wait3A_125 = tpu.memref_slice %arg2[%dma_wait3A, %select_n3A, %add3A_39] : memref<5x8x131072xf32, #tpu.memory_space<hbm>> -> memref<1x1x8192xf32, #tpu.memory_space<hbm>>
    %dma_wait3A_126 = tpu.memref_squeeze %dma_wait3A_125 : memref<1x1x8192xf32, #tpu.memory_space<hbm>> -> memref<8192xf32, #tpu.memory_space<hbm>>
    tpu.wait_dma2 semaphore(%arg20 : memref<!tpu.dma_semaphore, #tpu.memory_space<semaphore_mem>>) src(%dma_wait3A_126 : memref<8192xf32, #tpu.memory_space<hbm>>) dst(%arg5 : memref<8192xf32, #tpu.memory_space<vmem>>)
    %add3A_127 = arith.constant 0 : i32
    %add3A_128 = arith.addi %mul3A_2, %add3A_127 : i32
    %dma_start3A_129 = arith.constant 0 : i32
    %dma_start3A_130 = tpu.memref_slice %arg3[%dma_start3A_129, %add3A_128] : memref<4x1048576xf32, #tpu.memory_space<hbm>> -> memref<1x8192xf32, #tpu.memory_space<hbm>>
    %dma_start3A_131 = tpu.memref_squeeze %dma_start3A_130 : memref<1x8192xf32, #tpu.memory_space<hbm>> -> memref<8192xf32, #tpu.memory_space<hbm>>
    %dma_start3A_132 = tpu.memref_slice %arg3[%dma_start3A_129, %add3A_128] : memref<4x1048576xf32, #tpu.memory_space<hbm>> -> memref<1x8192xf32, #tpu.memory_space<hbm>>
    %dma_start3A_133 = tpu.memref_squeeze %dma_start3A_132 : memref<1x8192xf32, #tpu.memory_space<hbm>> -> memref<8192xf32, #tpu.memory_space<hbm>>
    tpu.enqueue_dma source(%arg5 : memref<8192xf32, #tpu.memory_space<vmem>>) target(%dma_start3A_133 : memref<8192xf32, #tpu.memory_space<hbm>>) target_semaphore(%arg22 : memref<!tpu.dma_semaphore, #tpu.memory_space<semaphore_mem>>)
    %parallel_loop3A_134 = arith.constant 0 : i32
    %parallel_loop3A_135 = arith.constant 512 : i32
    %parallel_loop3A_136 = arith.constant 1 : i32
    scf.for %parallel_loop3A_650 = %parallel_loop3A_134 to %parallel_loop3A_135 step %parallel_loop3A_136  : i32 {
      %parallel_loop3A_651 = arith.constant 16 : i32
      %parallel_loop3A_652 = arith.muli %parallel_loop3A_650, %parallel_loop3A_651 : i32
      %parallel_loop3A_653 = arith.index_cast %parallel_loop3A_652 : i32 to index
      %parallel_loop3A_654 = tpu.vector_load %arg5[%parallel_loop3A_653] {strides = array<i32>} : memref<8192xf32, #tpu.memory_space<vmem>>, vector<16xf32>,
      %parallel_loop3A_655 = vector.shape_cast %parallel_loop3A_654 : vector<16xf32> to vector<16xf32>
      %parallel_loop3A_656 = arith.constant 0.000000e+00 : f32
      %parallel_loop3A_657 = vector.broadcast %parallel_loop3A_656 : f32 to vector<16xf32>
      %parallel_loop3A_658 = arith.subf %parallel_loop3A_655, %parallel_loop3A_657 : vector<16xf32>
      %parallel_loop3A_659 = arith.constant 2.500000e+00 : f32
      %parallel_loop3A_660 = vector.broadcast %parallel_loop3A_659 : f32 to vector<16xf32>
      %parallel_loop3A_661 = arith.mulf %parallel_loop3A_658, %parallel_loop3A_660 : vector<16xf32>
      %parallel_loop3A_662 = arith.fptosi %parallel_loop3A_661 : vector<16xf32> to vector<16xi32>
      %parallel_loop3A_663 = arith.sitofp %parallel_loop3A_662 : vector<16xi32> to vector<16xf32>
      %parallel_loop3A_664 = arith.cmpf ogt, %parallel_loop3A_661, %parallel_loop3A_663 : vector<16xf32>
      %parallel_loop3A_665 = arith.select %parallel_loop3A_664, %broadcast_in_dim3A_33, %broadcast_in_dim3A_35 : vector<16xi1>, vector<16xi32>
      %parallel_loop3A_666 = arith.addi %parallel_loop3A_662, %parallel_loop3A_665 : vector<16xi32>
      %parallel_loop3A_667 = arith.index_cast %parallel_loop3A_652 : i32 to index
      %parallel_loop3A_668 = tpu.vector_load %arg13[%parallel_loop3A_667] {strides = array<i32>} : memref<8192xi32, #tpu.memory_space<vmem>>, vector<16xi32>,
      %parallel_loop3A_669 = vector.shape_cast %parallel_loop3A_668 : vector<16xi32> to vector<16xi32>
      %parallel_loop3A_670 = vector.shape_cast %parallel_loop3A_666 : vector<16xi32> to vector<16xi32>
      tpu.vector_store %arg13[%parallel_loop3A_667], %parallel_loop3A_670 {strides = array<i32>} : memref<8192xi32, #tpu.memory_space<vmem>>, vector<16xi32>,
    } {sc.loop_unroll_factor = 4 : i64, sc.parallel_access}
    %add3A_137 = arith.constant 0 : i32
    %add3A_138 = arith.addi %mul3A_2, %add3A_137 : i32
    %dma_start3A_139 = arith.constant 3 : i32
    %dma_start3A_140 = tpu.memref_slice %arg4[%dma_start3A_139, %add3A_138] : memref<4x1048576xi32, #tpu.memory_space<hbm>> -> memref<1x8192xi32, #tpu.memory_space<hbm>>
    %dma_start3A_141 = tpu.memref_squeeze %dma_start3A_140 : memref<1x8192xi32, #tpu.memory_space<hbm>> -> memref<8192xi32, #tpu.memory_space<hbm>>
    %dma_start3A_142 = tpu.memref_slice %arg4[%dma_start3A_139, %add3A_138] : memref<4x1048576xi32, #tpu.memory_space<hbm>> -> memref<1x8192xi32, #tpu.memory_space<hbm>>
    %dma_start3A_143 = tpu.memref_squeeze %dma_start3A_142 : memref<1x8192xi32, #tpu.memory_space<hbm>> -> memref<8192xi32, #tpu.memory_space<hbm>>
    tpu.enqueue_dma source(%arg13 : memref<8192xi32, #tpu.memory_space<vmem>>) target(%dma_start3A_143 : memref<8192xi32, #tpu.memory_space<hbm>>) target_semaphore(%arg24 : memref<!tpu.dma_semaphore, #tpu.memory_space<semaphore_mem>>)
    %dma_wait3A_144 = arith.constant 1 : i32
    %dma_wait3A_145 = tpu.memref_slice %arg2[%dma_wait3A_144, %select_n3A, %add3A_45] : memref<5x8x131072xf32, #tpu.memory_space<hbm>> -> memref<1x1x8192xf32, #tpu.memory_space<hbm>>
    %dma_wait3A_146 = tpu.memref_squeeze %dma_wait3A_145 : memref<1x1x8192xf32, #tpu.memory_space<hbm>> -> memref<8192xf32, #tpu.memory_space<hbm>>
    %dma_wait3A_147 = tpu.memref_slice %arg2[%dma_wait3A_144, %select_n3A, %add3A_45] : memref<5x8x131072xf32, #tpu.memory_space<hbm>> -> memref<1x1x8192xf32, #tpu.memory_space<hbm>>
    %dma_wait3A_148 = tpu.memref_squeeze %dma_wait3A_147 : memref<1x1x8192xf32, #tpu.memory_space<hbm>> -> memref<8192xf32, #tpu.memory_space<hbm>>
    tpu.wait_dma2 semaphore(%arg20 : memref<!tpu.dma_semaphore, #tpu.memory_space<semaphore_mem>>) src(%dma_wait3A_148 : memref<8192xf32, #tpu.memory_space<hbm>>) dst(%arg6 : memref<8192xf32, #tpu.memory_space<vmem>>)
    %add3A_149 = arith.constant 0 : i32
    %add3A_150 = arith.addi %mul3A_2, %add3A_149 : i32
    %dma_start3A_151 = arith.constant 1 : i32
    %dma_start3A_152 = tpu.memref_slice %arg3[%dma_start3A_151, %add3A_150] : memref<4x1048576xf32, #tpu.memory_space<hbm>> -> memref<1x8192xf32, #tpu.memory_space<hbm>>
    %dma_start3A_153 = tpu.memref_squeeze %dma_start3A_152 : memref<1x8192xf32, #tpu.memory_space<hbm>> -> memref<8192xf32, #tpu.memory_space<hbm>>
    %dma_start3A_154 = tpu.memref_slice %arg3[%dma_start3A_151, %add3A_150] : memref<4x1048576xf32, #tpu.memory_space<hbm>> -> memref<1x8192xf32, #tpu.memory_space<hbm>>
    %dma_start3A_155 = tpu.memref_squeeze %dma_start3A_154 : memref<1x8192xf32, #tpu.memory_space<hbm>> -> memref<8192xf32, #tpu.memory_space<hbm>>
    tpu.enqueue_dma source(%arg6 : memref<8192xf32, #tpu.memory_space<vmem>>) target(%dma_start3A_155 : memref<8192xf32, #tpu.memory_space<hbm>>) target_semaphore(%arg22 : memref<!tpu.dma_semaphore, #tpu.memory_space<semaphore_mem>>)
    %parallel_loop3A_156 = arith.constant 0 : i32
    %parallel_loop3A_157 = arith.constant 512 : i32
    %parallel_loop3A_158 = arith.constant 1 : i32
    scf.for %parallel_loop3A_650 = %parallel_loop3A_156 to %parallel_loop3A_157 step %parallel_loop3A_158  : i32 {
      %parallel_loop3A_651 = arith.constant 16 : i32
      %parallel_loop3A_652 = arith.muli %parallel_loop3A_650, %parallel_loop3A_651 : i32
      %parallel_loop3A_653 = arith.index_cast %parallel_loop3A_652 : i32 to index
      %parallel_loop3A_654 = tpu.vector_load %arg6[%parallel_loop3A_653] {strides = array<i32>} : memref<8192xf32, #tpu.memory_space<vmem>>, vector<16xf32>,
      %parallel_loop3A_655 = vector.shape_cast %parallel_loop3A_654 : vector<16xf32> to vector<16xf32>
      %parallel_loop3A_656 = arith.constant -5.000000e+01 : f32
      %parallel_loop3A_657 = vector.broadcast %parallel_loop3A_656 : f32 to vector<16xf32>
      %parallel_loop3A_658 = arith.subf %parallel_loop3A_655, %parallel_loop3A_657 : vector<16xf32>
      %parallel_loop3A_659 = arith.constant 2.500000e+00 : f32
      %parallel_loop3A_660 = vector.broadcast %parallel_loop3A_659 : f32 to vector<16xf32>
      %parallel_loop3A_661 = arith.mulf %parallel_loop3A_658, %parallel_loop3A_660 : vector<16xf32>
      %parallel_loop3A_662 = arith.fptosi %parallel_loop3A_661 : vector<16xf32> to vector<16xi32>
      %parallel_loop3A_663 = arith.sitofp %parallel_loop3A_662 : vector<16xi32> to vector<16xf32>
      %parallel_loop3A_664 = arith.cmpf ogt, %parallel_loop3A_661, %parallel_loop3A_663 : vector<16xf32>
      %parallel_loop3A_665 = arith.select %parallel_loop3A_664, %broadcast_in_dim3A_33, %broadcast_in_dim3A_35 : vector<16xi1>, vector<16xi32>
      %parallel_loop3A_666 = arith.addi %parallel_loop3A_662, %parallel_loop3A_665 : vector<16xi32>
      %parallel_loop3A_667 = arith.index_cast %parallel_loop3A_652 : i32 to index
      %parallel_loop3A_668 = tpu.vector_load %arg14[%parallel_loop3A_667] {strides = array<i32>} : memref<8192xi32, #tpu.memory_space<vmem>>, vector<16xi32>,
      %parallel_loop3A_669 = vector.shape_cast %parallel_loop3A_668 : vector<16xi32> to vector<16xi32>
      %parallel_loop3A_670 = vector.shape_cast %parallel_loop3A_666 : vector<16xi32> to vector<16xi32>
      tpu.vector_store %arg14[%parallel_loop3A_667], %parallel_loop3A_670 {strides = array<i32>} : memref<8192xi32, #tpu.memory_space<vmem>>, vector<16xi32>,
    } {sc.loop_unroll_factor = 4 : i64, sc.parallel_access}
    %add3A_159 = arith.constant 0 : i32
    %add3A_160 = arith.addi %mul3A_2, %add3A_159 : i32
    %dma_start3A_161 = arith.constant 2 : i32
    %dma_start3A_162 = tpu.memref_slice %arg4[%dma_start3A_161, %add3A_160] : memref<4x1048576xi32, #tpu.memory_space<hbm>> -> memref<1x8192xi32, #tpu.memory_space<hbm>>
    %dma_start3A_163 = tpu.memref_squeeze %dma_start3A_162 : memref<1x8192xi32, #tpu.memory_space<hbm>> -> memref<8192xi32, #tpu.memory_space<hbm>>
    %dma_start3A_164 = tpu.memref_slice %arg4[%dma_start3A_161, %add3A_160] : memref<4x1048576xi32, #tpu.memory_space<hbm>> -> memref<1x8192xi32, #tpu.memory_space<hbm>>
    %dma_start3A_165 = tpu.memref_squeeze %dma_start3A_164 : memref<1x8192xi32, #tpu.memory_space<hbm>> -> memref<8192xi32, #tpu.memory_space<hbm>>
    tpu.enqueue_dma source(%arg14 : memref<8192xi32, #tpu.memory_space<vmem>>) target(%dma_start3A_165 : memref<8192xi32, #tpu.memory_space<hbm>>) target_semaphore(%arg24 : memref<!tpu.dma_semaphore, #tpu.memory_space<semaphore_mem>>)
    %dma_wait3A_166 = arith.constant 2 : i32
    %dma_wait3A_167 = tpu.memref_slice %arg2[%dma_wait3A_166, %select_n3A, %add3A_52] : memref<5x8x131072xf32, #tpu.memory_space<hbm>> -> memref<1x1x8192xf32, #tpu.memory_space<hbm>>
    %dma_wait3A_168 = tpu.memref_squeeze %dma_wait3A_167 : memref<1x1x8192xf32, #tpu.memory_space<hbm>> -> memref<8192xf32, #tpu.memory_space<hbm>>
    %dma_wait3A_169 = tpu.memref_slice %arg2[%dma_wait3A_166, %select_n3A, %add3A_52] : memref<5x8x131072xf32, #tpu.memory_space<hbm>> -> memref<1x1x8192xf32, #tpu.memory_space<hbm>>
    %dma_wait3A_170 = tpu.memref_squeeze %dma_wait3A_169 : memref<1x1x8192xf32, #tpu.memory_space<hbm>> -> memref<8192xf32, #tpu.memory_space<hbm>>
    tpu.wait_dma2 semaphore(%arg20 : memref<!tpu.dma_semaphore, #tpu.memory_space<semaphore_mem>>) src(%dma_wait3A_170 : memref<8192xf32, #tpu.memory_space<hbm>>) dst(%arg7 : memref<8192xf32, #tpu.memory_space<vmem>>)
    %add3A_171 = arith.constant 0 : i32
    %add3A_172 = arith.addi %mul3A_2, %add3A_171 : i32
    %dma_start3A_173 = arith.constant 2 : i32
    %dma_start3A_174 = tpu.memref_slice %arg3[%dma_start3A_173, %add3A_172] : memref<4x1048576xf32, #tpu.memory_space<hbm>> -> memref<1x8192xf32, #tpu.memory_space<hbm>>
    %dma_start3A_175 = tpu.memref_squeeze %dma_start3A_174 : memref<1x8192xf32, #tpu.memory_space<hbm>> -> memref<8192xf32, #tpu.memory_space<hbm>>
    %dma_start3A_176 = tpu.memref_slice %arg3[%dma_start3A_173, %add3A_172] : memref<4x1048576xf32, #tpu.memory_space<hbm>> -> memref<1x8192xf32, #tpu.memory_space<hbm>>
    %dma_start3A_177 = tpu.memref_squeeze %dma_start3A_176 : memref<1x8192xf32, #tpu.memory_space<hbm>> -> memref<8192xf32, #tpu.memory_space<hbm>>
    tpu.enqueue_dma source(%arg7 : memref<8192xf32, #tpu.memory_space<vmem>>) target(%dma_start3A_177 : memref<8192xf32, #tpu.memory_space<hbm>>) target_semaphore(%arg22 : memref<!tpu.dma_semaphore, #tpu.memory_space<semaphore_mem>>)
    %parallel_loop3A_178 = arith.constant 0 : i32
    %parallel_loop3A_179 = arith.constant 512 : i32
    %parallel_loop3A_180 = arith.constant 1 : i32
    scf.for %parallel_loop3A_650 = %parallel_loop3A_178 to %parallel_loop3A_179 step %parallel_loop3A_180  : i32 {
      %parallel_loop3A_651 = arith.constant 16 : i32
      %parallel_loop3A_652 = arith.muli %parallel_loop3A_650, %parallel_loop3A_651 : i32
      %parallel_loop3A_653 = arith.index_cast %parallel_loop3A_652 : i32 to index
      %parallel_loop3A_654 = tpu.vector_load %arg7[%parallel_loop3A_653] {strides = array<i32>} : memref<8192xf32, #tpu.memory_space<vmem>>, vector<16xf32>,
      %parallel_loop3A_655 = vector.shape_cast %parallel_loop3A_654 : vector<16xf32> to vector<16xf32>
      %parallel_loop3A_656 = arith.constant -2.000000e+00 : f32
      %parallel_loop3A_657 = vector.broadcast %parallel_loop3A_656 : f32 to vector<16xf32>
      %parallel_loop3A_658 = arith.subf %parallel_loop3A_655, %parallel_loop3A_657 : vector<16xf32>
      %parallel_loop3A_659 = arith.constant 2.500000e+00 : f32
      %parallel_loop3A_660 = vector.broadcast %parallel_loop3A_659 : f32 to vector<16xf32>
      %parallel_loop3A_661 = arith.mulf %parallel_loop3A_658, %parallel_loop3A_660 : vector<16xf32>
      %parallel_loop3A_662 = arith.fptosi %parallel_loop3A_661 : vector<16xf32> to vector<16xi32>
      %parallel_loop3A_663 = arith.sitofp %parallel_loop3A_662 : vector<16xi32> to vector<16xf32>
      %parallel_loop3A_664 = arith.cmpf ogt, %parallel_loop3A_661, %parallel_loop3A_663 : vector<16xf32>
      %parallel_loop3A_665 = arith.select %parallel_loop3A_664, %broadcast_in_dim3A_33, %broadcast_in_dim3A_35 : vector<16xi1>, vector<16xi32>
      %parallel_loop3A_666 = arith.addi %parallel_loop3A_662, %parallel_loop3A_665 : vector<16xi32>
      %parallel_loop3A_667 = arith.index_cast %parallel_loop3A_652 : i32 to index
      %parallel_loop3A_668 = tpu.vector_load %arg15[%parallel_loop3A_667] {strides = array<i32>} : memref<8192xi32, #tpu.memory_space<vmem>>, vector<16xi32>,
      %parallel_loop3A_669 = vector.shape_cast %parallel_loop3A_668 : vector<16xi32> to vector<16xi32>
      %parallel_loop3A_670 = vector.shape_cast %parallel_loop3A_666 : vector<16xi32> to vector<16xi32>
      tpu.vector_store %arg15[%parallel_loop3A_667], %parallel_loop3A_670 {strides = array<i32>} : memref<8192xi32, #tpu.memory_space<vmem>>, vector<16xi32>,
    } {sc.loop_unroll_factor = 4 : i64, sc.parallel_access}
    %add3A_181 = arith.constant 0 : i32
    %add3A_182 = arith.addi %mul3A_2, %add3A_181 : i32
    %dma_start3A_183 = arith.constant 1 : i32
    %dma_start3A_184 = tpu.memref_slice %arg4[%dma_start3A_183, %add3A_182] : memref<4x1048576xi32, #tpu.memory_space<hbm>> -> memref<1x8192xi32, #tpu.memory_space<hbm>>
    %dma_start3A_185 = tpu.memref_squeeze %dma_start3A_184 : memref<1x8192xi32, #tpu.memory_space<hbm>> -> memref<8192xi32, #tpu.memory_space<hbm>>
    %dma_start3A_186 = tpu.memref_slice %arg4[%dma_start3A_183, %add3A_182] : memref<4x1048576xi32, #tpu.memory_space<hbm>> -> memref<1x8192xi32, #tpu.memory_space<hbm>>
    %dma_start3A_187 = tpu.memref_squeeze %dma_start3A_186 : memref<1x8192xi32, #tpu.memory_space<hbm>> -> memref<8192xi32, #tpu.memory_space<hbm>>
    tpu.enqueue_dma source(%arg15 : memref<8192xi32, #tpu.memory_space<vmem>>) target(%dma_start3A_187 : memref<8192xi32, #tpu.memory_space<hbm>>) target_semaphore(%arg24 : memref<!tpu.dma_semaphore, #tpu.memory_space<semaphore_mem>>)
    %dma_wait3A_188 = arith.constant 3 : i32
    %dma_wait3A_189 = tpu.memref_slice %arg2[%dma_wait3A_188, %select_n3A, %add3A_59] : memref<5x8x131072xf32, #tpu.memory_space<hbm>> -> memref<1x1x8192xf32, #tpu.memory_space<hbm>>
    %dma_wait3A_190 = tpu.memref_squeeze %dma_wait3A_189 : memref<1x1x8192xf32, #tpu.memory_space<hbm>> -> memref<8192xf32, #tpu.memory_space<hbm>>
    %dma_wait3A_191 = tpu.memref_slice %arg2[%dma_wait3A_188, %select_n3A, %add3A_59] : memref<5x8x131072xf32, #tpu.memory_space<hbm>> -> memref<1x1x8192xf32, #tpu.memory_space<hbm>>
    %dma_wait3A_192 = tpu.memref_squeeze %dma_wait3A_191 : memref<1x1x8192xf32, #tpu.memory_space<hbm>> -> memref<8192xf32, #tpu.memory_space<hbm>>
    tpu.wait_dma2 semaphore(%arg20 : memref<!tpu.dma_semaphore, #tpu.memory_space<semaphore_mem>>) src(%dma_wait3A_192 : memref<8192xf32, #tpu.memory_space<hbm>>) dst(%arg8 : memref<8192xf32, #tpu.memory_space<vmem>>)
    %add3A_193 = arith.constant 0 : i32
    %add3A_194 = arith.addi %mul3A_2, %add3A_193 : i32
    %dma_start3A_195 = arith.constant 3 : i32
    %dma_start3A_196 = tpu.memref_slice %arg3[%dma_start3A_195, %add3A_194] : memref<4x1048576xf32, #tpu.memory_space<hbm>> -> memref<1x8192xf32, #tpu.memory_space<hbm>>
    %dma_start3A_197 = tpu.memref_squeeze %dma_start3A_196 : memref<1x8192xf32, #tpu.memory_space<hbm>> -> memref<8192xf32, #tpu.memory_space<hbm>>
    %dma_start3A_198 = tpu.memref_slice %arg3[%dma_start3A_195, %add3A_194] : memref<4x1048576xf32, #tpu.memory_space<hbm>> -> memref<1x8192xf32, #tpu.memory_space<hbm>>
    %dma_start3A_199 = tpu.memref_squeeze %dma_start3A_198 : memref<1x8192xf32, #tpu.memory_space<hbm>> -> memref<8192xf32, #tpu.memory_space<hbm>>
    tpu.enqueue_dma source(%arg8 : memref<8192xf32, #tpu.memory_space<vmem>>) target(%dma_start3A_199 : memref<8192xf32, #tpu.memory_space<hbm>>) target_semaphore(%arg22 : memref<!tpu.dma_semaphore, #tpu.memory_space<semaphore_mem>>)
    %dma_wait3A_200 = arith.constant 0 : i32
    %dma_wait3A_201 = tpu.memref_slice %arg3[%dma_wait3A_200, %add3A_128] : memref<4x1048576xf32, #tpu.memory_space<hbm>> -> memref<1x8192xf32, #tpu.memory_space<hbm>>
    %dma_wait3A_202 = tpu.memref_squeeze %dma_wait3A_201 : memref<1x8192xf32, #tpu.memory_space<hbm>> -> memref<8192xf32, #tpu.memory_space<hbm>>
    %dma_wait3A_203 = tpu.memref_slice %arg3[%dma_wait3A_200, %add3A_128] : memref<4x1048576xf32, #tpu.memory_space<hbm>> -> memref<1x8192xf32, #tpu.memory_space<hbm>>
    %dma_wait3A_204 = tpu.memref_squeeze %dma_wait3A_203 : memref<1x8192xf32, #tpu.memory_space<hbm>> -> memref<8192xf32, #tpu.memory_space<hbm>>
    tpu.wait_dma2 semaphore(%arg22 : memref<!tpu.dma_semaphore, #tpu.memory_space<semaphore_mem>>) src(%arg5 : memref<8192xf32, #tpu.memory_space<vmem>>) dst(%dma_wait3A_204 : memref<8192xf32, #tpu.memory_space<hbm>>)
    %dma_wait3A_205 = arith.constant 3 : i32
    %dma_wait3A_206 = tpu.memref_slice %arg4[%dma_wait3A_205, %add3A_138] : memref<4x1048576xi32, #tpu.memory_space<hbm>> -> memref<1x8192xi32, #tpu.memory_space<hbm>>
    %dma_wait3A_207 = tpu.memref_squeeze %dma_wait3A_206 : memref<1x8192xi32, #tpu.memory_space<hbm>> -> memref<8192xi32, #tpu.memory_space<hbm>>
    %dma_wait3A_208 = tpu.memref_slice %arg4[%dma_wait3A_205, %add3A_138] : memref<4x1048576xi32, #tpu.memory_space<hbm>> -> memref<1x8192xi32, #tpu.memory_space<hbm>>
    %dma_wait3A_209 = tpu.memref_squeeze %dma_wait3A_208 : memref<1x8192xi32, #tpu.memory_space<hbm>> -> memref<8192xi32, #tpu.memory_space<hbm>>
    tpu.wait_dma2 semaphore(%arg24 : memref<!tpu.dma_semaphore, #tpu.memory_space<semaphore_mem>>) src(%arg13 : memref<8192xi32, #tpu.memory_space<vmem>>) dst(%dma_wait3A_209 : memref<8192xi32, #tpu.memory_space<hbm>>)
    %dma_wait3A_210 = arith.constant 1 : i32
    %dma_wait3A_211 = tpu.memref_slice %arg3[%dma_wait3A_210, %add3A_150] : memref<4x1048576xf32, #tpu.memory_space<hbm>> -> memref<1x8192xf32, #tpu.memory_space<hbm>>
    %dma_wait3A_212 = tpu.memref_squeeze %dma_wait3A_211 : memref<1x8192xf32, #tpu.memory_space<hbm>> -> memref<8192xf32, #tpu.memory_space<hbm>>
    %dma_wait3A_213 = tpu.memref_slice %arg3[%dma_wait3A_210, %add3A_150] : memref<4x1048576xf32, #tpu.memory_space<hbm>> -> memref<1x8192xf32, #tpu.memory_space<hbm>>
    %dma_wait3A_214 = tpu.memref_squeeze %dma_wait3A_213 : memref<1x8192xf32, #tpu.memory_space<hbm>> -> memref<8192xf32, #tpu.memory_space<hbm>>
    tpu.wait_dma2 semaphore(%arg22 : memref<!tpu.dma_semaphore, #tpu.memory_space<semaphore_mem>>) src(%arg6 : memref<8192xf32, #tpu.memory_space<vmem>>) dst(%dma_wait3A_214 : memref<8192xf32, #tpu.memory_space<hbm>>)
    %dma_wait3A_215 = arith.constant 2 : i32
    %dma_wait3A_216 = tpu.memref_slice %arg4[%dma_wait3A_215, %add3A_160] : memref<4x1048576xi32, #tpu.memory_space<hbm>> -> memref<1x8192xi32, #tpu.memory_space<hbm>>
    %dma_wait3A_217 = tpu.memref_squeeze %dma_wait3A_216 : memref<1x8192xi32, #tpu.memory_space<hbm>> -> memref<8192xi32, #tpu.memory_space<hbm>>
    %dma_wait3A_218 = tpu.memref_slice %arg4[%dma_wait3A_215, %add3A_160] : memref<4x1048576xi32, #tpu.memory_space<hbm>> -> memref<1x8192xi32, #tpu.memory_space<hbm>>
    %dma_wait3A_219 = tpu.memref_squeeze %dma_wait3A_218 : memref<1x8192xi32, #tpu.memory_space<hbm>> -> memref<8192xi32, #tpu.memory_space<hbm>>
    tpu.wait_dma2 semaphore(%arg24 : memref<!tpu.dma_semaphore, #tpu.memory_space<semaphore_mem>>) src(%arg14 : memref<8192xi32, #tpu.memory_space<vmem>>) dst(%dma_wait3A_219 : memref<8192xi32, #tpu.memory_space<hbm>>)
    %dma_wait3A_220 = arith.constant 2 : i32
    %dma_wait3A_221 = tpu.memref_slice %arg3[%dma_wait3A_220, %add3A_172] : memref<4x1048576xf32, #tpu.memory_space<hbm>> -> memref<1x8192xf32, #tpu.memory_space<hbm>>
    %dma_wait3A_222 = tpu.memref_squeeze %dma_wait3A_221 : memref<1x8192xf32, #tpu.memory_space<hbm>> -> memref<8192xf32, #tpu.memory_space<hbm>>
    %dma_wait3A_223 = tpu.memref_slice %arg3[%dma_wait3A_220, %add3A_172] : memref<4x1048576xf32, #tpu.memory_space<hbm>> -> memref<1x8192xf32, #tpu.memory_space<hbm>>
    %dma_wait3A_224 = tpu.memref_squeeze %dma_wait3A_223 : memref<1x8192xf32, #tpu.memory_space<hbm>> -> memref<8192xf32, #tpu.memory_space<hbm>>
    tpu.wait_dma2 semaphore(%arg22 : memref<!tpu.dma_semaphore, #tpu.memory_space<semaphore_mem>>) src(%arg7 : memref<8192xf32, #tpu.memory_space<vmem>>) dst(%dma_wait3A_224 : memref<8192xf32, #tpu.memory_space<hbm>>)
    %dma_wait3A_225 = arith.constant 1 : i32
    %dma_wait3A_226 = tpu.memref_slice %arg4[%dma_wait3A_225, %add3A_182] : memref<4x1048576xi32, #tpu.memory_space<hbm>> -> memref<1x8192xi32, #tpu.memory_space<hbm>>
    %dma_wait3A_227 = tpu.memref_squeeze %dma_wait3A_226 : memref<1x8192xi32, #tpu.memory_space<hbm>> -> memref<8192xi32, #tpu.memory_space<hbm>>
    %dma_wait3A_228 = tpu.memref_slice %arg4[%dma_wait3A_225, %add3A_182] : memref<4x1048576xi32, #tpu.memory_space<hbm>> -> memref<1x8192xi32, #tpu.memory_space<hbm>>
    %dma_wait3A_229 = tpu.memref_squeeze %dma_wait3A_228 : memref<1x8192xi32, #tpu.memory_space<hbm>> -> memref<8192xi32, #tpu.memory_space<hbm>>
    tpu.wait_dma2 semaphore(%arg24 : memref<!tpu.dma_semaphore, #tpu.memory_space<semaphore_mem>>) src(%arg15 : memref<8192xi32, #tpu.memory_space<vmem>>) dst(%dma_wait3A_229 : memref<8192xi32, #tpu.memory_space<hbm>>)
    %dma_wait3A_230 = arith.constant 3 : i32
    %dma_wait3A_231 = tpu.memref_slice %arg3[%dma_wait3A_230, %add3A_194] : memref<4x1048576xf32, #tpu.memory_space<hbm>> -> memref<1x8192xf32, #tpu.memory_space<hbm>>
    %dma_wait3A_232 = tpu.memref_squeeze %dma_wait3A_231 : memref<1x8192xf32, #tpu.memory_space<hbm>> -> memref<8192xf32, #tpu.memory_space<hbm>>
    %dma_wait3A_233 = tpu.memref_slice %arg3[%dma_wait3A_230, %add3A_194] : memref<4x1048576xf32, #tpu.memory_space<hbm>> -> memref<1x8192xf32, #tpu.memory_space<hbm>>
    %dma_wait3A_234 = tpu.memref_squeeze %dma_wait3A_233 : memref<1x8192xf32, #tpu.memory_space<hbm>> -> memref<8192xf32, #tpu.memory_space<hbm>>
    tpu.wait_dma2 semaphore(%arg22 : memref<!tpu.dma_semaphore, #tpu.memory_space<semaphore_mem>>) src(%arg8 : memref<8192xf32, #tpu.memory_space<vmem>>) dst(%dma_wait3A_234 : memref<8192xf32, #tpu.memory_space<hbm>>)
    %add3A_235 = arith.constant 16384 : i32
    %add3A_236 = arith.addi %select_n3A_32, %add3A_235 : i32
    %dma_start3A_237 = arith.constant 0 : i32
    %dma_start3A_238 = tpu.memref_slice %arg2[%dma_start3A_237, %select_n3A, %add3A_236] : memref<5x8x131072xf32, #tpu.memory_space<hbm>> -> memref<1x1x8192xf32, #tpu.memory_space<hbm>>
    %dma_start3A_239 = tpu.memref_squeeze %dma_start3A_238 : memref<1x1x8192xf32, #tpu.memory_space<hbm>> -> memref<8192xf32, #tpu.memory_space<hbm>>
    %dma_start3A_240 = tpu.memref_slice %arg2[%dma_start3A_237, %select_n3A, %add3A_236] : memref<5x8x131072xf32, #tpu.memory_space<hbm>> -> memref<1x1x8192xf32, #tpu.memory_space<hbm>>
    %dma_start3A_241 = tpu.memref_squeeze %dma_start3A_240 : memref<1x1x8192xf32, #tpu.memory_space<hbm>> -> memref<8192xf32, #tpu.memory_space<hbm>>
    tpu.enqueue_dma source(%dma_start3A_241 : memref<8192xf32, #tpu.memory_space<hbm>>) target(%arg5 : memref<8192xf32, #tpu.memory_space<vmem>>) target_semaphore(%arg20 : memref<!tpu.dma_semaphore, #tpu.memory_space<semaphore_mem>>)
    %add3A_242 = arith.constant 16384 : i32
    %add3A_243 = arith.addi %select_n3A_32, %add3A_242 : i32
    %dma_start3A_244 = arith.constant 1 : i32
    %dma_start3A_245 = tpu.memref_slice %arg2[%dma_start3A_244, %select_n3A, %add3A_243] : memref<5x8x131072xf32, #tpu.memory_space<hbm>> -> memref<1x1x8192xf32, #tpu.memory_space<hbm>>
    %dma_start3A_246 = tpu.memref_squeeze %dma_start3A_245 : memref<1x1x8192xf32, #tpu.memory_space<hbm>> -> memref<8192xf32, #tpu.memory_space<hbm>>
    %dma_start3A_247 = tpu.memref_slice %arg2[%dma_start3A_244, %select_n3A, %add3A_243] : memref<5x8x131072xf32, #tpu.memory_space<hbm>> -> memref<1x1x8192xf32, #tpu.memory_space<hbm>>
    %dma_start3A_248 = tpu.memref_squeeze %dma_start3A_247 : memref<1x1x8192xf32, #tpu.memory_space<hbm>> -> memref<8192xf32, #tpu.memory_space<hbm>>
    tpu.enqueue_dma source(%dma_start3A_248 : memref<8192xf32, #tpu.memory_space<hbm>>) target(%arg6 : memref<8192xf32, #tpu.memory_space<vmem>>) target_semaphore(%arg20 : memref<!tpu.dma_semaphore, #tpu.memory_space<semaphore_mem>>)
    %add3A_249 = arith.constant 16384 : i32
    %add3A_250 = arith.addi %select_n3A_32, %add3A_249 : i32
    %dma_start3A_251 = arith.constant 2 : i32
    %dma_start3A_252 = tpu.memref_slice %arg2[%dma_start3A_251, %select_n3A, %add3A_250] : memref<5x8x131072xf32, #tpu.memory_space<hbm>> -> memref<1x1x8192xf32, #tpu.memory_space<hbm>>
    %dma_start3A_253 = tpu.memref_squeeze %dma_start3A_252 : memref<1x1x8192xf32, #tpu.memory_space<hbm>> -> memref<8192xf32, #tpu.memory_space<hbm>>
    %dma_start3A_254 = tpu.memref_slice %arg2[%dma_start3A_251, %select_n3A, %add3A_250] : memref<5x8x131072xf32, #tpu.memory_space<hbm>> -> memref<1x1x8192xf32, #tpu.memory_space<hbm>>
    %dma_start3A_255 = tpu.memref_squeeze %dma_start3A_254 : memref<1x1x8192xf32, #tpu.memory_space<hbm>> -> memref<8192xf32, #tpu.memory_space<hbm>>
    tpu.enqueue_dma source(%dma_start3A_255 : memref<8192xf32, #tpu.memory_space<hbm>>) target(%arg7 : memref<8192xf32, #tpu.memory_space<vmem>>) target_semaphore(%arg20 : memref<!tpu.dma_semaphore, #tpu.memory_space<semaphore_mem>>)
    %add3A_256 = arith.constant 16384 : i32
    %add3A_257 = arith.addi %select_n3A_32, %add3A_256 : i32
    %dma_start3A_258 = arith.constant 3 : i32
    %dma_start3A_259 = tpu.memref_slice %arg2[%dma_start3A_258, %select_n3A, %add3A_257] : memref<5x8x131072xf32, #tpu.memory_space<hbm>> -> memref<1x1x8192xf32, #tpu.memory_space<hbm>>
    %dma_start3A_260 = tpu.memref_squeeze %dma_start3A_259 : memref<1x1x8192xf32, #tpu.memory_space<hbm>> -> memref<8192xf32, #tpu.memory_space<hbm>>
    %dma_start3A_261 = tpu.memref_slice %arg2[%dma_start3A_258, %select_n3A, %add3A_257] : memref<5x8x131072xf32, #tpu.memory_space<hbm>> -> memref<1x1x8192xf32, #tpu.memory_space<hbm>>
    %dma_start3A_262 = tpu.memref_squeeze %dma_start3A_261 : memref<1x1x8192xf32, #tpu.memory_space<hbm>> -> memref<8192xf32, #tpu.memory_space<hbm>>
    tpu.enqueue_dma source(%dma_start3A_262 : memref<8192xf32, #tpu.memory_space<hbm>>) target(%arg8 : memref<8192xf32, #tpu.memory_space<vmem>>) target_semaphore(%arg20 : memref<!tpu.dma_semaphore, #tpu.memory_space<semaphore_mem>>)
    %dma_wait3A_263 = arith.constant 0 : i32
    %dma_wait3A_264 = tpu.memref_slice %arg2[%dma_wait3A_263, %select_n3A, %add3A_96] : memref<5x8x131072xf32, #tpu.memory_space<hbm>> -> memref<1x1x8192xf32, #tpu.memory_space<hbm>>
    %dma_wait3A_265 = tpu.memref_squeeze %dma_wait3A_264 : memref<1x1x8192xf32, #tpu.memory_space<hbm>> -> memref<8192xf32, #tpu.memory_space<hbm>>
    %dma_wait3A_266 = tpu.memref_slice %arg2[%dma_wait3A_263, %select_n3A, %add3A_96] : memref<5x8x131072xf32, #tpu.memory_space<hbm>> -> memref<1x1x8192xf32, #tpu.memory_space<hbm>>
    %dma_wait3A_267 = tpu.memref_squeeze %dma_wait3A_266 : memref<1x1x8192xf32, #tpu.memory_space<hbm>> -> memref<8192xf32, #tpu.memory_space<hbm>>
    tpu.wait_dma2 semaphore(%arg21 : memref<!tpu.dma_semaphore, #tpu.memory_space<semaphore_mem>>) src(%dma_wait3A_267 : memref<8192xf32, #tpu.memory_space<hbm>>) dst(%arg9 : memref<8192xf32, #tpu.memory_space<vmem>>)
    %add3A_268 = arith.constant 8192 : i32
    %add3A_269 = arith.addi %mul3A_2, %add3A_268 : i32
    %dma_start3A_270 = arith.constant 0 : i32
    %dma_start3A_271 = tpu.memref_slice %arg3[%dma_start3A_270, %add3A_269] : memref<4x1048576xf32, #tpu.memory_space<hbm>> -> memref<1x8192xf32, #tpu.memory_space<hbm>>
    %dma_start3A_272 = tpu.memref_squeeze %dma_start3A_271 : memref<1x8192xf32, #tpu.memory_space<hbm>> -> memref<8192xf32, #tpu.memory_space<hbm>>
    %dma_start3A_273 = tpu.memref_slice %arg3[%dma_start3A_270, %add3A_269] : memref<4x1048576xf32, #tpu.memory_space<hbm>> -> memref<1x8192xf32, #tpu.memory_space<hbm>>
    %dma_start3A_274 = tpu.memref_squeeze %dma_start3A_273 : memref<1x8192xf32, #tpu.memory_space<hbm>> -> memref<8192xf32, #tpu.memory_space<hbm>>
    tpu.enqueue_dma source(%arg9 : memref<8192xf32, #tpu.memory_space<vmem>>) target(%dma_start3A_274 : memref<8192xf32, #tpu.memory_space<hbm>>) target_semaphore(%arg23 : memref<!tpu.dma_semaphore, #tpu.memory_space<semaphore_mem>>)
    %parallel_loop3A_275 = arith.constant 0 : i32
    %parallel_loop3A_276 = arith.constant 512 : i32
    %parallel_loop3A_277 = arith.constant 1 : i32
    scf.for %parallel_loop3A_650 = %parallel_loop3A_275 to %parallel_loop3A_276 step %parallel_loop3A_277  : i32 {
      %parallel_loop3A_651 = arith.constant 16 : i32
      %parallel_loop3A_652 = arith.muli %parallel_loop3A_650, %parallel_loop3A_651 : i32
      %parallel_loop3A_653 = arith.index_cast %parallel_loop3A_652 : i32 to index
      %parallel_loop3A_654 = tpu.vector_load %arg9[%parallel_loop3A_653] {strides = array<i32>} : memref<8192xf32, #tpu.memory_space<vmem>>, vector<16xf32>,
      %parallel_loop3A_655 = vector.shape_cast %parallel_loop3A_654 : vector<16xf32> to vector<16xf32>
      %parallel_loop3A_656 = arith.constant 0.000000e+00 : f32
      %parallel_loop3A_657 = vector.broadcast %parallel_loop3A_656 : f32 to vector<16xf32>
      %parallel_loop3A_658 = arith.subf %parallel_loop3A_655, %parallel_loop3A_657 : vector<16xf32>
      %parallel_loop3A_659 = arith.constant 2.500000e+00 : f32
      %parallel_loop3A_660 = vector.broadcast %parallel_loop3A_659 : f32 to vector<16xf32>
      %parallel_loop3A_661 = arith.mulf %parallel_loop3A_658, %parallel_loop3A_660 : vector<16xf32>
      %parallel_loop3A_662 = arith.fptosi %parallel_loop3A_661 : vector<16xf32> to vector<16xi32>
      %parallel_loop3A_663 = arith.sitofp %parallel_loop3A_662 : vector<16xi32> to vector<16xf32>
      %parallel_loop3A_664 = arith.cmpf ogt, %parallel_loop3A_661, %parallel_loop3A_663 : vector<16xf32>
      %parallel_loop3A_665 = arith.select %parallel_loop3A_664, %broadcast_in_dim3A_33, %broadcast_in_dim3A_35 : vector<16xi1>, vector<16xi32>
      %parallel_loop3A_666 = arith.addi %parallel_loop3A_662, %parallel_loop3A_665 : vector<16xi32>
      %parallel_loop3A_667 = arith.index_cast %parallel_loop3A_652 : i32 to index
      %parallel_loop3A_668 = tpu.vector_load %arg16[%parallel_loop3A_667] {strides = array<i32>} : memref<8192xi32, #tpu.memory_space<vmem>>, vector<16xi32>,
      %parallel_loop3A_669 = vector.shape_cast %parallel_loop3A_668 : vector<16xi32> to vector<16xi32>
      %parallel_loop3A_670 = vector.shape_cast %parallel_loop3A_666 : vector<16xi32> to vector<16xi32>
      tpu.vector_store %arg16[%parallel_loop3A_667], %parallel_loop3A_670 {strides = array<i32>} : memref<8192xi32, #tpu.memory_space<vmem>>, vector<16xi32>,
    } {sc.loop_unroll_factor = 4 : i64, sc.parallel_access}
    %add3A_278 = arith.constant 8192 : i32
    %add3A_279 = arith.addi %mul3A_2, %add3A_278 : i32
    %dma_start3A_280 = arith.constant 3 : i32
    %dma_start3A_281 = tpu.memref_slice %arg4[%dma_start3A_280, %add3A_279] : memref<4x1048576xi32, #tpu.memory_space<hbm>> -> memref<1x8192xi32, #tpu.memory_space<hbm>>
    %dma_start3A_282 = tpu.memref_squeeze %dma_start3A_281 : memref<1x8192xi32, #tpu.memory_space<hbm>> -> memref<8192xi32, #tpu.memory_space<hbm>>
    %dma_start3A_283 = tpu.memref_slice %arg4[%dma_start3A_280, %add3A_279] : memref<4x1048576xi32, #tpu.memory_space<hbm>> -> memref<1x8192xi32, #tpu.memory_space<hbm>>
    %dma_start3A_284 = tpu.memref_squeeze %dma_start3A_283 : memref<1x8192xi32, #tpu.memory_space<hbm>> -> memref<8192xi32, #tpu.memory_space<hbm>>
    tpu.enqueue_dma source(%arg16 : memref<8192xi32, #tpu.memory_space<vmem>>) target(%dma_start3A_284 : memref<8192xi32, #tpu.memory_space<hbm>>) target_semaphore(%arg25 : memref<!tpu.dma_semaphore, #tpu.memory_space<semaphore_mem>>)
    %dma_wait3A_285 = arith.constant 1 : i32
    %dma_wait3A_286 = tpu.memref_slice %arg2[%dma_wait3A_285, %select_n3A, %add3A_103] : memref<5x8x131072xf32, #tpu.memory_space<hbm>> -> memref<1x1x8192xf32, #tpu.memory_space<hbm>>
    %dma_wait3A_287 = tpu.memref_squeeze %dma_wait3A_286 : memref<1x1x8192xf32, #tpu.memory_space<hbm>> -> memref<8192xf32, #tpu.memory_space<hbm>>
    %dma_wait3A_288 = tpu.memref_slice %arg2[%dma_wait3A_285, %select_n3A, %add3A_103] : memref<5x8x131072xf32, #tpu.memory_space<hbm>> -> memref<1x1x8192xf32, #tpu.memory_space<hbm>>
    %dma_wait3A_289 = tpu.memref_squeeze %dma_wait3A_288 : memref<1x1x8192xf32, #tpu.memory_space<hbm>> -> memref<8192xf32, #tpu.memory_space<hbm>>
    tpu.wait_dma2 semaphore(%arg21 : memref<!tpu.dma_semaphore, #tpu.memory_space<semaphore_mem>>) src(%dma_wait3A_289 : memref<8192xf32, #tpu.memory_space<hbm>>) dst(%arg10 : memref<8192xf32, #tpu.memory_space<vmem>>)
    %add3A_290 = arith.constant 8192 : i32
    %add3A_291 = arith.addi %mul3A_2, %add3A_290 : i32
    %dma_start3A_292 = arith.constant 1 : i32
    %dma_start3A_293 = tpu.memref_slice %arg3[%dma_start3A_292, %add3A_291] : memref<4x1048576xf32, #tpu.memory_space<hbm>> -> memref<1x8192xf32, #tpu.memory_space<hbm>>
    %dma_start3A_294 = tpu.memref_squeeze %dma_start3A_293 : memref<1x8192xf32, #tpu.memory_space<hbm>> -> memref<8192xf32, #tpu.memory_space<hbm>>
    %dma_start3A_295 = tpu.memref_slice %arg3[%dma_start3A_292, %add3A_291] : memref<4x1048576xf32, #tpu.memory_space<hbm>> -> memref<1x8192xf32, #tpu.memory_space<hbm>>
    %dma_start3A_296 = tpu.memref_squeeze %dma_start3A_295 : memref<1x8192xf32, #tpu.memory_space<hbm>> -> memref<8192xf32, #tpu.memory_space<hbm>>
    tpu.enqueue_dma source(%arg10 : memref<8192xf32, #tpu.memory_space<vmem>>) target(%dma_start3A_296 : memref<8192xf32, #tpu.memory_space<hbm>>) target_semaphore(%arg23 : memref<!tpu.dma_semaphore, #tpu.memory_space<semaphore_mem>>)
    %parallel_loop3A_297 = arith.constant 0 : i32
    %parallel_loop3A_298 = arith.constant 512 : i32
    %parallel_loop3A_299 = arith.constant 1 : i32
    scf.for %parallel_loop3A_650 = %parallel_loop3A_297 to %parallel_loop3A_298 step %parallel_loop3A_299  : i32 {
      %parallel_loop3A_651 = arith.constant 16 : i32
      %parallel_loop3A_652 = arith.muli %parallel_loop3A_650, %parallel_loop3A_651 : i32
      %parallel_loop3A_653 = arith.index_cast %parallel_loop3A_652 : i32 to index
      %parallel_loop3A_654 = tpu.vector_load %arg10[%parallel_loop3A_653] {strides = array<i32>} : memref<8192xf32, #tpu.memory_space<vmem>>, vector<16xf32>,
      %parallel_loop3A_655 = vector.shape_cast %parallel_loop3A_654 : vector<16xf32> to vector<16xf32>
      %parallel_loop3A_656 = arith.constant -5.000000e+01 : f32
      %parallel_loop3A_657 = vector.broadcast %parallel_loop3A_656 : f32 to vector<16xf32>
      %parallel_loop3A_658 = arith.subf %parallel_loop3A_655, %parallel_loop3A_657 : vector<16xf32>
      %parallel_loop3A_659 = arith.constant 2.500000e+00 : f32
      %parallel_loop3A_660 = vector.broadcast %parallel_loop3A_659 : f32 to vector<16xf32>
      %parallel_loop3A_661 = arith.mulf %parallel_loop3A_658, %parallel_loop3A_660 : vector<16xf32>
      %parallel_loop3A_662 = arith.fptosi %parallel_loop3A_661 : vector<16xf32> to vector<16xi32>
      %parallel_loop3A_663 = arith.sitofp %parallel_loop3A_662 : vector<16xi32> to vector<16xf32>
      %parallel_loop3A_664 = arith.cmpf ogt, %parallel_loop3A_661, %parallel_loop3A_663 : vector<16xf32>
      %parallel_loop3A_665 = arith.select %parallel_loop3A_664, %broadcast_in_dim3A_33, %broadcast_in_dim3A_35 : vector<16xi1>, vector<16xi32>
      %parallel_loop3A_666 = arith.addi %parallel_loop3A_662, %parallel_loop3A_665 : vector<16xi32>
      %parallel_loop3A_667 = arith.index_cast %parallel_loop3A_652 : i32 to index
      %parallel_loop3A_668 = tpu.vector_load %arg17[%parallel_loop3A_667] {strides = array<i32>} : memref<8192xi32, #tpu.memory_space<vmem>>, vector<16xi32>,
      %parallel_loop3A_669 = vector.shape_cast %parallel_loop3A_668 : vector<16xi32> to vector<16xi32>
      %parallel_loop3A_670 = vector.shape_cast %parallel_loop3A_666 : vector<16xi32> to vector<16xi32>
      tpu.vector_store %arg17[%parallel_loop3A_667], %parallel_loop3A_670 {strides = array<i32>} : memref<8192xi32, #tpu.memory_space<vmem>>, vector<16xi32>,
    } {sc.loop_unroll_factor = 4 : i64, sc.parallel_access}
    %add3A_300 = arith.constant 8192 : i32
    %add3A_301 = arith.addi %mul3A_2, %add3A_300 : i32
    %dma_start3A_302 = arith.constant 2 : i32
    %dma_start3A_303 = tpu.memref_slice %arg4[%dma_start3A_302, %add3A_301] : memref<4x1048576xi32, #tpu.memory_space<hbm>> -> memref<1x8192xi32, #tpu.memory_space<hbm>>
    %dma_start3A_304 = tpu.memref_squeeze %dma_start3A_303 : memref<1x8192xi32, #tpu.memory_space<hbm>> -> memref<8192xi32, #tpu.memory_space<hbm>>
    %dma_start3A_305 = tpu.memref_slice %arg4[%dma_start3A_302, %add3A_301] : memref<4x1048576xi32, #tpu.memory_space<hbm>> -> memref<1x8192xi32, #tpu.memory_space<hbm>>
    %dma_start3A_306 = tpu.memref_squeeze %dma_start3A_305 : memref<1x8192xi32, #tpu.memory_space<hbm>> -> memref<8192xi32, #tpu.memory_space<hbm>>
    tpu.enqueue_dma source(%arg17 : memref<8192xi32, #tpu.memory_space<vmem>>) target(%dma_start3A_306 : memref<8192xi32, #tpu.memory_space<hbm>>) target_semaphore(%arg25 : memref<!tpu.dma_semaphore, #tpu.memory_space<semaphore_mem>>)
    %dma_wait3A_307 = arith.constant 2 : i32
    %dma_wait3A_308 = tpu.memref_slice %arg2[%dma_wait3A_307, %select_n3A, %add3A_110] : memref<5x8x131072xf32, #tpu.memory_space<hbm>> -> memref<1x1x8192xf32, #tpu.memory_space<hbm>>
    %dma_wait3A_309 = tpu.memref_squeeze %dma_wait3A_308 : memref<1x1x8192xf32, #tpu.memory_space<hbm>> -> memref<8192xf32, #tpu.memory_space<hbm>>
    %dma_wait3A_310 = tpu.memref_slice %arg2[%dma_wait3A_307, %select_n3A, %add3A_110] : memref<5x8x131072xf32, #tpu.memory_space<hbm>> -> memref<1x1x8192xf32, #tpu.memory_space<hbm>>
    %dma_wait3A_311 = tpu.memref_squeeze %dma_wait3A_310 : memref<1x1x8192xf32, #tpu.memory_space<hbm>> -> memref<8192xf32, #tpu.memory_space<hbm>>
    tpu.wait_dma2 semaphore(%arg21 : memref<!tpu.dma_semaphore, #tpu.memory_space<semaphore_mem>>) src(%dma_wait3A_311 : memref<8192xf32, #tpu.memory_space<hbm>>) dst(%arg11 : memref<8192xf32, #tpu.memory_space<vmem>>)
    %add3A_312 = arith.constant 8192 : i32
    %add3A_313 = arith.addi %mul3A_2, %add3A_312 : i32
    %dma_start3A_314 = arith.constant 2 : i32
    %dma_start3A_315 = tpu.memref_slice %arg3[%dma_start3A_314, %add3A_313] : memref<4x1048576xf32, #tpu.memory_space<hbm>> -> memref<1x8192xf32, #tpu.memory_space<hbm>>
    %dma_start3A_316 = tpu.memref_squeeze %dma_start3A_315 : memref<1x8192xf32, #tpu.memory_space<hbm>> -> memref<8192xf32, #tpu.memory_space<hbm>>
    %dma_start3A_317 = tpu.memref_slice %arg3[%dma_start3A_314, %add3A_313] : memref<4x1048576xf32, #tpu.memory_space<hbm>> -> memref<1x8192xf32, #tpu.memory_space<hbm>>
    %dma_start3A_318 = tpu.memref_squeeze %dma_start3A_317 : memref<1x8192xf32, #tpu.memory_space<hbm>> -> memref<8192xf32, #tpu.memory_space<hbm>>
    tpu.enqueue_dma source(%arg11 : memref<8192xf32, #tpu.memory_space<vmem>>) target(%dma_start3A_318 : memref<8192xf32, #tpu.memory_space<hbm>>) target_semaphore(%arg23 : memref<!tpu.dma_semaphore, #tpu.memory_space<semaphore_mem>>)
    %parallel_loop3A_319 = arith.constant 0 : i32
    %parallel_loop3A_320 = arith.constant 512 : i32
    %parallel_loop3A_321 = arith.constant 1 : i32
    scf.for %parallel_loop3A_650 = %parallel_loop3A_319 to %parallel_loop3A_320 step %parallel_loop3A_321  : i32 {
      %parallel_loop3A_651 = arith.constant 16 : i32
      %parallel_loop3A_652 = arith.muli %parallel_loop3A_650, %parallel_loop3A_651 : i32
      %parallel_loop3A_653 = arith.index_cast %parallel_loop3A_652 : i32 to index
      %parallel_loop3A_654 = tpu.vector_load %arg11[%parallel_loop3A_653] {strides = array<i32>} : memref<8192xf32, #tpu.memory_space<vmem>>, vector<16xf32>,
      %parallel_loop3A_655 = vector.shape_cast %parallel_loop3A_654 : vector<16xf32> to vector<16xf32>
      %parallel_loop3A_656 = arith.constant -2.000000e+00 : f32
      %parallel_loop3A_657 = vector.broadcast %parallel_loop3A_656 : f32 to vector<16xf32>
      %parallel_loop3A_658 = arith.subf %parallel_loop3A_655, %parallel_loop3A_657 : vector<16xf32>
      %parallel_loop3A_659 = arith.constant 2.500000e+00 : f32
      %parallel_loop3A_660 = vector.broadcast %parallel_loop3A_659 : f32 to vector<16xf32>
      %parallel_loop3A_661 = arith.mulf %parallel_loop3A_658, %parallel_loop3A_660 : vector<16xf32>
      %parallel_loop3A_662 = arith.fptosi %parallel_loop3A_661 : vector<16xf32> to vector<16xi32>
      %parallel_loop3A_663 = arith.sitofp %parallel_loop3A_662 : vector<16xi32> to vector<16xf32>
      %parallel_loop3A_664 = arith.cmpf ogt, %parallel_loop3A_661, %parallel_loop3A_663 : vector<16xf32>
      %parallel_loop3A_665 = arith.select %parallel_loop3A_664, %broadcast_in_dim3A_33, %broadcast_in_dim3A_35 : vector<16xi1>, vector<16xi32>
      %parallel_loop3A_666 = arith.addi %parallel_loop3A_662, %parallel_loop3A_665 : vector<16xi32>
      %parallel_loop3A_667 = arith.index_cast %parallel_loop3A_652 : i32 to index
      %parallel_loop3A_668 = tpu.vector_load %arg18[%parallel_loop3A_667] {strides = array<i32>} : memref<8192xi32, #tpu.memory_space<vmem>>, vector<16xi32>,
      %parallel_loop3A_669 = vector.shape_cast %parallel_loop3A_668 : vector<16xi32> to vector<16xi32>
      %parallel_loop3A_670 = vector.shape_cast %parallel_loop3A_666 : vector<16xi32> to vector<16xi32>
      tpu.vector_store %arg18[%parallel_loop3A_667], %parallel_loop3A_670 {strides = array<i32>} : memref<8192xi32, #tpu.memory_space<vmem>>, vector<16xi32>,
    } {sc.loop_unroll_factor = 4 : i64, sc.parallel_access}
    %add3A_322 = arith.constant 8192 : i32
    %add3A_323 = arith.addi %mul3A_2, %add3A_322 : i32
    %dma_start3A_324 = arith.constant 1 : i32
    %dma_start3A_325 = tpu.memref_slice %arg4[%dma_start3A_324, %add3A_323] : memref<4x1048576xi32, #tpu.memory_space<hbm>> -> memref<1x8192xi32, #tpu.memory_space<hbm>>
    %dma_start3A_326 = tpu.memref_squeeze %dma_start3A_325 : memref<1x8192xi32, #tpu.memory_space<hbm>> -> memref<8192xi32, #tpu.memory_space<hbm>>
    %dma_start3A_327 = tpu.memref_slice %arg4[%dma_start3A_324, %add3A_323] : memref<4x1048576xi32, #tpu.memory_space<hbm>> -> memref<1x8192xi32, #tpu.memory_space<hbm>>
    %dma_start3A_328 = tpu.memref_squeeze %dma_start3A_327 : memref<1x8192xi32, #tpu.memory_space<hbm>> -> memref<8192xi32, #tpu.memory_space<hbm>>
    tpu.enqueue_dma source(%arg18 : memref<8192xi32, #tpu.memory_space<vmem>>) target(%dma_start3A_328 : memref<8192xi32, #tpu.memory_space<hbm>>) target_semaphore(%arg25 : memref<!tpu.dma_semaphore, #tpu.memory_space<semaphore_mem>>)
    %dma_wait3A_329 = arith.constant 3 : i32
    %dma_wait3A_330 = tpu.memref_slice %arg2[%dma_wait3A_329, %select_n3A, %add3A_117] : memref<5x8x131072xf32, #tpu.memory_space<hbm>> -> memref<1x1x8192xf32, #tpu.memory_space<hbm>>
    %dma_wait3A_331 = tpu.memref_squeeze %dma_wait3A_330 : memref<1x1x8192xf32, #tpu.memory_space<hbm>> -> memref<8192xf32, #tpu.memory_space<hbm>>
    %dma_wait3A_332 = tpu.memref_slice %arg2[%dma_wait3A_329, %select_n3A, %add3A_117] : memref<5x8x131072xf32, #tpu.memory_space<hbm>> -> memref<1x1x8192xf32, #tpu.memory_space<hbm>>
    %dma_wait3A_333 = tpu.memref_squeeze %dma_wait3A_332 : memref<1x1x8192xf32, #tpu.memory_space<hbm>> -> memref<8192xf32, #tpu.memory_space<hbm>>
    tpu.wait_dma2 semaphore(%arg21 : memref<!tpu.dma_semaphore, #tpu.memory_space<semaphore_mem>>) src(%dma_wait3A_333 : memref<8192xf32, #tpu.memory_space<hbm>>) dst(%arg12 : memref<8192xf32, #tpu.memory_space<vmem>>)
    %add3A_334 = arith.constant 8192 : i32
    %add3A_335 = arith.addi %mul3A_2, %add3A_334 : i32
    %dma_start3A_336 = arith.constant 3 : i32
    %dma_start3A_337 = tpu.memref_slice %arg3[%dma_start3A_336, %add3A_335] : memref<4x1048576xf32, #tpu.memory_space<hbm>> -> memref<1x8192xf32, #tpu.memory_space<hbm>>
    %dma_start3A_338 = tpu.memref_squeeze %dma_start3A_337 : memref<1x8192xf32, #tpu.memory_space<hbm>> -> memref<8192xf32, #tpu.memory_space<hbm>>
    %dma_start3A_339 = tpu.memref_slice %arg3[%dma_start3A_336, %add3A_335] : memref<4x1048576xf32, #tpu.memory_space<hbm>> -> memref<1x8192xf32, #tpu.memory_space<hbm>>
    %dma_start3A_340 = tpu.memref_squeeze %dma_start3A_339 : memref<1x8192xf32, #tpu.memory_space<hbm>> -> memref<8192xf32, #tpu.memory_space<hbm>>
    tpu.enqueue_dma source(%arg12 : memref<8192xf32, #tpu.memory_space<vmem>>) target(%dma_start3A_340 : memref<8192xf32, #tpu.memory_space<hbm>>) target_semaphore(%arg23 : memref<!tpu.dma_semaphore, #tpu.memory_space<semaphore_mem>>)
    %dma_wait3A_341 = arith.constant 0 : i32
    %dma_wait3A_342 = tpu.memref_slice %arg3[%dma_wait3A_341, %add3A_269] : memref<4x1048576xf32, #tpu.memory_space<hbm>> -> memref<1x8192xf32, #tpu.memory_space<hbm>>
    %dma_wait3A_343 = tpu.memref_squeeze %dma_wait3A_342 : memref<1x8192xf32, #tpu.memory_space<hbm>> -> memref<8192xf32, #tpu.memory_space<hbm>>
    %dma_wait3A_344 = tpu.memref_slice %arg3[%dma_wait3A_341, %add3A_269] : memref<4x1048576xf32, #tpu.memory_space<hbm>> -> memref<1x8192xf32, #tpu.memory_space<hbm>>
    %dma_wait3A_345 = tpu.memref_squeeze %dma_wait3A_344 : memref<1x8192xf32, #tpu.memory_space<hbm>> -> memref<8192xf32, #tpu.memory_space<hbm>>
    tpu.wait_dma2 semaphore(%arg23 : memref<!tpu.dma_semaphore, #tpu.memory_space<semaphore_mem>>) src(%arg9 : memref<8192xf32, #tpu.memory_space<vmem>>) dst(%dma_wait3A_345 : memref<8192xf32, #tpu.memory_space<hbm>>)
    %dma_wait3A_346 = arith.constant 3 : i32
    %dma_wait3A_347 = tpu.memref_slice %arg4[%dma_wait3A_346, %add3A_279] : memref<4x1048576xi32, #tpu.memory_space<hbm>> -> memref<1x8192xi32, #tpu.memory_space<hbm>>
    %dma_wait3A_348 = tpu.memref_squeeze %dma_wait3A_347 : memref<1x8192xi32, #tpu.memory_space<hbm>> -> memref<8192xi32, #tpu.memory_space<hbm>>
    %dma_wait3A_349 = tpu.memref_slice %arg4[%dma_wait3A_346, %add3A_279] : memref<4x1048576xi32, #tpu.memory_space<hbm>> -> memref<1x8192xi32, #tpu.memory_space<hbm>>
    %dma_wait3A_350 = tpu.memref_squeeze %dma_wait3A_349 : memref<1x8192xi32, #tpu.memory_space<hbm>> -> memref<8192xi32, #tpu.memory_space<hbm>>
    tpu.wait_dma2 semaphore(%arg25 : memref<!tpu.dma_semaphore, #tpu.memory_space<semaphore_mem>>) src(%arg16 : memref<8192xi32, #tpu.memory_space<vmem>>) dst(%dma_wait3A_350 : memref<8192xi32, #tpu.memory_space<hbm>>)
    %dma_wait3A_351 = arith.constant 1 : i32
    %dma_wait3A_352 = tpu.memref_slice %arg3[%dma_wait3A_351, %add3A_291] : memref<4x1048576xf32, #tpu.memory_space<hbm>> -> memref<1x8192xf32, #tpu.memory_space<hbm>>
    %dma_wait3A_353 = tpu.memref_squeeze %dma_wait3A_352 : memref<1x8192xf32, #tpu.memory_space<hbm>> -> memref<8192xf32, #tpu.memory_space<hbm>>
    %dma_wait3A_354 = tpu.memref_slice %arg3[%dma_wait3A_351, %add3A_291] : memref<4x1048576xf32, #tpu.memory_space<hbm>> -> memref<1x8192xf32, #tpu.memory_space<hbm>>
    %dma_wait3A_355 = tpu.memref_squeeze %dma_wait3A_354 : memref<1x8192xf32, #tpu.memory_space<hbm>> -> memref<8192xf32, #tpu.memory_space<hbm>>
    tpu.wait_dma2 semaphore(%arg23 : memref<!tpu.dma_semaphore, #tpu.memory_space<semaphore_mem>>) src(%arg10 : memref<8192xf32, #tpu.memory_space<vmem>>) dst(%dma_wait3A_355 : memref<8192xf32, #tpu.memory_space<hbm>>)
    %dma_wait3A_356 = arith.constant 2 : i32
    %dma_wait3A_357 = tpu.memref_slice %arg4[%dma_wait3A_356, %add3A_301] : memref<4x1048576xi32, #tpu.memory_space<hbm>> -> memref<1x8192xi32, #tpu.memory_space<hbm>>
    %dma_wait3A_358 = tpu.memref_squeeze %dma_wait3A_357 : memref<1x8192xi32, #tpu.memory_space<hbm>> -> memref<8192xi32, #tpu.memory_space<hbm>>
    %dma_wait3A_359 = tpu.memref_slice %arg4[%dma_wait3A_356, %add3A_301] : memref<4x1048576xi32, #tpu.memory_space<hbm>> -> memref<1x8192xi32, #tpu.memory_space<hbm>>
    %dma_wait3A_360 = tpu.memref_squeeze %dma_wait3A_359 : memref<1x8192xi32, #tpu.memory_space<hbm>> -> memref<8192xi32, #tpu.memory_space<hbm>>
    tpu.wait_dma2 semaphore(%arg25 : memref<!tpu.dma_semaphore, #tpu.memory_space<semaphore_mem>>) src(%arg17 : memref<8192xi32, #tpu.memory_space<vmem>>) dst(%dma_wait3A_360 : memref<8192xi32, #tpu.memory_space<hbm>>)
    %dma_wait3A_361 = arith.constant 2 : i32
    %dma_wait3A_362 = tpu.memref_slice %arg3[%dma_wait3A_361, %add3A_313] : memref<4x1048576xf32, #tpu.memory_space<hbm>> -> memref<1x8192xf32, #tpu.memory_space<hbm>>
    %dma_wait3A_363 = tpu.memref_squeeze %dma_wait3A_362 : memref<1x8192xf32, #tpu.memory_space<hbm>> -> memref<8192xf32, #tpu.memory_space<hbm>>
    %dma_wait3A_364 = tpu.memref_slice %arg3[%dma_wait3A_361, %add3A_313] : memref<4x1048576xf32, #tpu.memory_space<hbm>> -> memref<1x8192xf32, #tpu.memory_space<hbm>>
    %dma_wait3A_365 = tpu.memref_squeeze %dma_wait3A_364 : memref<1x8192xf32, #tpu.memory_space<hbm>> -> memref<8192xf32, #tpu.memory_space<hbm>>
    tpu.wait_dma2 semaphore(%arg23 : memref<!tpu.dma_semaphore, #tpu.memory_space<semaphore_mem>>) src(%arg11 : memref<8192xf32, #tpu.memory_space<vmem>>) dst(%dma_wait3A_365 : memref<8192xf32, #tpu.memory_space<hbm>>)
    %dma_wait3A_366 = arith.constant 1 : i32
    %dma_wait3A_367 = tpu.memref_slice %arg4[%dma_wait3A_366, %add3A_323] : memref<4x1048576xi32, #tpu.memory_space<hbm>> -> memref<1x8192xi32, #tpu.memory_space<hbm>>
    %dma_wait3A_368 = tpu.memref_squeeze %dma_wait3A_367 : memref<1x8192xi32, #tpu.memory_space<hbm>> -> memref<8192xi32, #tpu.memory_space<hbm>>
    %dma_wait3A_369 = tpu.memref_slice %arg4[%dma_wait3A_366, %add3A_323] : memref<4x1048576xi32, #tpu.memory_space<hbm>> -> memref<1x8192xi32, #tpu.memory_space<hbm>>
    %dma_wait3A_370 = tpu.memref_squeeze %dma_wait3A_369 : memref<1x8192xi32, #tpu.memory_space<hbm>> -> memref<8192xi32, #tpu.memory_space<hbm>>
    tpu.wait_dma2 semaphore(%arg25 : memref<!tpu.dma_semaphore, #tpu.memory_space<semaphore_mem>>) src(%arg18 : memref<8192xi32, #tpu.memory_space<vmem>>) dst(%dma_wait3A_370 : memref<8192xi32, #tpu.memory_space<hbm>>)
    %dma_wait3A_371 = arith.constant 3 : i32
    %dma_wait3A_372 = tpu.memref_slice %arg3[%dma_wait3A_371, %add3A_335] : memref<4x1048576xf32, #tpu.memory_space<hbm>> -> memref<1x8192xf32, #tpu.memory_space<hbm>>
    %dma_wait3A_373 = tpu.memref_squeeze %dma_wait3A_372 : memref<1x8192xf32, #tpu.memory_space<hbm>> -> memref<8192xf32, #tpu.memory_space<hbm>>
    %dma_wait3A_374 = tpu.memref_slice %arg3[%dma_wait3A_371, %add3A_335] : memref<4x1048576xf32, #tpu.memory_space<hbm>> -> memref<1x8192xf32, #tpu.memory_space<hbm>>
    %dma_wait3A_375 = tpu.memref_squeeze %dma_wait3A_374 : memref<1x8192xf32, #tpu.memory_space<hbm>> -> memref<8192xf32, #tpu.memory_space<hbm>>
    tpu.wait_dma2 semaphore(%arg23 : memref<!tpu.dma_semaphore, #tpu.memory_space<semaphore_mem>>) src(%arg12 : memref<8192xf32, #tpu.memory_space<vmem>>) dst(%dma_wait3A_375 : memref<8192xf32, #tpu.memory_space<hbm>>)
    %add3A_376 = arith.constant 24576 : i32
    %add3A_377 = arith.addi %select_n3A_32, %add3A_376 : i32
    %dma_start3A_378 = arith.constant 0 : i32
    %dma_start3A_379 = tpu.memref_slice %arg2[%dma_start3A_378, %select_n3A, %add3A_377] : memref<5x8x131072xf32, #tpu.memory_space<hbm>> -> memref<1x1x8192xf32, #tpu.memory_space<hbm>>
    %dma_start3A_380 = tpu.memref_squeeze %dma_start3A_379 : memref<1x1x8192xf32, #tpu.memory_space<hbm>> -> memref<8192xf32, #tpu.memory_space<hbm>>
    %dma_start3A_381 = tpu.memref_slice %arg2[%dma_start3A_378, %select_n3A, %add3A_377] : memref<5x8x131072xf32, #tpu.memory_space<hbm>> -> memref<1x1x8192xf32, #tpu.memory_space<hbm>>
    %dma_start3A_382 = tpu.memref_squeeze %dma_start3A_381 : memref<1x1x8192xf32, #tpu.memory_space<hbm>> -> memref<8192xf32, #tpu.memory_space<hbm>>
    tpu.enqueue_dma source(%dma_start3A_382 : memref<8192xf32, #tpu.memory_space<hbm>>) target(%arg9 : memref<8192xf32, #tpu.memory_space<vmem>>) target_semaphore(%arg21 : memref<!tpu.dma_semaphore, #tpu.memory_space<semaphore_mem>>)
    %add3A_383 = arith.constant 24576 : i32
    %add3A_384 = arith.addi %select_n3A_32, %add3A_383 : i32
    %dma_start3A_385 = arith.constant 1 : i32
    %dma_start3A_386 = tpu.memref_slice %arg2[%dma_start3A_385, %select_n3A, %add3A_384] : memref<5x8x131072xf32, #tpu.memory_space<hbm>> -> memref<1x1x8192xf32, #tpu.memory_space<hbm>>
    %dma_start3A_387 = tpu.memref_squeeze %dma_start3A_386 : memref<1x1x8192xf32, #tpu.memory_space<hbm>> -> memref<8192xf32, #tpu.memory_space<hbm>>
    %dma_start3A_388 = tpu.memref_slice %arg2[%dma_start3A_385, %select_n3A, %add3A_384] : memref<5x8x131072xf32, #tpu.memory_space<hbm>> -> memref<1x1x8192xf32, #tpu.memory_space<hbm>>
    %dma_start3A_389 = tpu.memref_squeeze %dma_start3A_388 : memref<1x1x8192xf32, #tpu.memory_space<hbm>> -> memref<8192xf32, #tpu.memory_space<hbm>>
    tpu.enqueue_dma source(%dma_start3A_389 : memref<8192xf32, #tpu.memory_space<hbm>>) target(%arg10 : memref<8192xf32, #tpu.memory_space<vmem>>) target_semaphore(%arg21 : memref<!tpu.dma_semaphore, #tpu.memory_space<semaphore_mem>>)
    %add3A_390 = arith.constant 24576 : i32
    %add3A_391 = arith.addi %select_n3A_32, %add3A_390 : i32
    %dma_start3A_392 = arith.constant 2 : i32
    %dma_start3A_393 = tpu.memref_slice %arg2[%dma_start3A_392, %select_n3A, %add3A_391] : memref<5x8x131072xf32, #tpu.memory_space<hbm>> -> memref<1x1x8192xf32, #tpu.memory_space<hbm>>
    %dma_start3A_394 = tpu.memref_squeeze %dma_start3A_393 : memref<1x1x8192xf32, #tpu.memory_space<hbm>> -> memref<8192xf32, #tpu.memory_space<hbm>>
    %dma_start3A_395 = tpu.memref_slice %arg2[%dma_start3A_392, %select_n3A, %add3A_391] : memref<5x8x131072xf32, #tpu.memory_space<hbm>> -> memref<1x1x8192xf32, #tpu.memory_space<hbm>>
    %dma_start3A_396 = tpu.memref_squeeze %dma_start3A_395 : memref<1x1x8192xf32, #tpu.memory_space<hbm>> -> memref<8192xf32, #tpu.memory_space<hbm>>
    tpu.enqueue_dma source(%dma_start3A_396 : memref<8192xf32, #tpu.memory_space<hbm>>) target(%arg11 : memref<8192xf32, #tpu.memory_space<vmem>>) target_semaphore(%arg21 : memref<!tpu.dma_semaphore, #tpu.memory_space<semaphore_mem>>)
    %add3A_397 = arith.constant 24576 : i32
    %add3A_398 = arith.addi %select_n3A_32, %add3A_397 : i32
    %dma_start3A_399 = arith.constant 3 : i32
    %dma_start3A_400 = tpu.memref_slice %arg2[%dma_start3A_399, %select_n3A, %add3A_398] : memref<5x8x131072xf32, #tpu.memory_space<hbm>> -> memref<1x1x8192xf32, #tpu.memory_space<hbm>>
    %dma_start3A_401 = tpu.memref_squeeze %dma_start3A_400 : memref<1x1x8192xf32, #tpu.memory_space<hbm>> -> memref<8192xf32, #tpu.memory_space<hbm>>
    %dma_start3A_402 = tpu.memref_slice %arg2[%dma_start3A_399, %select_n3A, %add3A_398] : memref<5x8x131072xf32, #tpu.memory_space<hbm>> -> memref<1x1x8192xf32, #tpu.memory_space<hbm>>
    %dma_start3A_403 = tpu.memref_squeeze %dma_start3A_402 : memref<1x1x8192xf32, #tpu.memory_space<hbm>> -> memref<8192xf32, #tpu.memory_space<hbm>>
    tpu.enqueue_dma source(%dma_start3A_403 : memref<8192xf32, #tpu.memory_space<hbm>>) target(%arg12 : memref<8192xf32, #tpu.memory_space<vmem>>) target_semaphore(%arg21 : memref<!tpu.dma_semaphore, #tpu.memory_space<semaphore_mem>>)
    %dma_wait3A_404 = arith.constant 0 : i32
    %dma_wait3A_405 = tpu.memref_slice %arg2[%dma_wait3A_404, %select_n3A, %add3A_236] : memref<5x8x131072xf32, #tpu.memory_space<hbm>> -> memref<1x1x8192xf32, #tpu.memory_space<hbm>>
    %dma_wait3A_406 = tpu.memref_squeeze %dma_wait3A_405 : memref<1x1x8192xf32, #tpu.memory_space<hbm>> -> memref<8192xf32, #tpu.memory_space<hbm>>
    %dma_wait3A_407 = tpu.memref_slice %arg2[%dma_wait3A_404, %select_n3A, %add3A_236] : memref<5x8x131072xf32, #tpu.memory_space<hbm>> -> memref<1x1x8192xf32, #tpu.memory_space<hbm>>
    %dma_wait3A_408 = tpu.memref_squeeze %dma_wait3A_407 : memref<1x1x8192xf32, #tpu.memory_space<hbm>> -> memref<8192xf32, #tpu.memory_space<hbm>>
    tpu.wait_dma2 semaphore(%arg20 : memref<!tpu.dma_semaphore, #tpu.memory_space<semaphore_mem>>) src(%dma_wait3A_408 : memref<8192xf32, #tpu.memory_space<hbm>>) dst(%arg5 : memref<8192xf32, #tpu.memory_space<vmem>>)
    %add3A_409 = arith.constant 16384 : i32
    %add3A_410 = arith.addi %mul3A_2, %add3A_409 : i32
    %dma_start3A_411 = arith.constant 0 : i32
    %dma_start3A_412 = tpu.memref_slice %arg3[%dma_start3A_411, %add3A_410] : memref<4x1048576xf32, #tpu.memory_space<hbm>> -> memref<1x8192xf32, #tpu.memory_space<hbm>>
    %dma_start3A_413 = tpu.memref_squeeze %dma_start3A_412 : memref<1x8192xf32, #tpu.memory_space<hbm>> -> memref<8192xf32, #tpu.memory_space<hbm>>
    %dma_start3A_414 = tpu.memref_slice %arg3[%dma_start3A_411, %add3A_410] : memref<4x1048576xf32, #tpu.memory_space<hbm>> -> memref<1x8192xf32, #tpu.memory_space<hbm>>
    %dma_start3A_415 = tpu.memref_squeeze %dma_start3A_414 : memref<1x8192xf32, #tpu.memory_space<hbm>> -> memref<8192xf32, #tpu.memory_space<hbm>>
    tpu.enqueue_dma source(%arg5 : memref<8192xf32, #tpu.memory_space<vmem>>) target(%dma_start3A_415 : memref<8192xf32, #tpu.memory_space<hbm>>) target_semaphore(%arg22 : memref<!tpu.dma_semaphore, #tpu.memory_space<semaphore_mem>>)
    %parallel_loop3A_416 = arith.constant 0 : i32
    %parallel_loop3A_417 = arith.constant 512 : i32
    %parallel_loop3A_418 = arith.constant 1 : i32
    scf.for %parallel_loop3A_650 = %parallel_loop3A_416 to %parallel_loop3A_417 step %parallel_loop3A_418  : i32 {
      %parallel_loop3A_651 = arith.constant 16 : i32
      %parallel_loop3A_652 = arith.muli %parallel_loop3A_650, %parallel_loop3A_651 : i32
      %parallel_loop3A_653 = arith.index_cast %parallel_loop3A_652 : i32 to index
      %parallel_loop3A_654 = tpu.vector_load %arg5[%parallel_loop3A_653] {strides = array<i32>} : memref<8192xf32, #tpu.memory_space<vmem>>, vector<16xf32>,
      %parallel_loop3A_655 = vector.shape_cast %parallel_loop3A_654 : vector<16xf32> to vector<16xf32>
      %parallel_loop3A_656 = arith.constant 0.000000e+00 : f32
      %parallel_loop3A_657 = vector.broadcast %parallel_loop3A_656 : f32 to vector<16xf32>
      %parallel_loop3A_658 = arith.subf %parallel_loop3A_655, %parallel_loop3A_657 : vector<16xf32>
      %parallel_loop3A_659 = arith.constant 2.500000e+00 : f32
      %parallel_loop3A_660 = vector.broadcast %parallel_loop3A_659 : f32 to vector<16xf32>
      %parallel_loop3A_661 = arith.mulf %parallel_loop3A_658, %parallel_loop3A_660 : vector<16xf32>
      %parallel_loop3A_662 = arith.fptosi %parallel_loop3A_661 : vector<16xf32> to vector<16xi32>
      %parallel_loop3A_663 = arith.sitofp %parallel_loop3A_662 : vector<16xi32> to vector<16xf32>
      %parallel_loop3A_664 = arith.cmpf ogt, %parallel_loop3A_661, %parallel_loop3A_663 : vector<16xf32>
      %parallel_loop3A_665 = arith.select %parallel_loop3A_664, %broadcast_in_dim3A_33, %broadcast_in_dim3A_35 : vector<16xi1>, vector<16xi32>
      %parallel_loop3A_666 = arith.addi %parallel_loop3A_662, %parallel_loop3A_665 : vector<16xi32>
      %parallel_loop3A_667 = arith.index_cast %parallel_loop3A_652 : i32 to index
      %parallel_loop3A_668 = tpu.vector_load %arg13[%parallel_loop3A_667] {strides = array<i32>} : memref<8192xi32, #tpu.memory_space<vmem>>, vector<16xi32>,
      %parallel_loop3A_669 = vector.shape_cast %parallel_loop3A_668 : vector<16xi32> to vector<16xi32>
      %parallel_loop3A_670 = vector.shape_cast %parallel_loop3A_666 : vector<16xi32> to vector<16xi32>
      tpu.vector_store %arg13[%parallel_loop3A_667], %parallel_loop3A_670 {strides = array<i32>} : memref<8192xi32, #tpu.memory_space<vmem>>, vector<16xi32>,
    } {sc.loop_unroll_factor = 4 : i64, sc.parallel_access}
    %add3A_419 = arith.constant 16384 : i32
    %add3A_420 = arith.addi %mul3A_2, %add3A_419 : i32
    %dma_start3A_421 = arith.constant 3 : i32
    %dma_start3A_422 = tpu.memref_slice %arg4[%dma_start3A_421, %add3A_420] : memref<4x1048576xi32, #tpu.memory_space<hbm>> -> memref<1x8192xi32, #tpu.memory_space<hbm>>
    %dma_start3A_423 = tpu.memref_squeeze %dma_start3A_422 : memref<1x8192xi32, #tpu.memory_space<hbm>> -> memref<8192xi32, #tpu.memory_space<hbm>>
    %dma_start3A_424 = tpu.memref_slice %arg4[%dma_start3A_421, %add3A_420] : memref<4x1048576xi32, #tpu.memory_space<hbm>> -> memref<1x8192xi32, #tpu.memory_space<hbm>>
    %dma_start3A_425 = tpu.memref_squeeze %dma_start3A_424 : memref<1x8192xi32, #tpu.memory_space<hbm>> -> memref<8192xi32, #tpu.memory_space<hbm>>
    tpu.enqueue_dma source(%arg13 : memref<8192xi32, #tpu.memory_space<vmem>>) target(%dma_start3A_425 : memref<8192xi32, #tpu.memory_space<hbm>>) target_semaphore(%arg24 : memref<!tpu.dma_semaphore, #tpu.memory_space<semaphore_mem>>)
    %dma_wait3A_426 = arith.constant 1 : i32
    %dma_wait3A_427 = tpu.memref_slice %arg2[%dma_wait3A_426, %select_n3A, %add3A_243] : memref<5x8x131072xf32, #tpu.memory_space<hbm>> -> memref<1x1x8192xf32, #tpu.memory_space<hbm>>
    %dma_wait3A_428 = tpu.memref_squeeze %dma_wait3A_427 : memref<1x1x8192xf32, #tpu.memory_space<hbm>> -> memref<8192xf32, #tpu.memory_space<hbm>>
    %dma_wait3A_429 = tpu.memref_slice %arg2[%dma_wait3A_426, %select_n3A, %add3A_243] : memref<5x8x131072xf32, #tpu.memory_space<hbm>> -> memref<1x1x8192xf32, #tpu.memory_space<hbm>>
    %dma_wait3A_430 = tpu.memref_squeeze %dma_wait3A_429 : memref<1x1x8192xf32, #tpu.memory_space<hbm>> -> memref<8192xf32, #tpu.memory_space<hbm>>
    tpu.wait_dma2 semaphore(%arg20 : memref<!tpu.dma_semaphore, #tpu.memory_space<semaphore_mem>>) src(%dma_wait3A_430 : memref<8192xf32, #tpu.memory_space<hbm>>) dst(%arg6 : memref<8192xf32, #tpu.memory_space<vmem>>)
    %add3A_431 = arith.constant 16384 : i32
    %add3A_432 = arith.addi %mul3A_2, %add3A_431 : i32
    %dma_start3A_433 = arith.constant 1 : i32
    %dma_start3A_434 = tpu.memref_slice %arg3[%dma_start3A_433, %add3A_432] : memref<4x1048576xf32, #tpu.memory_space<hbm>> -> memref<1x8192xf32, #tpu.memory_space<hbm>>
    %dma_start3A_435 = tpu.memref_squeeze %dma_start3A_434 : memref<1x8192xf32, #tpu.memory_space<hbm>> -> memref<8192xf32, #tpu.memory_space<hbm>>
    %dma_start3A_436 = tpu.memref_slice %arg3[%dma_start3A_433, %add3A_432] : memref<4x1048576xf32, #tpu.memory_space<hbm>> -> memref<1x8192xf32, #tpu.memory_space<hbm>>
    %dma_start3A_437 = tpu.memref_squeeze %dma_start3A_436 : memref<1x8192xf32, #tpu.memory_space<hbm>> -> memref<8192xf32, #tpu.memory_space<hbm>>
    tpu.enqueue_dma source(%arg6 : memref<8192xf32, #tpu.memory_space<vmem>>) target(%dma_start3A_437 : memref<8192xf32, #tpu.memory_space<hbm>>) target_semaphore(%arg22 : memref<!tpu.dma_semaphore, #tpu.memory_space<semaphore_mem>>)
    %parallel_loop3A_438 = arith.constant 0 : i32
    %parallel_loop3A_439 = arith.constant 512 : i32
    %parallel_loop3A_440 = arith.constant 1 : i32
    scf.for %parallel_loop3A_650 = %parallel_loop3A_438 to %parallel_loop3A_439 step %parallel_loop3A_440  : i32 {
      %parallel_loop3A_651 = arith.constant 16 : i32
      %parallel_loop3A_652 = arith.muli %parallel_loop3A_650, %parallel_loop3A_651 : i32
      %parallel_loop3A_653 = arith.index_cast %parallel_loop3A_652 : i32 to index
      %parallel_loop3A_654 = tpu.vector_load %arg6[%parallel_loop3A_653] {strides = array<i32>} : memref<8192xf32, #tpu.memory_space<vmem>>, vector<16xf32>,
      %parallel_loop3A_655 = vector.shape_cast %parallel_loop3A_654 : vector<16xf32> to vector<16xf32>
      %parallel_loop3A_656 = arith.constant -5.000000e+01 : f32
      %parallel_loop3A_657 = vector.broadcast %parallel_loop3A_656 : f32 to vector<16xf32>
      %parallel_loop3A_658 = arith.subf %parallel_loop3A_655, %parallel_loop3A_657 : vector<16xf32>
      %parallel_loop3A_659 = arith.constant 2.500000e+00 : f32
      %parallel_loop3A_660 = vector.broadcast %parallel_loop3A_659 : f32 to vector<16xf32>
      %parallel_loop3A_661 = arith.mulf %parallel_loop3A_658, %parallel_loop3A_660 : vector<16xf32>
      %parallel_loop3A_662 = arith.fptosi %parallel_loop3A_661 : vector<16xf32> to vector<16xi32>
      %parallel_loop3A_663 = arith.sitofp %parallel_loop3A_662 : vector<16xi32> to vector<16xf32>
      %parallel_loop3A_664 = arith.cmpf ogt, %parallel_loop3A_661, %parallel_loop3A_663 : vector<16xf32>
      %parallel_loop3A_665 = arith.select %parallel_loop3A_664, %broadcast_in_dim3A_33, %broadcast_in_dim3A_35 : vector<16xi1>, vector<16xi32>
      %parallel_loop3A_666 = arith.addi %parallel_loop3A_662, %parallel_loop3A_665 : vector<16xi32>
      %parallel_loop3A_667 = arith.index_cast %parallel_loop3A_652 : i32 to index
      %parallel_loop3A_668 = tpu.vector_load %arg14[%parallel_loop3A_667] {strides = array<i32>} : memref<8192xi32, #tpu.memory_space<vmem>>, vector<16xi32>,
      %parallel_loop3A_669 = vector.shape_cast %parallel_loop3A_668 : vector<16xi32> to vector<16xi32>
      %parallel_loop3A_670 = vector.shape_cast %parallel_loop3A_666 : vector<16xi32> to vector<16xi32>
      tpu.vector_store %arg14[%parallel_loop3A_667], %parallel_loop3A_670 {strides = array<i32>} : memref<8192xi32, #tpu.memory_space<vmem>>, vector<16xi32>,
    } {sc.loop_unroll_factor = 4 : i64, sc.parallel_access}
    %add3A_441 = arith.constant 16384 : i32
    %add3A_442 = arith.addi %mul3A_2, %add3A_441 : i32
    %dma_start3A_443 = arith.constant 2 : i32
    %dma_start3A_444 = tpu.memref_slice %arg4[%dma_start3A_443, %add3A_442] : memref<4x1048576xi32, #tpu.memory_space<hbm>> -> memref<1x8192xi32, #tpu.memory_space<hbm>>
    %dma_start3A_445 = tpu.memref_squeeze %dma_start3A_444 : memref<1x8192xi32, #tpu.memory_space<hbm>> -> memref<8192xi32, #tpu.memory_space<hbm>>
    %dma_start3A_446 = tpu.memref_slice %arg4[%dma_start3A_443, %add3A_442] : memref<4x1048576xi32, #tpu.memory_space<hbm>> -> memref<1x8192xi32, #tpu.memory_space<hbm>>
    %dma_start3A_447 = tpu.memref_squeeze %dma_start3A_446 : memref<1x8192xi32, #tpu.memory_space<hbm>> -> memref<8192xi32, #tpu.memory_space<hbm>>
    tpu.enqueue_dma source(%arg14 : memref<8192xi32, #tpu.memory_space<vmem>>) target(%dma_start3A_447 : memref<8192xi32, #tpu.memory_space<hbm>>) target_semaphore(%arg24 : memref<!tpu.dma_semaphore, #tpu.memory_space<semaphore_mem>>)
    %dma_wait3A_448 = arith.constant 2 : i32
    %dma_wait3A_449 = tpu.memref_slice %arg2[%dma_wait3A_448, %select_n3A, %add3A_250] : memref<5x8x131072xf32, #tpu.memory_space<hbm>> -> memref<1x1x8192xf32, #tpu.memory_space<hbm>>
    %dma_wait3A_450 = tpu.memref_squeeze %dma_wait3A_449 : memref<1x1x8192xf32, #tpu.memory_space<hbm>> -> memref<8192xf32, #tpu.memory_space<hbm>>
    %dma_wait3A_451 = tpu.memref_slice %arg2[%dma_wait3A_448, %select_n3A, %add3A_250] : memref<5x8x131072xf32, #tpu.memory_space<hbm>> -> memref<1x1x8192xf32, #tpu.memory_space<hbm>>
    %dma_wait3A_452 = tpu.memref_squeeze %dma_wait3A_451 : memref<1x1x8192xf32, #tpu.memory_space<hbm>> -> memref<8192xf32, #tpu.memory_space<hbm>>
    tpu.wait_dma2 semaphore(%arg20 : memref<!tpu.dma_semaphore, #tpu.memory_space<semaphore_mem>>) src(%dma_wait3A_452 : memref<8192xf32, #tpu.memory_space<hbm>>) dst(%arg7 : memref<8192xf32, #tpu.memory_space<vmem>>)
    %add3A_453 = arith.constant 16384 : i32
    %add3A_454 = arith.addi %mul3A_2, %add3A_453 : i32
    %dma_start3A_455 = arith.constant 2 : i32
    %dma_start3A_456 = tpu.memref_slice %arg3[%dma_start3A_455, %add3A_454] : memref<4x1048576xf32, #tpu.memory_space<hbm>> -> memref<1x8192xf32, #tpu.memory_space<hbm>>
    %dma_start3A_457 = tpu.memref_squeeze %dma_start3A_456 : memref<1x8192xf32, #tpu.memory_space<hbm>> -> memref<8192xf32, #tpu.memory_space<hbm>>
    %dma_start3A_458 = tpu.memref_slice %arg3[%dma_start3A_455, %add3A_454] : memref<4x1048576xf32, #tpu.memory_space<hbm>> -> memref<1x8192xf32, #tpu.memory_space<hbm>>
    %dma_start3A_459 = tpu.memref_squeeze %dma_start3A_458 : memref<1x8192xf32, #tpu.memory_space<hbm>> -> memref<8192xf32, #tpu.memory_space<hbm>>
    tpu.enqueue_dma source(%arg7 : memref<8192xf32, #tpu.memory_space<vmem>>) target(%dma_start3A_459 : memref<8192xf32, #tpu.memory_space<hbm>>) target_semaphore(%arg22 : memref<!tpu.dma_semaphore, #tpu.memory_space<semaphore_mem>>)
    %parallel_loop3A_460 = arith.constant 0 : i32
    %parallel_loop3A_461 = arith.constant 512 : i32
    %parallel_loop3A_462 = arith.constant 1 : i32
    scf.for %parallel_loop3A_650 = %parallel_loop3A_460 to %parallel_loop3A_461 step %parallel_loop3A_462  : i32 {
      %parallel_loop3A_651 = arith.constant 16 : i32
      %parallel_loop3A_652 = arith.muli %parallel_loop3A_650, %parallel_loop3A_651 : i32
      %parallel_loop3A_653 = arith.index_cast %parallel_loop3A_652 : i32 to index
      %parallel_loop3A_654 = tpu.vector_load %arg7[%parallel_loop3A_653] {strides = array<i32>} : memref<8192xf32, #tpu.memory_space<vmem>>, vector<16xf32>,
      %parallel_loop3A_655 = vector.shape_cast %parallel_loop3A_654 : vector<16xf32> to vector<16xf32>
      %parallel_loop3A_656 = arith.constant -2.000000e+00 : f32
      %parallel_loop3A_657 = vector.broadcast %parallel_loop3A_656 : f32 to vector<16xf32>
      %parallel_loop3A_658 = arith.subf %parallel_loop3A_655, %parallel_loop3A_657 : vector<16xf32>
      %parallel_loop3A_659 = arith.constant 2.500000e+00 : f32
      %parallel_loop3A_660 = vector.broadcast %parallel_loop3A_659 : f32 to vector<16xf32>
      %parallel_loop3A_661 = arith.mulf %parallel_loop3A_658, %parallel_loop3A_660 : vector<16xf32>
      %parallel_loop3A_662 = arith.fptosi %parallel_loop3A_661 : vector<16xf32> to vector<16xi32>
      %parallel_loop3A_663 = arith.sitofp %parallel_loop3A_662 : vector<16xi32> to vector<16xf32>
      %parallel_loop3A_664 = arith.cmpf ogt, %parallel_loop3A_661, %parallel_loop3A_663 : vector<16xf32>
      %parallel_loop3A_665 = arith.select %parallel_loop3A_664, %broadcast_in_dim3A_33, %broadcast_in_dim3A_35 : vector<16xi1>, vector<16xi32>
      %parallel_loop3A_666 = arith.addi %parallel_loop3A_662, %parallel_loop3A_665 : vector<16xi32>
      %parallel_loop3A_667 = arith.index_cast %parallel_loop3A_652 : i32 to index
      %parallel_loop3A_668 = tpu.vector_load %arg15[%parallel_loop3A_667] {strides = array<i32>} : memref<8192xi32, #tpu.memory_space<vmem>>, vector<16xi32>,
      %parallel_loop3A_669 = vector.shape_cast %parallel_loop3A_668 : vector<16xi32> to vector<16xi32>
      %parallel_loop3A_670 = vector.shape_cast %parallel_loop3A_666 : vector<16xi32> to vector<16xi32>
      tpu.vector_store %arg15[%parallel_loop3A_667], %parallel_loop3A_670 {strides = array<i32>} : memref<8192xi32, #tpu.memory_space<vmem>>, vector<16xi32>,
    } {sc.loop_unroll_factor = 4 : i64, sc.parallel_access}
    %add3A_463 = arith.constant 16384 : i32
    %add3A_464 = arith.addi %mul3A_2, %add3A_463 : i32
    %dma_start3A_465 = arith.constant 1 : i32
    %dma_start3A_466 = tpu.memref_slice %arg4[%dma_start3A_465, %add3A_464] : memref<4x1048576xi32, #tpu.memory_space<hbm>> -> memref<1x8192xi32, #tpu.memory_space<hbm>>
    %dma_start3A_467 = tpu.memref_squeeze %dma_start3A_466 : memref<1x8192xi32, #tpu.memory_space<hbm>> -> memref<8192xi32, #tpu.memory_space<hbm>>
    %dma_start3A_468 = tpu.memref_slice %arg4[%dma_start3A_465, %add3A_464] : memref<4x1048576xi32, #tpu.memory_space<hbm>> -> memref<1x8192xi32, #tpu.memory_space<hbm>>
    %dma_start3A_469 = tpu.memref_squeeze %dma_start3A_468 : memref<1x8192xi32, #tpu.memory_space<hbm>> -> memref<8192xi32, #tpu.memory_space<hbm>>
    tpu.enqueue_dma source(%arg15 : memref<8192xi32, #tpu.memory_space<vmem>>) target(%dma_start3A_469 : memref<8192xi32, #tpu.memory_space<hbm>>) target_semaphore(%arg24 : memref<!tpu.dma_semaphore, #tpu.memory_space<semaphore_mem>>)
    %dma_wait3A_470 = arith.constant 3 : i32
    %dma_wait3A_471 = tpu.memref_slice %arg2[%dma_wait3A_470, %select_n3A, %add3A_257] : memref<5x8x131072xf32, #tpu.memory_space<hbm>> -> memref<1x1x8192xf32, #tpu.memory_space<hbm>>
    %dma_wait3A_472 = tpu.memref_squeeze %dma_wait3A_471 : memref<1x1x8192xf32, #tpu.memory_space<hbm>> -> memref<8192xf32, #tpu.memory_space<hbm>>
    %dma_wait3A_473 = tpu.memref_slice %arg2[%dma_wait3A_470, %select_n3A, %add3A_257] : memref<5x8x131072xf32, #tpu.memory_space<hbm>> -> memref<1x1x8192xf32, #tpu.memory_space<hbm>>
    %dma_wait3A_474 = tpu.memref_squeeze %dma_wait3A_473 : memref<1x1x8192xf32, #tpu.memory_space<hbm>> -> memref<8192xf32, #tpu.memory_space<hbm>>
    tpu.wait_dma2 semaphore(%arg20 : memref<!tpu.dma_semaphore, #tpu.memory_space<semaphore_mem>>) src(%dma_wait3A_474 : memref<8192xf32, #tpu.memory_space<hbm>>) dst(%arg8 : memref<8192xf32, #tpu.memory_space<vmem>>)
    %add3A_475 = arith.constant 16384 : i32
    %add3A_476 = arith.addi %mul3A_2, %add3A_475 : i32
    %dma_start3A_477 = arith.constant 3 : i32
    %dma_start3A_478 = tpu.memref_slice %arg3[%dma_start3A_477, %add3A_476] : memref<4x1048576xf32, #tpu.memory_space<hbm>> -> memref<1x8192xf32, #tpu.memory_space<hbm>>
    %dma_start3A_479 = tpu.memref_squeeze %dma_start3A_478 : memref<1x8192xf32, #tpu.memory_space<hbm>> -> memref<8192xf32, #tpu.memory_space<hbm>>
    %dma_start3A_480 = tpu.memref_slice %arg3[%dma_start3A_477, %add3A_476] : memref<4x1048576xf32, #tpu.memory_space<hbm>> -> memref<1x8192xf32, #tpu.memory_space<hbm>>
    %dma_start3A_481 = tpu.memref_squeeze %dma_start3A_480 : memref<1x8192xf32, #tpu.memory_space<hbm>> -> memref<8192xf32, #tpu.memory_space<hbm>>
    tpu.enqueue_dma source(%arg8 : memref<8192xf32, #tpu.memory_space<vmem>>) target(%dma_start3A_481 : memref<8192xf32, #tpu.memory_space<hbm>>) target_semaphore(%arg22 : memref<!tpu.dma_semaphore, #tpu.memory_space<semaphore_mem>>)
    %dma_wait3A_482 = arith.constant 0 : i32
    %dma_wait3A_483 = tpu.memref_slice %arg2[%dma_wait3A_482, %select_n3A, %add3A_377] : memref<5x8x131072xf32, #tpu.memory_space<hbm>> -> memref<1x1x8192xf32, #tpu.memory_space<hbm>>
    %dma_wait3A_484 = tpu.memref_squeeze %dma_wait3A_483 : memref<1x1x8192xf32, #tpu.memory_space<hbm>> -> memref<8192xf32, #tpu.memory_space<hbm>>
    %dma_wait3A_485 = tpu.memref_slice %arg2[%dma_wait3A_482, %select_n3A, %add3A_377] : memref<5x8x131072xf32, #tpu.memory_space<hbm>> -> memref<1x1x8192xf32, #tpu.memory_space<hbm>>
    %dma_wait3A_486 = tpu.memref_squeeze %dma_wait3A_485 : memref<1x1x8192xf32, #tpu.memory_space<hbm>> -> memref<8192xf32, #tpu.memory_space<hbm>>
    tpu.wait_dma2 semaphore(%arg21 : memref<!tpu.dma_semaphore, #tpu.memory_space<semaphore_mem>>) src(%dma_wait3A_486 : memref<8192xf32, #tpu.memory_space<hbm>>) dst(%arg9 : memref<8192xf32, #tpu.memory_space<vmem>>)
    %add3A_487 = arith.constant 24576 : i32
    %add3A_488 = arith.addi %mul3A_2, %add3A_487 : i32
    %dma_start3A_489 = arith.constant 0 : i32
    %dma_start3A_490 = tpu.memref_slice %arg3[%dma_start3A_489, %add3A_488] : memref<4x1048576xf32, #tpu.memory_space<hbm>> -> memref<1x8192xf32, #tpu.memory_space<hbm>>
    %dma_start3A_491 = tpu.memref_squeeze %dma_start3A_490 : memref<1x8192xf32, #tpu.memory_space<hbm>> -> memref<8192xf32, #tpu.memory_space<hbm>>
    %dma_start3A_492 = tpu.memref_slice %arg3[%dma_start3A_489, %add3A_488] : memref<4x1048576xf32, #tpu.memory_space<hbm>> -> memref<1x8192xf32, #tpu.memory_space<hbm>>
    %dma_start3A_493 = tpu.memref_squeeze %dma_start3A_492 : memref<1x8192xf32, #tpu.memory_space<hbm>> -> memref<8192xf32, #tpu.memory_space<hbm>>
    tpu.enqueue_dma source(%arg9 : memref<8192xf32, #tpu.memory_space<vmem>>) target(%dma_start3A_493 : memref<8192xf32, #tpu.memory_space<hbm>>) target_semaphore(%arg23 : memref<!tpu.dma_semaphore, #tpu.memory_space<semaphore_mem>>)
    %parallel_loop3A_494 = arith.constant 0 : i32
    %parallel_loop3A_495 = arith.constant 512 : i32
    %parallel_loop3A_496 = arith.constant 1 : i32
    scf.for %parallel_loop3A_650 = %parallel_loop3A_494 to %parallel_loop3A_495 step %parallel_loop3A_496  : i32 {
      %parallel_loop3A_651 = arith.constant 16 : i32
      %parallel_loop3A_652 = arith.muli %parallel_loop3A_650, %parallel_loop3A_651 : i32
      %parallel_loop3A_653 = arith.index_cast %parallel_loop3A_652 : i32 to index
      %parallel_loop3A_654 = tpu.vector_load %arg9[%parallel_loop3A_653] {strides = array<i32>} : memref<8192xf32, #tpu.memory_space<vmem>>, vector<16xf32>,
      %parallel_loop3A_655 = vector.shape_cast %parallel_loop3A_654 : vector<16xf32> to vector<16xf32>
      %parallel_loop3A_656 = arith.constant 0.000000e+00 : f32
      %parallel_loop3A_657 = vector.broadcast %parallel_loop3A_656 : f32 to vector<16xf32>
      %parallel_loop3A_658 = arith.subf %parallel_loop3A_655, %parallel_loop3A_657 : vector<16xf32>
      %parallel_loop3A_659 = arith.constant 2.500000e+00 : f32
      %parallel_loop3A_660 = vector.broadcast %parallel_loop3A_659 : f32 to vector<16xf32>
      %parallel_loop3A_661 = arith.mulf %parallel_loop3A_658, %parallel_loop3A_660 : vector<16xf32>
      %parallel_loop3A_662 = arith.fptosi %parallel_loop3A_661 : vector<16xf32> to vector<16xi32>
      %parallel_loop3A_663 = arith.sitofp %parallel_loop3A_662 : vector<16xi32> to vector<16xf32>
      %parallel_loop3A_664 = arith.cmpf ogt, %parallel_loop3A_661, %parallel_loop3A_663 : vector<16xf32>
      %parallel_loop3A_665 = arith.select %parallel_loop3A_664, %broadcast_in_dim3A_33, %broadcast_in_dim3A_35 : vector<16xi1>, vector<16xi32>
      %parallel_loop3A_666 = arith.addi %parallel_loop3A_662, %parallel_loop3A_665 : vector<16xi32>
      %parallel_loop3A_667 = arith.index_cast %parallel_loop3A_652 : i32 to index
      %parallel_loop3A_668 = tpu.vector_load %arg16[%parallel_loop3A_667] {strides = array<i32>} : memref<8192xi32, #tpu.memory_space<vmem>>, vector<16xi32>,
      %parallel_loop3A_669 = vector.shape_cast %parallel_loop3A_668 : vector<16xi32> to vector<16xi32>
      %parallel_loop3A_670 = vector.shape_cast %parallel_loop3A_666 : vector<16xi32> to vector<16xi32>
      tpu.vector_store %arg16[%parallel_loop3A_667], %parallel_loop3A_670 {strides = array<i32>} : memref<8192xi32, #tpu.memory_space<vmem>>, vector<16xi32>,
    } {sc.loop_unroll_factor = 4 : i64, sc.parallel_access}
    %add3A_497 = arith.constant 24576 : i32
    %add3A_498 = arith.addi %mul3A_2, %add3A_497 : i32
    %dma_start3A_499 = arith.constant 3 : i32
    %dma_start3A_500 = tpu.memref_slice %arg4[%dma_start3A_499, %add3A_498] : memref<4x1048576xi32, #tpu.memory_space<hbm>> -> memref<1x8192xi32, #tpu.memory_space<hbm>>
    %dma_start3A_501 = tpu.memref_squeeze %dma_start3A_500 : memref<1x8192xi32, #tpu.memory_space<hbm>> -> memref<8192xi32, #tpu.memory_space<hbm>>
    %dma_start3A_502 = tpu.memref_slice %arg4[%dma_start3A_499, %add3A_498] : memref<4x1048576xi32, #tpu.memory_space<hbm>> -> memref<1x8192xi32, #tpu.memory_space<hbm>>
    %dma_start3A_503 = tpu.memref_squeeze %dma_start3A_502 : memref<1x8192xi32, #tpu.memory_space<hbm>> -> memref<8192xi32, #tpu.memory_space<hbm>>
    tpu.enqueue_dma source(%arg16 : memref<8192xi32, #tpu.memory_space<vmem>>) target(%dma_start3A_503 : memref<8192xi32, #tpu.memory_space<hbm>>) target_semaphore(%arg25 : memref<!tpu.dma_semaphore, #tpu.memory_space<semaphore_mem>>)
    %dma_wait3A_504 = arith.constant 1 : i32
    %dma_wait3A_505 = tpu.memref_slice %arg2[%dma_wait3A_504, %select_n3A, %add3A_384] : memref<5x8x131072xf32, #tpu.memory_space<hbm>> -> memref<1x1x8192xf32, #tpu.memory_space<hbm>>
    %dma_wait3A_506 = tpu.memref_squeeze %dma_wait3A_505 : memref<1x1x8192xf32, #tpu.memory_space<hbm>> -> memref<8192xf32, #tpu.memory_space<hbm>>
    %dma_wait3A_507 = tpu.memref_slice %arg2[%dma_wait3A_504, %select_n3A, %add3A_384] : memref<5x8x131072xf32, #tpu.memory_space<hbm>> -> memref<1x1x8192xf32, #tpu.memory_space<hbm>>
    %dma_wait3A_508 = tpu.memref_squeeze %dma_wait3A_507 : memref<1x1x8192xf32, #tpu.memory_space<hbm>> -> memref<8192xf32, #tpu.memory_space<hbm>>
    tpu.wait_dma2 semaphore(%arg21 : memref<!tpu.dma_semaphore, #tpu.memory_space<semaphore_mem>>) src(%dma_wait3A_508 : memref<8192xf32, #tpu.memory_space<hbm>>) dst(%arg10 : memref<8192xf32, #tpu.memory_space<vmem>>)
    %add3A_509 = arith.constant 24576 : i32
    %add3A_510 = arith.addi %mul3A_2, %add3A_509 : i32
    %dma_start3A_511 = arith.constant 1 : i32
    %dma_start3A_512 = tpu.memref_slice %arg3[%dma_start3A_511, %add3A_510] : memref<4x1048576xf32, #tpu.memory_space<hbm>> -> memref<1x8192xf32, #tpu.memory_space<hbm>>
    %dma_start3A_513 = tpu.memref_squeeze %dma_start3A_512 : memref<1x8192xf32, #tpu.memory_space<hbm>> -> memref<8192xf32, #tpu.memory_space<hbm>>
    %dma_start3A_514 = tpu.memref_slice %arg3[%dma_start3A_511, %add3A_510] : memref<4x1048576xf32, #tpu.memory_space<hbm>> -> memref<1x8192xf32, #tpu.memory_space<hbm>>
    %dma_start3A_515 = tpu.memref_squeeze %dma_start3A_514 : memref<1x8192xf32, #tpu.memory_space<hbm>> -> memref<8192xf32, #tpu.memory_space<hbm>>
    tpu.enqueue_dma source(%arg10 : memref<8192xf32, #tpu.memory_space<vmem>>) target(%dma_start3A_515 : memref<8192xf32, #tpu.memory_space<hbm>>) target_semaphore(%arg23 : memref<!tpu.dma_semaphore, #tpu.memory_space<semaphore_mem>>)
    %parallel_loop3A_516 = arith.constant 0 : i32
    %parallel_loop3A_517 = arith.constant 512 : i32
    %parallel_loop3A_518 = arith.constant 1 : i32
    scf.for %parallel_loop3A_650 = %parallel_loop3A_516 to %parallel_loop3A_517 step %parallel_loop3A_518  : i32 {
      %parallel_loop3A_651 = arith.constant 16 : i32
      %parallel_loop3A_652 = arith.muli %parallel_loop3A_650, %parallel_loop3A_651 : i32
      %parallel_loop3A_653 = arith.index_cast %parallel_loop3A_652 : i32 to index
      %parallel_loop3A_654 = tpu.vector_load %arg10[%parallel_loop3A_653] {strides = array<i32>} : memref<8192xf32, #tpu.memory_space<vmem>>, vector<16xf32>,
      %parallel_loop3A_655 = vector.shape_cast %parallel_loop3A_654 : vector<16xf32> to vector<16xf32>
      %parallel_loop3A_656 = arith.constant -5.000000e+01 : f32
      %parallel_loop3A_657 = vector.broadcast %parallel_loop3A_656 : f32 to vector<16xf32>
      %parallel_loop3A_658 = arith.subf %parallel_loop3A_655, %parallel_loop3A_657 : vector<16xf32>
      %parallel_loop3A_659 = arith.constant 2.500000e+00 : f32
      %parallel_loop3A_660 = vector.broadcast %parallel_loop3A_659 : f32 to vector<16xf32>
      %parallel_loop3A_661 = arith.mulf %parallel_loop3A_658, %parallel_loop3A_660 : vector<16xf32>
      %parallel_loop3A_662 = arith.fptosi %parallel_loop3A_661 : vector<16xf32> to vector<16xi32>
      %parallel_loop3A_663 = arith.sitofp %parallel_loop3A_662 : vector<16xi32> to vector<16xf32>
      %parallel_loop3A_664 = arith.cmpf ogt, %parallel_loop3A_661, %parallel_loop3A_663 : vector<16xf32>
      %parallel_loop3A_665 = arith.select %parallel_loop3A_664, %broadcast_in_dim3A_33, %broadcast_in_dim3A_35 : vector<16xi1>, vector<16xi32>
      %parallel_loop3A_666 = arith.addi %parallel_loop3A_662, %parallel_loop3A_665 : vector<16xi32>
      %parallel_loop3A_667 = arith.index_cast %parallel_loop3A_652 : i32 to index
      %parallel_loop3A_668 = tpu.vector_load %arg17[%parallel_loop3A_667] {strides = array<i32>} : memref<8192xi32, #tpu.memory_space<vmem>>, vector<16xi32>,
      %parallel_loop3A_669 = vector.shape_cast %parallel_loop3A_668 : vector<16xi32> to vector<16xi32>
      %parallel_loop3A_670 = vector.shape_cast %parallel_loop3A_666 : vector<16xi32> to vector<16xi32>
      tpu.vector_store %arg17[%parallel_loop3A_667], %parallel_loop3A_670 {strides = array<i32>} : memref<8192xi32, #tpu.memory_space<vmem>>, vector<16xi32>,
    } {sc.loop_unroll_factor = 4 : i64, sc.parallel_access}
    %add3A_519 = arith.constant 24576 : i32
    %add3A_520 = arith.addi %mul3A_2, %add3A_519 : i32
    %dma_start3A_521 = arith.constant 2 : i32
    %dma_start3A_522 = tpu.memref_slice %arg4[%dma_start3A_521, %add3A_520] : memref<4x1048576xi32, #tpu.memory_space<hbm>> -> memref<1x8192xi32, #tpu.memory_space<hbm>>
    %dma_start3A_523 = tpu.memref_squeeze %dma_start3A_522 : memref<1x8192xi32, #tpu.memory_space<hbm>> -> memref<8192xi32, #tpu.memory_space<hbm>>
    %dma_start3A_524 = tpu.memref_slice %arg4[%dma_start3A_521, %add3A_520] : memref<4x1048576xi32, #tpu.memory_space<hbm>> -> memref<1x8192xi32, #tpu.memory_space<hbm>>
    %dma_start3A_525 = tpu.memref_squeeze %dma_start3A_524 : memref<1x8192xi32, #tpu.memory_space<hbm>> -> memref<8192xi32, #tpu.memory_space<hbm>>
    tpu.enqueue_dma source(%arg17 : memref<8192xi32, #tpu.memory_space<vmem>>) target(%dma_start3A_525 : memref<8192xi32, #tpu.memory_space<hbm>>) target_semaphore(%arg25 : memref<!tpu.dma_semaphore, #tpu.memory_space<semaphore_mem>>)
    %dma_wait3A_526 = arith.constant 2 : i32
    %dma_wait3A_527 = tpu.memref_slice %arg2[%dma_wait3A_526, %select_n3A, %add3A_391] : memref<5x8x131072xf32, #tpu.memory_space<hbm>> -> memref<1x1x8192xf32, #tpu.memory_space<hbm>>
    %dma_wait3A_528 = tpu.memref_squeeze %dma_wait3A_527 : memref<1x1x8192xf32, #tpu.memory_space<hbm>> -> memref<8192xf32, #tpu.memory_space<hbm>>
    %dma_wait3A_529 = tpu.memref_slice %arg2[%dma_wait3A_526, %select_n3A, %add3A_391] : memref<5x8x131072xf32, #tpu.memory_space<hbm>> -> memref<1x1x8192xf32, #tpu.memory_space<hbm>>
    %dma_wait3A_530 = tpu.memref_squeeze %dma_wait3A_529 : memref<1x1x8192xf32, #tpu.memory_space<hbm>> -> memref<8192xf32, #tpu.memory_space<hbm>>
    tpu.wait_dma2 semaphore(%arg21 : memref<!tpu.dma_semaphore, #tpu.memory_space<semaphore_mem>>) src(%dma_wait3A_530 : memref<8192xf32, #tpu.memory_space<hbm>>) dst(%arg11 : memref<8192xf32, #tpu.memory_space<vmem>>)
    %add3A_531 = arith.constant 24576 : i32
    %add3A_532 = arith.addi %mul3A_2, %add3A_531 : i32
    %dma_start3A_533 = arith.constant 2 : i32
    %dma_start3A_534 = tpu.memref_slice %arg3[%dma_start3A_533, %add3A_532] : memref<4x1048576xf32, #tpu.memory_space<hbm>> -> memref<1x8192xf32, #tpu.memory_space<hbm>>
    %dma_start3A_535 = tpu.memref_squeeze %dma_start3A_534 : memref<1x8192xf32, #tpu.memory_space<hbm>> -> memref<8192xf32, #tpu.memory_space<hbm>>
    %dma_start3A_536 = tpu.memref_slice %arg3[%dma_start3A_533, %add3A_532] : memref<4x1048576xf32, #tpu.memory_space<hbm>> -> memref<1x8192xf32, #tpu.memory_space<hbm>>
    %dma_start3A_537 = tpu.memref_squeeze %dma_start3A_536 : memref<1x8192xf32, #tpu.memory_space<hbm>> -> memref<8192xf32, #tpu.memory_space<hbm>>
    tpu.enqueue_dma source(%arg11 : memref<8192xf32, #tpu.memory_space<vmem>>) target(%dma_start3A_537 : memref<8192xf32, #tpu.memory_space<hbm>>) target_semaphore(%arg23 : memref<!tpu.dma_semaphore, #tpu.memory_space<semaphore_mem>>)
    %parallel_loop3A_538 = arith.constant 0 : i32
    %parallel_loop3A_539 = arith.constant 512 : i32
    %parallel_loop3A_540 = arith.constant 1 : i32
    scf.for %parallel_loop3A_650 = %parallel_loop3A_538 to %parallel_loop3A_539 step %parallel_loop3A_540  : i32 {
      %parallel_loop3A_651 = arith.constant 16 : i32
      %parallel_loop3A_652 = arith.muli %parallel_loop3A_650, %parallel_loop3A_651 : i32
      %parallel_loop3A_653 = arith.index_cast %parallel_loop3A_652 : i32 to index
      %parallel_loop3A_654 = tpu.vector_load %arg11[%parallel_loop3A_653] {strides = array<i32>} : memref<8192xf32, #tpu.memory_space<vmem>>, vector<16xf32>,
      %parallel_loop3A_655 = vector.shape_cast %parallel_loop3A_654 : vector<16xf32> to vector<16xf32>
      %parallel_loop3A_656 = arith.constant -2.000000e+00 : f32
      %parallel_loop3A_657 = vector.broadcast %parallel_loop3A_656 : f32 to vector<16xf32>
      %parallel_loop3A_658 = arith.subf %parallel_loop3A_655, %parallel_loop3A_657 : vector<16xf32>
      %parallel_loop3A_659 = arith.constant 2.500000e+00 : f32
      %parallel_loop3A_660 = vector.broadcast %parallel_loop3A_659 : f32 to vector<16xf32>
      %parallel_loop3A_661 = arith.mulf %parallel_loop3A_658, %parallel_loop3A_660 : vector<16xf32>
      %parallel_loop3A_662 = arith.fptosi %parallel_loop3A_661 : vector<16xf32> to vector<16xi32>
      %parallel_loop3A_663 = arith.sitofp %parallel_loop3A_662 : vector<16xi32> to vector<16xf32>
      %parallel_loop3A_664 = arith.cmpf ogt, %parallel_loop3A_661, %parallel_loop3A_663 : vector<16xf32>
      %parallel_loop3A_665 = arith.select %parallel_loop3A_664, %broadcast_in_dim3A_33, %broadcast_in_dim3A_35 : vector<16xi1>, vector<16xi32>
      %parallel_loop3A_666 = arith.addi %parallel_loop3A_662, %parallel_loop3A_665 : vector<16xi32>
      %parallel_loop3A_667 = arith.index_cast %parallel_loop3A_652 : i32 to index
      %parallel_loop3A_668 = tpu.vector_load %arg18[%parallel_loop3A_667] {strides = array<i32>} : memref<8192xi32, #tpu.memory_space<vmem>>, vector<16xi32>,
      %parallel_loop3A_669 = vector.shape_cast %parallel_loop3A_668 : vector<16xi32> to vector<16xi32>
      %parallel_loop3A_670 = vector.shape_cast %parallel_loop3A_666 : vector<16xi32> to vector<16xi32>
      tpu.vector_store %arg18[%parallel_loop3A_667], %parallel_loop3A_670 {strides = array<i32>} : memref<8192xi32, #tpu.memory_space<vmem>>, vector<16xi32>,
    } {sc.loop_unroll_factor = 4 : i64, sc.parallel_access}
    %add3A_541 = arith.constant 24576 : i32
    %add3A_542 = arith.addi %mul3A_2, %add3A_541 : i32
    %dma_start3A_543 = arith.constant 1 : i32
    %dma_start3A_544 = tpu.memref_slice %arg4[%dma_start3A_543, %add3A_542] : memref<4x1048576xi32, #tpu.memory_space<hbm>> -> memref<1x8192xi32, #tpu.memory_space<hbm>>
    %dma_start3A_545 = tpu.memref_squeeze %dma_start3A_544 : memref<1x8192xi32, #tpu.memory_space<hbm>> -> memref<8192xi32, #tpu.memory_space<hbm>>
    %dma_start3A_546 = tpu.memref_slice %arg4[%dma_start3A_543, %add3A_542] : memref<4x1048576xi32, #tpu.memory_space<hbm>> -> memref<1x8192xi32, #tpu.memory_space<hbm>>
    %dma_start3A_547 = tpu.memref_squeeze %dma_start3A_546 : memref<1x8192xi32, #tpu.memory_space<hbm>> -> memref<8192xi32, #tpu.memory_space<hbm>>
    tpu.enqueue_dma source(%arg18 : memref<8192xi32, #tpu.memory_space<vmem>>) target(%dma_start3A_547 : memref<8192xi32, #tpu.memory_space<hbm>>) target_semaphore(%arg25 : memref<!tpu.dma_semaphore, #tpu.memory_space<semaphore_mem>>)
    %dma_wait3A_548 = arith.constant 3 : i32
    %dma_wait3A_549 = tpu.memref_slice %arg2[%dma_wait3A_548, %select_n3A, %add3A_398] : memref<5x8x131072xf32, #tpu.memory_space<hbm>> -> memref<1x1x8192xf32, #tpu.memory_space<hbm>>
    %dma_wait3A_550 = tpu.memref_squeeze %dma_wait3A_549 : memref<1x1x8192xf32, #tpu.memory_space<hbm>> -> memref<8192xf32, #tpu.memory_space<hbm>>
    %dma_wait3A_551 = tpu.memref_slice %arg2[%dma_wait3A_548, %select_n3A, %add3A_398] : memref<5x8x131072xf32, #tpu.memory_space<hbm>> -> memref<1x1x8192xf32, #tpu.memory_space<hbm>>
    %dma_wait3A_552 = tpu.memref_squeeze %dma_wait3A_551 : memref<1x1x8192xf32, #tpu.memory_space<hbm>> -> memref<8192xf32, #tpu.memory_space<hbm>>
    tpu.wait_dma2 semaphore(%arg21 : memref<!tpu.dma_semaphore, #tpu.memory_space<semaphore_mem>>) src(%dma_wait3A_552 : memref<8192xf32, #tpu.memory_space<hbm>>) dst(%arg12 : memref<8192xf32, #tpu.memory_space<vmem>>)
    %add3A_553 = arith.constant 24576 : i32
    %add3A_554 = arith.addi %mul3A_2, %add3A_553 : i32
    %dma_start3A_555 = arith.constant 3 : i32
    %dma_start3A_556 = tpu.memref_slice %arg3[%dma_start3A_555, %add3A_554] : memref<4x1048576xf32, #tpu.memory_space<hbm>> -> memref<1x8192xf32, #tpu.memory_space<hbm>>
    %dma_start3A_557 = tpu.memref_squeeze %dma_start3A_556 : memref<1x8192xf32, #tpu.memory_space<hbm>> -> memref<8192xf32, #tpu.memory_space<hbm>>
    %dma_start3A_558 = tpu.memref_slice %arg3[%dma_start3A_555, %add3A_554] : memref<4x1048576xf32, #tpu.memory_space<hbm>> -> memref<1x8192xf32, #tpu.memory_space<hbm>>
    %dma_start3A_559 = tpu.memref_squeeze %dma_start3A_558 : memref<1x8192xf32, #tpu.memory_space<hbm>> -> memref<8192xf32, #tpu.memory_space<hbm>>
    tpu.enqueue_dma source(%arg12 : memref<8192xf32, #tpu.memory_space<vmem>>) target(%dma_start3A_559 : memref<8192xf32, #tpu.memory_space<hbm>>) target_semaphore(%arg23 : memref<!tpu.dma_semaphore, #tpu.memory_space<semaphore_mem>>)
    %dma_wait3A_560 = arith.constant 0 : i32
    %dma_wait3A_561 = tpu.memref_slice %arg3[%dma_wait3A_560, %add3A_410] : memref<4x1048576xf32, #tpu.memory_space<hbm>> -> memref<1x8192xf32, #tpu.memory_space<hbm>>
    %dma_wait3A_562 = tpu.memref_squeeze %dma_wait3A_561 : memref<1x8192xf32, #tpu.memory_space<hbm>> -> memref<8192xf32, #tpu.memory_space<hbm>>
    %dma_wait3A_563 = tpu.memref_slice %arg3[%dma_wait3A_560, %add3A_410] : memref<4x1048576xf32, #tpu.memory_space<hbm>> -> memref<1x8192xf32, #tpu.memory_space<hbm>>
    %dma_wait3A_564 = tpu.memref_squeeze %dma_wait3A_563 : memref<1x8192xf32, #tpu.memory_space<hbm>> -> memref<8192xf32, #tpu.memory_space<hbm>>
    tpu.wait_dma2 semaphore(%arg22 : memref<!tpu.dma_semaphore, #tpu.memory_space<semaphore_mem>>) src(%arg5 : memref<8192xf32, #tpu.memory_space<vmem>>) dst(%dma_wait3A_564 : memref<8192xf32, #tpu.memory_space<hbm>>)
    %dma_wait3A_565 = arith.constant 3 : i32
    %dma_wait3A_566 = tpu.memref_slice %arg4[%dma_wait3A_565, %add3A_420] : memref<4x1048576xi32, #tpu.memory_space<hbm>> -> memref<1x8192xi32, #tpu.memory_space<hbm>>
    %dma_wait3A_567 = tpu.memref_squeeze %dma_wait3A_566 : memref<1x8192xi32, #tpu.memory_space<hbm>> -> memref<8192xi32, #tpu.memory_space<hbm>>
    %dma_wait3A_568 = tpu.memref_slice %arg4[%dma_wait3A_565, %add3A_420] : memref<4x1048576xi32, #tpu.memory_space<hbm>> -> memref<1x8192xi32, #tpu.memory_space<hbm>>
    %dma_wait3A_569 = tpu.memref_squeeze %dma_wait3A_568 : memref<1x8192xi32, #tpu.memory_space<hbm>> -> memref<8192xi32, #tpu.memory_space<hbm>>
    tpu.wait_dma2 semaphore(%arg24 : memref<!tpu.dma_semaphore, #tpu.memory_space<semaphore_mem>>) src(%arg13 : memref<8192xi32, #tpu.memory_space<vmem>>) dst(%dma_wait3A_569 : memref<8192xi32, #tpu.memory_space<hbm>>)
    %dma_wait3A_570 = arith.constant 1 : i32
    %dma_wait3A_571 = tpu.memref_slice %arg3[%dma_wait3A_570, %add3A_432] : memref<4x1048576xf32, #tpu.memory_space<hbm>> -> memref<1x8192xf32, #tpu.memory_space<hbm>>
    %dma_wait3A_572 = tpu.memref_squeeze %dma_wait3A_571 : memref<1x8192xf32, #tpu.memory_space<hbm>> -> memref<8192xf32, #tpu.memory_space<hbm>>
    %dma_wait3A_573 = tpu.memref_slice %arg3[%dma_wait3A_570, %add3A_432] : memref<4x1048576xf32, #tpu.memory_space<hbm>> -> memref<1x8192xf32, #tpu.memory_space<hbm>>
    %dma_wait3A_574 = tpu.memref_squeeze %dma_wait3A_573 : memref<1x8192xf32, #tpu.memory_space<hbm>> -> memref<8192xf32, #tpu.memory_space<hbm>>
    tpu.wait_dma2 semaphore(%arg22 : memref<!tpu.dma_semaphore, #tpu.memory_space<semaphore_mem>>) src(%arg6 : memref<8192xf32, #tpu.memory_space<vmem>>) dst(%dma_wait3A_574 : memref<8192xf32, #tpu.memory_space<hbm>>)
    %dma_wait3A_575 = arith.constant 2 : i32
    %dma_wait3A_576 = tpu.memref_slice %arg4[%dma_wait3A_575, %add3A_442] : memref<4x1048576xi32, #tpu.memory_space<hbm>> -> memref<1x8192xi32, #tpu.memory_space<hbm>>
    %dma_wait3A_577 = tpu.memref_squeeze %dma_wait3A_576 : memref<1x8192xi32, #tpu.memory_space<hbm>> -> memref<8192xi32, #tpu.memory_space<hbm>>
    %dma_wait3A_578 = tpu.memref_slice %arg4[%dma_wait3A_575, %add3A_442] : memref<4x1048576xi32, #tpu.memory_space<hbm>> -> memref<1x8192xi32, #tpu.memory_space<hbm>>
    %dma_wait3A_579 = tpu.memref_squeeze %dma_wait3A_578 : memref<1x8192xi32, #tpu.memory_space<hbm>> -> memref<8192xi32, #tpu.memory_space<hbm>>
    tpu.wait_dma2 semaphore(%arg24 : memref<!tpu.dma_semaphore, #tpu.memory_space<semaphore_mem>>) src(%arg14 : memref<8192xi32, #tpu.memory_space<vmem>>) dst(%dma_wait3A_579 : memref<8192xi32, #tpu.memory_space<hbm>>)
    %dma_wait3A_580 = arith.constant 2 : i32
    %dma_wait3A_581 = tpu.memref_slice %arg3[%dma_wait3A_580, %add3A_454] : memref<4x1048576xf32, #tpu.memory_space<hbm>> -> memref<1x8192xf32, #tpu.memory_space<hbm>>
    %dma_wait3A_582 = tpu.memref_squeeze %dma_wait3A_581 : memref<1x8192xf32, #tpu.memory_space<hbm>> -> memref<8192xf32, #tpu.memory_space<hbm>>
    %dma_wait3A_583 = tpu.memref_slice %arg3[%dma_wait3A_580, %add3A_454] : memref<4x1048576xf32, #tpu.memory_space<hbm>> -> memref<1x8192xf32, #tpu.memory_space<hbm>>
    %dma_wait3A_584 = tpu.memref_squeeze %dma_wait3A_583 : memref<1x8192xf32, #tpu.memory_space<hbm>> -> memref<8192xf32, #tpu.memory_space<hbm>>
    tpu.wait_dma2 semaphore(%arg22 : memref<!tpu.dma_semaphore, #tpu.memory_space<semaphore_mem>>) src(%arg7 : memref<8192xf32, #tpu.memory_space<vmem>>) dst(%dma_wait3A_584 : memref<8192xf32, #tpu.memory_space<hbm>>)
    %dma_wait3A_585 = arith.constant 1 : i32
    %dma_wait3A_586 = tpu.memref_slice %arg4[%dma_wait3A_585, %add3A_464] : memref<4x1048576xi32, #tpu.memory_space<hbm>> -> memref<1x8192xi32, #tpu.memory_space<hbm>>
    %dma_wait3A_587 = tpu.memref_squeeze %dma_wait3A_586 : memref<1x8192xi32, #tpu.memory_space<hbm>> -> memref<8192xi32, #tpu.memory_space<hbm>>
    %dma_wait3A_588 = tpu.memref_slice %arg4[%dma_wait3A_585, %add3A_464] : memref<4x1048576xi32, #tpu.memory_space<hbm>> -> memref<1x8192xi32, #tpu.memory_space<hbm>>
    %dma_wait3A_589 = tpu.memref_squeeze %dma_wait3A_588 : memref<1x8192xi32, #tpu.memory_space<hbm>> -> memref<8192xi32, #tpu.memory_space<hbm>>
    tpu.wait_dma2 semaphore(%arg24 : memref<!tpu.dma_semaphore, #tpu.memory_space<semaphore_mem>>) src(%arg15 : memref<8192xi32, #tpu.memory_space<vmem>>) dst(%dma_wait3A_589 : memref<8192xi32, #tpu.memory_space<hbm>>)
    %dma_wait3A_590 = arith.constant 3 : i32
    %dma_wait3A_591 = tpu.memref_slice %arg3[%dma_wait3A_590, %add3A_476] : memref<4x1048576xf32, #tpu.memory_space<hbm>> -> memref<1x8192xf32, #tpu.memory_space<hbm>>
    %dma_wait3A_592 = tpu.memref_squeeze %dma_wait3A_591 : memref<1x8192xf32, #tpu.memory_space<hbm>> -> memref<8192xf32, #tpu.memory_space<hbm>>
    %dma_wait3A_593 = tpu.memref_slice %arg3[%dma_wait3A_590, %add3A_476] : memref<4x1048576xf32, #tpu.memory_space<hbm>> -> memref<1x8192xf32, #tpu.memory_space<hbm>>
    %dma_wait3A_594 = tpu.memref_squeeze %dma_wait3A_593 : memref<1x8192xf32, #tpu.memory_space<hbm>> -> memref<8192xf32, #tpu.memory_space<hbm>>
    tpu.wait_dma2 semaphore(%arg22 : memref<!tpu.dma_semaphore, #tpu.memory_space<semaphore_mem>>) src(%arg8 : memref<8192xf32, #tpu.memory_space<vmem>>) dst(%dma_wait3A_594 : memref<8192xf32, #tpu.memory_space<hbm>>)
    %dma_wait3A_595 = arith.constant 0 : i32
    %dma_wait3A_596 = tpu.memref_slice %arg3[%dma_wait3A_595, %add3A_488] : memref<4x1048576xf32, #tpu.memory_space<hbm>> -> memref<1x8192xf32, #tpu.memory_space<hbm>>
    %dma_wait3A_597 = tpu.memref_squeeze %dma_wait3A_596 : memref<1x8192xf32, #tpu.memory_space<hbm>> -> memref<8192xf32, #tpu.memory_space<hbm>>
    %dma_wait3A_598 = tpu.memref_slice %arg3[%dma_wait3A_595, %add3A_488] : memref<4x1048576xf32, #tpu.memory_space<hbm>> -> memref<1x8192xf32, #tpu.memory_space<hbm>>
    %dma_wait3A_599 = tpu.memref_squeeze %dma_wait3A_598 : memref<1x8192xf32, #tpu.memory_space<hbm>> -> memref<8192xf32, #tpu.memory_space<hbm>>
    tpu.wait_dma2 semaphore(%arg23 : memref<!tpu.dma_semaphore, #tpu.memory_space<semaphore_mem>>) src(%arg9 : memref<8192xf32, #tpu.memory_space<vmem>>) dst(%dma_wait3A_599 : memref<8192xf32, #tpu.memory_space<hbm>>)
    %dma_wait3A_600 = arith.constant 3 : i32
    %dma_wait3A_601 = tpu.memref_slice %arg4[%dma_wait3A_600, %add3A_498] : memref<4x1048576xi32, #tpu.memory_space<hbm>> -> memref<1x8192xi32, #tpu.memory_space<hbm>>
    %dma_wait3A_602 = tpu.memref_squeeze %dma_wait3A_601 : memref<1x8192xi32, #tpu.memory_space<hbm>> -> memref<8192xi32, #tpu.memory_space<hbm>>
    %dma_wait3A_603 = tpu.memref_slice %arg4[%dma_wait3A_600, %add3A_498] : memref<4x1048576xi32, #tpu.memory_space<hbm>> -> memref<1x8192xi32, #tpu.memory_space<hbm>>
    %dma_wait3A_604 = tpu.memref_squeeze %dma_wait3A_603 : memref<1x8192xi32, #tpu.memory_space<hbm>> -> memref<8192xi32, #tpu.memory_space<hbm>>
    tpu.wait_dma2 semaphore(%arg25 : memref<!tpu.dma_semaphore, #tpu.memory_space<semaphore_mem>>) src(%arg16 : memref<8192xi32, #tpu.memory_space<vmem>>) dst(%dma_wait3A_604 : memref<8192xi32, #tpu.memory_space<hbm>>)
    %dma_wait3A_605 = arith.constant 1 : i32
    %dma_wait3A_606 = tpu.memref_slice %arg3[%dma_wait3A_605, %add3A_510] : memref<4x1048576xf32, #tpu.memory_space<hbm>> -> memref<1x8192xf32, #tpu.memory_space<hbm>>
    %dma_wait3A_607 = tpu.memref_squeeze %dma_wait3A_606 : memref<1x8192xf32, #tpu.memory_space<hbm>> -> memref<8192xf32, #tpu.memory_space<hbm>>
    %dma_wait3A_608 = tpu.memref_slice %arg3[%dma_wait3A_605, %add3A_510] : memref<4x1048576xf32, #tpu.memory_space<hbm>> -> memref<1x8192xf32, #tpu.memory_space<hbm>>
    %dma_wait3A_609 = tpu.memref_squeeze %dma_wait3A_608 : memref<1x8192xf32, #tpu.memory_space<hbm>> -> memref<8192xf32, #tpu.memory_space<hbm>>
    tpu.wait_dma2 semaphore(%arg23 : memref<!tpu.dma_semaphore, #tpu.memory_space<semaphore_mem>>) src(%arg10 : memref<8192xf32, #tpu.memory_space<vmem>>) dst(%dma_wait3A_609 : memref<8192xf32, #tpu.memory_space<hbm>>)
    %dma_wait3A_610 = arith.constant 2 : i32
    %dma_wait3A_611 = tpu.memref_slice %arg4[%dma_wait3A_610, %add3A_520] : memref<4x1048576xi32, #tpu.memory_space<hbm>> -> memref<1x8192xi32, #tpu.memory_space<hbm>>
    %dma_wait3A_612 = tpu.memref_squeeze %dma_wait3A_611 : memref<1x8192xi32, #tpu.memory_space<hbm>> -> memref<8192xi32, #tpu.memory_space<hbm>>
    %dma_wait3A_613 = tpu.memref_slice %arg4[%dma_wait3A_610, %add3A_520] : memref<4x1048576xi32, #tpu.memory_space<hbm>> -> memref<1x8192xi32, #tpu.memory_space<hbm>>
    %dma_wait3A_614 = tpu.memref_squeeze %dma_wait3A_613 : memref<1x8192xi32, #tpu.memory_space<hbm>> -> memref<8192xi32, #tpu.memory_space<hbm>>
    tpu.wait_dma2 semaphore(%arg25 : memref<!tpu.dma_semaphore, #tpu.memory_space<semaphore_mem>>) src(%arg17 : memref<8192xi32, #tpu.memory_space<vmem>>) dst(%dma_wait3A_614 : memref<8192xi32, #tpu.memory_space<hbm>>)
    %dma_wait3A_615 = arith.constant 2 : i32
    %dma_wait3A_616 = tpu.memref_slice %arg3[%dma_wait3A_615, %add3A_532] : memref<4x1048576xf32, #tpu.memory_space<hbm>> -> memref<1x8192xf32, #tpu.memory_space<hbm>>
    %dma_wait3A_617 = tpu.memref_squeeze %dma_wait3A_616 : memref<1x8192xf32, #tpu.memory_space<hbm>> -> memref<8192xf32, #tpu.memory_space<hbm>>
    %dma_wait3A_618 = tpu.memref_slice %arg3[%dma_wait3A_615, %add3A_532] : memref<4x1048576xf32, #tpu.memory_space<hbm>> -> memref<1x8192xf32, #tpu.memory_space<hbm>>
    %dma_wait3A_619 = tpu.memref_squeeze %dma_wait3A_618 : memref<1x8192xf32, #tpu.memory_space<hbm>> -> memref<8192xf32, #tpu.memory_space<hbm>>
    tpu.wait_dma2 semaphore(%arg23 : memref<!tpu.dma_semaphore, #tpu.memory_space<semaphore_mem>>) src(%arg11 : memref<8192xf32, #tpu.memory_space<vmem>>) dst(%dma_wait3A_619 : memref<8192xf32, #tpu.memory_space<hbm>>)
    %dma_wait3A_620 = arith.constant 1 : i32
    %dma_wait3A_621 = tpu.memref_slice %arg4[%dma_wait3A_620, %add3A_542] : memref<4x1048576xi32, #tpu.memory_space<hbm>> -> memref<1x8192xi32, #tpu.memory_space<hbm>>
    %dma_wait3A_622 = tpu.memref_squeeze %dma_wait3A_621 : memref<1x8192xi32, #tpu.memory_space<hbm>> -> memref<8192xi32, #tpu.memory_space<hbm>>
    %dma_wait3A_623 = tpu.memref_slice %arg4[%dma_wait3A_620, %add3A_542] : memref<4x1048576xi32, #tpu.memory_space<hbm>> -> memref<1x8192xi32, #tpu.memory_space<hbm>>
    %dma_wait3A_624 = tpu.memref_squeeze %dma_wait3A_623 : memref<1x8192xi32, #tpu.memory_space<hbm>> -> memref<8192xi32, #tpu.memory_space<hbm>>
    tpu.wait_dma2 semaphore(%arg25 : memref<!tpu.dma_semaphore, #tpu.memory_space<semaphore_mem>>) src(%arg18 : memref<8192xi32, #tpu.memory_space<vmem>>) dst(%dma_wait3A_624 : memref<8192xi32, #tpu.memory_space<hbm>>)
    %dma_wait3A_625 = arith.constant 3 : i32
    %dma_wait3A_626 = tpu.memref_slice %arg3[%dma_wait3A_625, %add3A_554] : memref<4x1048576xf32, #tpu.memory_space<hbm>> -> memref<1x8192xf32, #tpu.memory_space<hbm>>
    %dma_wait3A_627 = tpu.memref_squeeze %dma_wait3A_626 : memref<1x8192xf32, #tpu.memory_space<hbm>> -> memref<8192xf32, #tpu.memory_space<hbm>>
    %dma_wait3A_628 = tpu.memref_slice %arg3[%dma_wait3A_625, %add3A_554] : memref<4x1048576xf32, #tpu.memory_space<hbm>> -> memref<1x8192xf32, #tpu.memory_space<hbm>>
    %dma_wait3A_629 = tpu.memref_squeeze %dma_wait3A_628 : memref<1x8192xf32, #tpu.memory_space<hbm>> -> memref<8192xf32, #tpu.memory_space<hbm>>
    tpu.wait_dma2 semaphore(%arg23 : memref<!tpu.dma_semaphore, #tpu.memory_space<semaphore_mem>>) src(%arg12 : memref<8192xf32, #tpu.memory_space<vmem>>) dst(%dma_wait3A_629 : memref<8192xf32, #tpu.memory_space<hbm>>)
    %dma_wait3A_630 = arith.constant 0 : i32
    %dma_wait3A_631 = tpu.memref_slice %arg4[%dma_wait3A_630, %add3A_68] : memref<4x1048576xi32, #tpu.memory_space<hbm>> -> memref<1x8192xi32, #tpu.memory_space<hbm>>
    %dma_wait3A_632 = tpu.memref_squeeze %dma_wait3A_631 : memref<1x8192xi32, #tpu.memory_space<hbm>> -> memref<8192xi32, #tpu.memory_space<hbm>>
    %dma_wait3A_633 = tpu.memref_slice %arg4[%dma_wait3A_630, %add3A_68] : memref<4x1048576xi32, #tpu.memory_space<hbm>> -> memref<1x8192xi32, #tpu.memory_space<hbm>>
    %dma_wait3A_634 = tpu.memref_squeeze %dma_wait3A_633 : memref<1x8192xi32, #tpu.memory_space<hbm>> -> memref<8192xi32, #tpu.memory_space<hbm>>
    tpu.wait_dma2 semaphore(%arg26 : memref<!tpu.dma_semaphore, #tpu.memory_space<semaphore_mem>>) src(%arg19 : memref<8192xi32, #tpu.memory_space<vmem>>) dst(%dma_wait3A_634 : memref<8192xi32, #tpu.memory_space<hbm>>)
    %dma_wait3A_635 = arith.constant 0 : i32
    %dma_wait3A_636 = tpu.memref_slice %arg4[%dma_wait3A_635, %add3A_75] : memref<4x1048576xi32, #tpu.memory_space<hbm>> -> memref<1x8192xi32, #tpu.memory_space<hbm>>
    %dma_wait3A_637 = tpu.memref_squeeze %dma_wait3A_636 : memref<1x8192xi32, #tpu.memory_space<hbm>> -> memref<8192xi32, #tpu.memory_space<hbm>>
    %dma_wait3A_638 = tpu.memref_slice %arg4[%dma_wait3A_635, %add3A_75] : memref<4x1048576xi32, #tpu.memory_space<hbm>> -> memref<1x8192xi32, #tpu.memory_space<hbm>>
    %dma_wait3A_639 = tpu.memref_squeeze %dma_wait3A_638 : memref<1x8192xi32, #tpu.memory_space<hbm>> -> memref<8192xi32, #tpu.memory_space<hbm>>
    tpu.wait_dma2 semaphore(%arg26 : memref<!tpu.dma_semaphore, #tpu.memory_space<semaphore_mem>>) src(%arg19 : memref<8192xi32, #tpu.memory_space<vmem>>) dst(%dma_wait3A_639 : memref<8192xi32, #tpu.memory_space<hbm>>)
    %dma_wait3A_640 = arith.constant 0 : i32
    %dma_wait3A_641 = tpu.memref_slice %arg4[%dma_wait3A_640, %add3A_82] : memref<4x1048576xi32, #tpu.memory_space<hbm>> -> memref<1x8192xi32, #tpu.memory_space<hbm>>
    %dma_wait3A_642 = tpu.memref_squeeze %dma_wait3A_641 : memref<1x8192xi32, #tpu.memory_space<hbm>> -> memref<8192xi32, #tpu.memory_space<hbm>>
    %dma_wait3A_643 = tpu.memref_slice %arg4[%dma_wait3A_640, %add3A_82] : memref<4x1048576xi32, #tpu.memory_space<hbm>> -> memref<1x8192xi32, #tpu.memory_space<hbm>>
    %dma_wait3A_644 = tpu.memref_squeeze %dma_wait3A_643 : memref<1x8192xi32, #tpu.memory_space<hbm>> -> memref<8192xi32, #tpu.memory_space<hbm>>
    tpu.wait_dma2 semaphore(%arg26 : memref<!tpu.dma_semaphore, #tpu.memory_space<semaphore_mem>>) src(%arg19 : memref<8192xi32, #tpu.memory_space<vmem>>) dst(%dma_wait3A_644 : memref<8192xi32, #tpu.memory_space<hbm>>)
    %dma_wait3A_645 = arith.constant 0 : i32
    %dma_wait3A_646 = tpu.memref_slice %arg4[%dma_wait3A_645, %add3A_89] : memref<4x1048576xi32, #tpu.memory_space<hbm>> -> memref<1x8192xi32, #tpu.memory_space<hbm>>
    %dma_wait3A_647 = tpu.memref_squeeze %dma_wait3A_646 : memref<1x8192xi32, #tpu.memory_space<hbm>> -> memref<8192xi32, #tpu.memory_space<hbm>>
    %dma_wait3A_648 = tpu.memref_slice %arg4[%dma_wait3A_645, %add3A_89] : memref<4x1048576xi32, #tpu.memory_space<hbm>> -> memref<1x8192xi32, #tpu.memory_space<hbm>>
    %dma_wait3A_649 = tpu.memref_squeeze %dma_wait3A_648 : memref<1x8192xi32, #tpu.memory_space<hbm>> -> memref<8192xi32, #tpu.memory_space<hbm>>
    tpu.wait_dma2 semaphore(%arg26 : memref<!tpu.dma_semaphore, #tpu.memory_space<semaphore_mem>>) src(%arg19 : memref<8192xi32, #tpu.memory_space<vmem>>) dst(%dma_wait3A_649 : memref<8192xi32, #tpu.memory_space<hbm>>)
    return
  }
}

</mosaic_0001>

<sc_bundles>
// kernel: kernel.3.cloned.1.call-start
scs
__scs_entry_jumppad:
0x0: {  	(pc) =	sbr.rel $0x88, $3  }
0x1: {  	(tag) =	ssettag $0x0;
	lr =	simm.s32 $0x1  }
0x2: {  	[smem:$0x3FA0] =	sst lr;
	_ =	strace $0xD0000000  }
0x3: {  	_ = 	snop  }
0x4: {  	_ = 	snop  }
0x5: {  	_ = 	snop  }
0x6: {  	_ = 	snop  }
0x7: {  	_ = 	snop  }
__scs_overlays_trampoline_lowered:
0x8: {  	[smem:$0x3FAF] =	sst s0  }
0x9: {  	[smem:$0x3FB0] =	sst s1  }
0xa: {  	[smem:$0x3FB1] =	sst s2  }
0xb: {  	[smem:$0x3FB2] =	sst s3  }
0xc: {  	[smem:$0x3FB3] =	sst s4  }
0xd: {  	[smem:$0x3FB4] =	sst s5  }
0xe: {  	[smem:$0x3FB5] =	sst s6  }
0xf: {  	[smem:$0x3FB6] =	sst s7  }
0x10: {  	[smem:$0x3FB7] =	sst s8  }
0x11: {  	[smem:$0x3FB8] =	sst s9;
	s0 =	simm.s32 @!p0 $0x0  }
0x12: {  	s1 =	sld [smem:$0x3F9E];
	s0 =	simm.s32 @p0 $0x1  }
0x13: {  	[smem:$0x3FB9] =	sst s0;
	s0 =	simm.s32 @!p1 $0x0  }
0x14: {  	s2 =	sld [smem:$0x3F9D];
	s0 =	simm.s32 @p1 $0x1  }
0x15: {  	[smem:$0x3FBA] =	sst s0;
	s0 =	simm.s32 @!p2 $0x0  }
0x16: {  	s3 =	sld [smem:$0x3FDB];
	s0 =	simm.s32 @p2 $0x1  }
0x17: {  	s4 =	simm.s32 $0x1BF5;
	[smem:$0x3FBC] =	sst s0  }
0x18: {  	s0 =	sld [smem:$0x3F9F];
	_ =	swait.ge [sflag:s4], $0x0  }
0x19: {  	s7 =	sld [smem:$0x3FA0]  }
0x1a: {  	s8 =	sadd.s32 $0xFFFFE003, lr  }
0x1b: {  	s9 =	sadd.s32 $0xFFFFFEF7, lr;
	s5 =	simm.s32 $0xFFFFFFFF;
	p2 =	slt.u32 s8, $0xFFFFF086  }
0x1c: {  	p1 =	slt.u32 s9, $0xF7A;
	s5 =	simm.s32 @!p2 $0x0  }
0x1d: {  	s5 =	simm.s32 @p1 $0x1;
	p0 =	seq.s32 s7, s2  }
0x1e: {  	s7 =	smul.u32 @!p0 $0xF7A, s2;
	p2 =	seq.s32 @!p0 s5, $0x0  }
0x1f: {  	s9 =	smul.u32 $0xF7A, s1;
	s8 =	simm.s32 @!p0 $0x1BF5;
	p2 =	por !p2, p0  }
0x20: {  	[sflag:s8] =	ssyncset.s32 @!p0 $0xFFFFF086;
	s6 =	sadd.s32 @!p0 s3, s7;
	s7 =	simm.s32 @!p0 $0x108  }
0x21: {  	s3 =	sadd.s32 s3, s9;
	s6 =	sadd.s32 @!p0 $0x88, s6;
	s7 =	simm.s32 @p2 $0x1082  }
0x22: {  	[simem:s7], [sflag:s8] =	dma.local @!p0 [hbm:s6], $0xF7A  }
0x23: {  	s9 =	sor.u32 $0xD0000000, s2;
	s6 =	simm.s32 $0x108;
	_ =	swait.ge @!p0 [sflag:s8], $0x0  }
0x24: {  	s3 =	sadd.s32 $0x88, s3;
	s6 =	simm.s32 @!p1 $0x1082;
	[sflag:s4] =	ssyncset.s32 $0xFFFFF086  }
0x25: {  	[simem:s6], [sflag:s4] =	dma.local [hbm:s3], $0xF7A  }
0x26: {  	[smem:$0x3FA0] =	sst s1;
	(tag) =	ssettag s2;
	_ =	strace s9  }
0x27: {  	s1 =	sld [smem:$0x3FB0]  }
0x28: {  	s2 =	sld [smem:$0x3FB1]  }
0x29: {  	s4 =	sld [smem:$0x3FB3]  }
0x2a: {  	p0 =	seq.s32 s5, $0x0;
	s5 =	sld [smem:$0x3FB4]  }
0x2b: {  	s6 =	sld [smem:$0x3FB5]  }
0x2c: {  	s7 =	sld [smem:$0x3FB6]  }
0x2d: {  	s3 =	simm.s32 $0x108;
	s8 =	sld [smem:$0x3FB7]  }
0x2e: {  	s3 =	simm.s32 @!p0 $0x1082;
	s9 =	sld [smem:$0x3FB8]  }
0x2f: {  	lr =	sadd.s32 s0, s3;
	s0 =	sld [smem:$0x3FAF]  }
0x30: {  	s3 =	sld [smem:$0x3FB2]  }
0x31: {  	[smem:$0x3FBB] =	sst s10  }
0x32: {  	s10 =	sld [smem:$0x3FB9];
	_ =	sdelay $0x3  }
0x33: {  	p0 =	seq.s32 s10, $0x1;
	s10 =	sld [smem:$0x3FBB];
	_ =	sdelay $0x3  }
0x34: {  	[smem:$0x3FBB] =	sst s10  }
0x35: {  	s10 =	sld [smem:$0x3FBA];
	_ =	sdelay $0x3  }
0x36: {  	p1 =	seq.s32 s10, $0x1;
	s10 =	sld [smem:$0x3FBB];
	_ =	sdelay $0x3  }
0x37: {  	[smem:$0x3FBB] =	sst s10  }
0x38: {  	s10 =	sld [smem:$0x3FBC]  }
0x39: {  	_ = 	snop;
	(pc) =	sbr.ind lr, $3  }
0x3a: {  	_ = 	snop  }
0x3b: {  	_ = 	snop  }
0x3c: {  	p2 =	seq.s32 s10, $0x1;
	s10 =	sld [smem:$0x3FBB]  }
0x3d: {  	_ =	shalt  }
0x3e: {  	_ =	shalt  }
0x3f: {  	_ =	shalt  }
0x40: {  	_ =	shalt  }
0x41: {  	_ =	shalt  }
0x42: {  	_ =	shalt  }
0x43: {  	_ =	shalt  }
0x44: {  	_ =	shalt  }
0x45: {  	_ =	shalt  }
0x46: {  	_ =	shalt  }
0x47: {  	_ =	shalt  }
0x48: {  	_ =	shalt  }
0x49: {  	_ =	shalt  }
0x4a: {  	_ =	shalt  }
0x4b: {  	_ =	shalt  }
0x4c: {  	_ =	shalt  }
0x4d: {  	_ =	shalt  }
0x4e: {  	_ =	shalt  }
0x4f: {  	_ =	shalt  }
0x50: {  	_ =	shalt  }
0x51: {  	_ =	shalt  }
0x52: {  	_ =	shalt  }
0x53: {  	_ =	shalt  }
0x54: {  	_ =	shalt  }
0x55: {  	_ =	shalt  }
0x56: {  	_ =	shalt  }
0x57: {  	_ =	shalt  }
0x58: {  	_ =	shalt  }
0x59: {  	_ =	shalt  }
0x5a: {  	_ =	shalt  }
0x5b: {  	_ =	shalt  }
0x5c: {  	_ =	shalt  }
0x5d: {  	_ =	shalt  }
0x5e: {  	_ =	shalt  }
0x5f: {  	_ =	shalt  }
0x60: {  	_ =	shalt  }
0x61: {  	_ =	shalt  }
0x62: {  	_ =	shalt  }
0x63: {  	_ =	shalt  }
0x64: {  	_ =	shalt  }
0x65: {  	_ =	shalt  }
0x66: {  	_ =	shalt  }
0x67: {  	_ =	shalt  }
0x68: {  	_ =	shalt  }
0x69: {  	_ =	shalt  }
0x6a: {  	_ =	shalt  }
0x6b: {  	_ =	shalt  }
0x6c: {  	_ =	shalt  }
0x6d: {  	_ =	shalt  }
0x6e: {  	_ =	shalt  }
0x6f: {  	_ =	shalt  }
0x70: {  	_ =	shalt  }
0x71: {  	_ =	shalt  }
0x72: {  	_ =	shalt  }
0x73: {  	_ =	shalt  }
0x74: {  	_ =	shalt  }
0x75: {  	_ =	shalt  }
0x76: {  	_ =	shalt  }
0x77: {  	_ =	shalt  }
0x78: {  	_ =	shalt  }
0x79: {  	_ =	shalt  }
0x7a: {  	_ =	shalt  }
0x7b: {  	_ =	shalt  }
0x7c: {  	_ =	shalt  }
0x7d: {  	_ =	shalt  }
0x7e: {  	_ =	shalt  }
0x7f: {  	_ =	shalt  }
0x80: {  	_ =	shalt  }
0x81: {  	_ =	shalt  }
0x82: {  	_ =	shalt  }
0x83: {  	_ =	shalt  }
0x84: {  	_ =	shalt  }
0x85: {  	_ =	shalt  }
0x86: {  	_ =	shalt  }
0x87: {  	_ =	shalt  }
.Lfunc_end0:
.L_simem_size_0:
called_computation_lowered:
.L_overlay_start_0:
0x88: {  	s2 =	sld [smem:$0x3FD9]  }
0x89: {  	s3 =	sld [smem:$0x3FFE];
	_ =	sdelay $0x1  }
0x8a: {  	s1 =	srdreg.scid  }
0x8b: {  	s0 =	sand.u32 $0x1, s1  }
0x8c: {  	s15 =	sshll.u32 s0, $0xA;
	s2 =	sadd.s32 s3, s2  }
0x8d: {  	s2 =	sadd.s32 s2, s15  }
0x8e: {  	[smem:$0x3FC7] =	sst s2  }
0x8f: {  	_ = 	snop  }
0x90: {  	s2 =	sld [smem:$0x3FD0];
	_ =	sdelay $0x2  }
0x91: {  	s4 =	simm.s32 $0xA;
	s5 =	simm.s32 $0x10;
	s16 =	sld [smem:$0x3FC9]  }
0x92: {  	[smem:s5], [sflag:s4] =	dma.local [hbm:s2], $0x1  }
0x93: {  	_ =	swait.eq [sflag:s4], $0x1  }
0x94: {  	[sflag:s4] =	ssyncset.done $0x0  }
0x95: {  	s17 =	sld [smem:$0x10];
	[sflag:s4] =	ssyncadd.s32 $0xFFFFFFFF  }
0x96: {  	s18 =	sld [smem:$0x11];
	(tm) =	ssettm $0x1  }
0x97: {  	s19 =	sld [smem:$0x3FFB];
	_ =	sdelay $0x3  }
0x98: {  	_ =	strace s19  }
0x99: {  	s5 =	sld [smem:$0x3FFC];
	_ =	sdelay $0x3  }
0x9a: {  	_ =	strace s5  }
0x9b: {  	s5 =	sld [smem:$0x3FFD];
	_ =	sdelay $0x3  }
0x9c: {  	_ =	strace s5  }
0x9d: {  	_ =	strace $0x8FFFFFFF  }
0x9e: {  	s20 =	sld [smem:$0x3FDB];
	_ =	sdelay $0x1  }
0x9f: {  	s6 =	simm.s32 $_scs_section_size  }
0xa0: {  	s7 =	simm.s32 $_size__tile_overlayer_lowered;
	s8 =	simm.s32 $_tile_overlayer_lowered  }
0xa1: {  	s23 =	simm.s32 $0x1BFF;
	s22 =	sshll.u32 s8, $0x1;
	s5 =	sadd.s32 s6, s20  }
0xa2: {  	s9 =	simm.s32 $0x0;
	s21 =	sshll.u32 s7, $0x1;
	s7 =	sadd.s32 s22, s5  }
0xa3: {  	[timem:s9], [sflag:s23] =	dma.local [hbm:s7], s21  }
0xa4: {  	_ =	swait.ge [sflag:s23], s21  }
0xa5: {  	s6 =	ssub.s32 $0x0, s21;
	[sflag:s23] =	ssyncset.done $0x0  }
0xa6: {  	[sflag:s23] =	ssyncadd.s32 s6;
	_ =	sdelay $0x1  }
0xa7: {  	s24 =	simm.s32 $0x1B8B  }
0xa8: {  	_ =	swait.ge [sflag:s24], $0x1  }
0xa9: {  	[sflag:s24] =	ssyncset.done $0x0  }
0xaa: {  	s25 =	simm.s32 $0x1B8E;
	[sflag:s24] =	ssyncadd.s32 $0xFFFFFFFF  }
0xab: {  	s26 =	simm.s32 $execute0_lowered;
	[smem:$0x3FD2] =	sst s25  }
0xac: {  	s6 =	sshll.u32 s26, $0x1;
	_ =	strace $0x80000046;
	[dreg:$0x1] =	wrdreg $0xFFFFFFFF  }
0xad: {  	s28 =	simm.s32 $_size_execute0_lowered;
	s5 =	sadd.s32 s5, s6;
	[dreg:$0x0] =	wrdreg $0x0  }
0xae: {  	s6 =	sshll.u32 s28, $0x1;
	[dreg:$0x2] =	wrdreg s5  }
0xaf: {  	[dreg:$0x3] =	wrdreg s6  }
0xb0: {  	[dreg:$0x4] =	wrdreg $0xC0  }
0xb1: {  	_ =	task [dreg:s9], $0x5FFFF  }
0xb2: {  	[dreg:$0x1] =	wrdreg $0xFFFFFFFF  }
0xb3: {  	[dreg:$0x0] =	wrdreg $0x60  }
0xb4: {  	[dreg:$0x2] =	wrdreg s16  }
0xb5: {  	[dreg:$0x3] =	wrdreg s17  }
0xb6: {  	[dreg:$0x4] =	wrdreg s18  }
0xb7: {  	[dreg:$0x5] =	wrdreg $0x9  }
0xb8: {  	_ =	task.clear_ibuf [dreg:s9], $0x6FFFF;
	_ =	strace $0x90000046  }
0xb9: {  	s29 =	simm.s32 $0x9;
	_ =	strace $0x80000048  }
0xba: {  	_ =	swait.ge [sflag:s29], $0x1  }
0xbb: {  	[sflag:s29] =	ssyncadd.s32 $0xFFFFFFFF  }
0xbc: {  	_ =	strace $0x90000048  }
0xbd: {  	_ =	sfence  }
0xbe: {  	s30 =	sld [smem:$0x0];
	_ =	sdelay $0x2  }
0xbf: {  	s31 =	sshll.u32 s1, $0xD;
	s1 =	sshrl.u32 s1, $0x2  }
0xc0: {  	s3 =	sand.u32 $0x4000, s31;
	s1 =	sadd.s32 s1, s30  }
0xc1: {  	s0 =	sor.u32 s3, s0;
	s1 =	sshll.u32 s1, $0x11  }
0xc2: {  	s0 =	sor.u32 s1, s0  }
0xc3: {  	s0 =	sadd.s32 $0x8F2B, s0  }
0xc4: {  	[sflag:s0] =	ssyncadd.remote.s32 $0x1  }
0xc5: {  	_ =	sfence.sel $0xFFFF  }
0xc6: {  	[dreg:$0x0] =	wrdreg $0xFFFFFFFF;
	(pc) =	sbr.abs _section_cstart, $3  }
0xc7: {  	[dreg:$0x1] =	wrdreg $0xFFFFFFFF  }
0xc8: {  	_ =	task.clear_ibuf [dreg:s9], $0x2FFFF;
	_ =	strace $0x9FFFFFFF  }
0xc9: {  	(tm) =	ssettm $0x7FFFFFFF  }
tec
execute0_lowered:
.L_overlay_start_1:
0x0: {  	(tag) =	ssettag $0x1  }
0x1: {  	s2 =	rddreg [dreg:$0x0];
	s4 =	srdreg.scid  }
0x2: {  	s0 =	rddreg [dreg:$0x1];
	s8 =	stileid.u32;
	s4 =	sand.u32 $0x1, s4  }
0x3: {  	s5 =	sshll.u32 s8, $0x10;
	s6 =	ssub.s32 $0x2, s4;
	s4 =	sshll.u32 s4, $0xF  }
0x4: {  	s3 =	rddreg [dreg:$0x2];
	s4 =	sor.u32 s4, s5  }
0x5: {  	s1 =	simm.s32 $0x0;
	s20 =	sand.u32 $0x18000, s4;
	s4 =	sshrl.u32 s4, $0x1  }
0x6: {  	[smem:$0x7FF] =	sst s1;
	s22 =	sor.u32 $0x1000, s4  }
0x7: {  	s7 =	sshrl.u32 s6, $0x1;
	s24 =	sor.u32 $0x2000, s4;
	s23 =	sadd.s32 s3, s22  }
0x8: {  	s26 =	sor.u32 $0x30, s4;
	s25 =	sadd.s32 s3, s24;
	[dreg:$0x4] =	wrdreg s23  }
0x9: {  	s10 =	sor.u32 $0x10, s4;
	s11 =	sadd.s32 s3, s26;
	[dreg:$0x5] =	wrdreg s25  }
0xa: {  	s5 =	sshrl.u32 s8, $0x1;
	s12 =	sadd.s32 s0, s10;
	[dreg:$0x6] =	wrdreg s11  }
0xb: {  	s9 =	sshll.u32 s5, $0x4;
	s10 =	sadd.s32 s3, s10;
	[dreg:$0x7] =	wrdreg s12  }
0xc: {  	s21 =	sor.u32 s9, s20;
	s9 =	sadd.s32 s0, s26;
	[dreg:$0xa] =	wrdreg s10  }
0xd: {  	s14 =	sor.u32 $0x1030, s4;
	s8 =	sadd.s32 s0, s22;
	[dreg:$0xb] =	wrdreg s9  }
0xe: {  	s16 =	sor.u32 $0x1010, s4;
	s15 =	sadd.s32 s3, s14;
	[dreg:$0xc] =	wrdreg s8  }
0xf: {  	s17 =	sor.u32 $0x1020, s4;
	s18 =	sadd.s32 s0, s16;
	[dreg:$0xd] =	wrdreg s15  }
0x10: {  	s6 =	ssub.s32 s6, s7;
	s19 =	sadd.s32 s3, s17;
	[dreg:$0xe] =	wrdreg s18  }
0x11: {  	s20 =	sor.u32 $0x2020, s4;
	s7 =	sadd.s32 s0, s24;
	[dreg:$0xf] =	wrdreg s19  }
0x12: {  	s13 =	sor.u32 $0x20, s4;
	s22 =	sadd.s32 s3, s20;
	[dreg:$0x13] =	wrdreg s7  }
0x13: {  	s12 =	sadd.s32 s3, s13;
	[dreg:$0x14] =	wrdreg s22  }
0x14: {  	s11 =	sadd.s32 s0, s13;
	[dreg:$0x8] =	wrdreg s12  }
0x15: {  	s10 =	sadd.s32 s0, s17;
	[dreg:$0x9] =	wrdreg s11  }
0x16: {  	s2 =	sadd.s32 s2, s21;
	s9 =	sadd.s32 s3, s16;
	[dreg:$0x10] =	wrdreg s10  }
0x17: {  	s21 =	sor.u32 $0x2010, s4;
	s8 =	sadd.s32 s0, s14;
	[dreg:$0x11] =	wrdreg s9  }
0x18: {  	s24 =	sadd.s32 s0, s21;
	[dreg:$0x12] =	wrdreg s8  }
0x19: {  	s7 =	sadd.s32 s3, s21;
	[dreg:$0x16] =	wrdreg s24  }
0x1a: {  	s23 =	sor.u32 $0x2030, s4;
	s8 =	sadd.s32 s0, s20;
	[dreg:$0x17] =	wrdreg s7  }
0x1b: {  	s25 =	sor.u32 $0x3000, s4;
	s26 =	sadd.s32 s3, s23;
	[dreg:$0x15] =	wrdreg s8  }
0x1c: {  	s10 =	sadd.s32 s3, s25;
	[dreg:$0x18] =	wrdreg s26  }
0x1d: {  	s28 =	simm.s32 $0x200;
	s7 =	sadd.s32 s0, s25;
	[dreg:$0x1a] =	wrdreg s10  }
0x1e: {  	s29 =	simm.s32 $0x1C000;
	s11 =	sadd.s32 s3, s4;
	[dreg:$0x1b] =	wrdreg s7  }
0x1f: {  	s13 =	sor.u32 $0x3010, s4;
	s12 =	sadd.s32 s0, s4;
	[dreg:$0x1c] =	wrdreg s11  }
0x20: {  	s14 =	sor.u32 $0x3030, s4;
	s15 =	sadd.s32 s0, s13;
	[dreg:$0x1d] =	wrdreg s12  }
0x21: {  	s31 =	simm.s32 $0x8000;
	s16 =	sadd.s32 s3, s14;
	[dreg:$0x1e] =	wrdreg s15  }
0x22: {  	s30 =	simm.s32 $0xA000;
	s8 =	sadd.s32 s0, s23;
	[smem:$0x7F1] =	sst s16  }
0x23: {  	s4 =	sor.u32 $0x3020, s4;
	s7 =	sadd.s32 s3, s13;
	[dreg:$0x19] =	wrdreg s8  }
0x24: {  	v0 =	vmov s5;
	s5 =	simm.s32 $0x7;
	s3 =	sadd.s32 s3, s4;
	[dreg:$0x1f] =	wrdreg s7  }
0x25: {  	s18 =	smax.u32 s6, $0x1;
	s17 =	sadd.s32 s0, s4;
	[smem:$0x7F2] =	sst s3  }
0x26: {  	s19 =	sadd.s32 $0x20000, s2;
	s0 =	sadd.s32 s0, s14;
	[smem:$0x7F3] =	sst s17  }
0x27: {  	s21 =	sadd.s32 $0x60000, s2;
	s22 =	sadd.s32 $0x2000, s2;
	[smem:$0x7F4] =	sst s0  }
0x28: {  	s6 =	simm.s32 $0x5;
	_ =	strace $0x80000047;
	[smem:$0x7F5] =	sst s18  }
0x29: {  	s20 =	sadd.s32 $0x40000, s2;
	s24 =	sadd.s32 $0x42000, s2;
	[smem:$0x7F6] =	sst s19  }
0x2a: {  	s25 =	sadd.s32 $0x62000, s2;
	s23 =	sadd.s32 $0x22000, s2;
	[smem:$0x7F7] =	sst s20  }
0x2b: {  	s26 =	sadd.s32 $0x4000, s2;
	s15 =	sadd.s32 $0x24000, s2;
	[smem:$0x7F8] =	sst s21  }
0x2c: {  	s16 =	sadd.s32 $0x44000, s2;
	s4 =	simm.s32 $0x1;
	[smem:$0x7F9] =	sst s22  }
0x2d: {  	s11 =	simm.s32 $0x4;
	s12 =	simm.s32 $0x6;
	[smem:$0x7FA] =	sst s23  }
0x2e: {  	s13 =	simm.s32 $0x0;
	s17 =	sadd.s32 $0x64000, s2;
	[smem:$0x7FB] =	sst s24  }
0x2f: {  	s0 =	simm.s32 $0xC000;
	s3 =	simm.s32 $0xE000;
	[smem:$0x7FC] =	sst s25  }
0x30: {  	s7 =	simm.s32 $0x3;
	s8 =	simm.s32 $0x2;
	[smem:$0x7FD] =	sst s26  }
0x31: {  	s18 =	sadd.s32 $0x6000, s2;
	s19 =	sadd.s32 $0x26000, s2;
	s20 =	sadd.s32 $0x46000, s2  }
0x32: {  	s21 =	sadd.s32 $0x66000, s2;
	s22 =	simm.s32 $0x80;
	s23 =	simm.s32 $0x400  }
0x33: {  	v1 =	vimm.s32 $0x0;
	s24 =	simm.s32 $0x2000;
	s25 =	simm.s32 $0x4000;
	s26 =	simm.s32 $0x6000  }
.LBB2_1:
0x34: {  	s9 =	sld [smem:$0x7F6]  }
0x35: {  	[tilespmem:s1], [sflag:$0x1] =	stream.strided.gather [hbm4b:s2+s22], $0x2000, s23, s22, $0x38;
	[tilespmem:$0x1E000] =	vst v63  }
0x36: {  	s10 =	sld [smem:$0x7F7]  }
0x37: {  	[tilespmem:s24], [sflag:$0x1] =	stream.strided.gather [hbm4b:s9+s22], $0x2000, s23, s22, $0x38;
	[tilespmem:$0x1E000] =	vst v63  }
0x38: {  	s14 =	sld [smem:$0x7F8]  }
0x39: {  	[tilespmem:s25], [sflag:$0x1] =	stream.strided.gather [hbm4b:s10+s22], $0x2000, s23, s22, $0x38;
	[tilespmem:$0x1E000] =	vst v63  }
0x3a: {  	s9 =	simm.s32 $0x1C040  }
0x3b: {  	[tilespmem:s26], [sflag:$0x1] =	stream.strided.gather [hbm4b:s14+s22], $0x2000, s23, s22, $0x38;
	[tilespmem:$0x1E000] =	vst v63  }
0x3c: {  	[tilespmem:s9+$0xFFFFFFC0] =	vst v0  }
0x3d: {  	[tilespmem:s9+$0x30] =	vst v0  }
0x3e: {  	[tilespmem:s9+$0x20] =	vst v0  }
0x3f: {  	[tilespmem:s9+$0x10] =	vst v0  }
0x40: {  	[tilespmem:s9+$0x0] =	vst v0  }
0x41: {  	[tilespmem:s9+$0xFFFFFFF0] =	vst v0  }
0x42: {  	s10 =	simm.s32 $0x0;
	[tilespmem:s9+$0xFFFFFFE0] =	vst v0  }
.LBB2_2:
0x43: {  	s10 =	sadd.s32 $0x8, s10;
	[tilespmem:s9+$0xFFFFFFD0] =	vst v0;
	s9 =	sadd.s32 $0x80, s9  }
0x44: {  	[tilespmem:s9+$0xFFFFFFC0] =	vst v0;
	p0 =	slt.u32 s10, $0x1F8  }
0x45: {  	[tilespmem:s9+$0x30] =	vst v0  }
.Ltmp0:
0x46: {  	[tilespmem:s9+$0x20] =	vst v0;
	(pc) =	sbr.rel @p0 .LBB2_2-.Ltmp0, $4  }
0x47: {  	[tilespmem:s9+$0x10] =	vst v0  }
0x48: {  	[tilespmem:s9+$0x0] =	vst v0  }
0x49: {  	[tilespmem:s9+$0xFFFFFFF0] =	vst v0  }
0x4a: {  	[tilespmem:s9+$0xFFFFFFE0] =	vst v0  }
0x4b: {  	[tilespmem:s9+$0xFFFFFFD0] =	vst v0  }
0x4c: {  	s9 =	rddreg [dreg:$0x1c]  }
0x4d: {  	s14 =	rddreg [dreg:$0x4]  }
0x4e: {  	[hbm4b:s9+s22] =	stream.strided.scatter [tilespmem:s29], [sflag:$0x7], $0x2000, s28, s22, $0x38;
	[tilespmem:$0x1E000] =	vst v63  }
0x4f: {  	s10 =	rddreg [dreg:$0x5]  }
0x50: {  	[hbm4b:s14+s22] =	stream.strided.scatter [tilespmem:s29], [sflag:$0x7], $0x2000, s28, s22, $0x38;
	[tilespmem:$0x1E000] =	vst v63  }
0x51: {  	s14 =	rddreg [dreg:$0x1a]  }
0x52: {  	[hbm4b:s10+s22] =	stream.strided.scatter [tilespmem:s29], [sflag:$0x7], $0x2000, s28, s22, $0x38;
	[tilespmem:$0x1E000] =	vst v63  }
0x53: {  	s10 =	sld [smem:$0x7F9]  }
0x54: {  	[hbm4b:s14+s22] =	stream.strided.scatter [tilespmem:s29], [sflag:$0x7], $0x2000, s28, s22, $0x38;
	[tilespmem:$0x1E000] =	vst v63  }
0x55: {  	s14 =	sld [smem:$0x7FA]  }
0x56: {  	[tilespmem:s31], [sflag:$0x2] =	stream.strided.gather [hbm4b:s10+s22], $0x2000, s23, s22, $0x38;
	[tilespmem:$0x1E000] =	vst v63  }
0x57: {  	s10 =	sld [smem:$0x7FB]  }
0x58: {  	[tilespmem:s30], [sflag:$0x2] =	stream.strided.gather [hbm4b:s14+s22], $0x2000, s23, s22, $0x38;
	[tilespmem:$0x1E000] =	vst v63  }
0x59: {  	s14 =	sld [smem:$0x7FC]  }
0x5a: {  	[tilespmem:s0], [sflag:$0x2] =	stream.strided.gather [hbm4b:s10+s22], $0x2000, s23, s22, $0x38;
	[tilespmem:$0x1E000] =	vst v63  }
0x5b: {  	_ = 	snop  }
0x5c: {  	[tilespmem:s3], [sflag:$0x2] =	stream.strided.gather [hbm4b:s14+s22], $0x2000, s23, s22, $0x38;
	[tilespmem:$0x1E000] =	vst v63  }
0x5d: {  	_ =	swait.ge [sflag:s4], $0x2000  }
0x5e: {  	[sflag:s4] =	ssyncset.done $0x0  }
0x5f: {  	s14 =	simm.s32 $0x20;
	s10 =	rddreg [dreg:$0x1d];
	[sflag:s4] =	ssyncadd.s32 $0xFFFFE000  }
0x60: {  	[hbm4b:s10+s22] =	stream.strided.scatter [tilespmem:s1], [sflag:$0x3], $0x2000, s28, s22, $0x38;
	[tilespmem:$0x1E000] =	vst v63  }
0x61: {  	v2 =	vld [tilespmem:s14+$0x10]  }
0x62: {  	v3 =	vld [tilespmem:s14+$0xFFFFFFF0]  }
0x63: {  	v4 =	vld [tilespmem:s14+$0x0]  }
0x64: {  	v5 =	vld [tilespmem:s14+$0xFFFFFFE0];
	_ =	sdelay $0x2  }
0x65: {  	v2 =	vmul.f32 $2.500000000e+00, v2  }
0x66: {  	s14 =	simm.s32 $0x60;
	v3 =	vmul.f32 $2.500000000e+00, v3;
	v4 =	vmul.f32 $2.500000000e+00, v4  }
0x67: {  	v7 =	vld [tilespmem:s14+$0x10];
	v5 =	vmul.f32 $2.500000000e+00, v5;
	v6 =	vtrunc.f32 v2  }
0x68: {  	v8 =	vcvt.f32.s32 v6;
	vm0 =	vgt.f32 v2, v6;
	v6 =	vtrunc.f32 v3  }
0x69: {  	v11 =	vld [tilespmem:s14+$0x0];
	v12 =	vtrunc.f32 v5;
	v13 =	vcvt.f32.s32 v6;
	vm1 =	vgt.f32 v3, v6  }
0x6a: {  	v9 =	vtrunc.f32 v4;
	v2 =	vld [tilespmem:s14+$0xFFFFFFF0];
	vm14 =	vgt.f32 v5, v12;
	v5 =	vsel vm1, $0x1, v1  }
0x6b: {  	vm15 =	vgt.f32 v4, v9;
	v10 =	vsel vm0, $0x1, v1;
	v6 =	vadd.s32 v13, v5;
	v5 =	vld [tilespmem:s14+$0xFFFFFFE0]  }
0x6c: {  	v4 =	vmul.f32 $2.500000000e+00, v7;
	v8 =	vadd.s32 v8, v10;
	v10 =	vcvt.f32.s32 v12  }
0x6d: {  	s9 =	simm.s32 $0x10020;
	v63 =	vcvt.f32.s32 v9;
	v3 =	vsel vm14, $0x1, v1  }
0x6e: {  	v7 =	vsel vm15, $0x1, v1;
	[tilespmem:s9+$0x10] =	vst v8;
	v8 =	vtrunc.f32 v4;
	v9 =	vadd.s32 v10, v3  }
0x6f: {  	s10 =	simm.s32 $0x4;
	v7 =	vadd.s32 v63, v7;
	s14 =	simm.s32 $0xA0;
	v3 =	vmul.f32 $2.500000000e+00, v11;
	v2 =	vmul.f32 $2.500000000e+00, v2;
	[tilespmem:s9+$0xFFFFFFE0] =	vst v9  }
.LBB2_4:
0x70: {  	v9 =	vld [tilespmem:s14+$0x10];
	s10 =	sadd.s32 $0x4, s10;
	v10 =	vmul.f32 $2.500000000e+00, v5;
	v5 =	vcvt.f32.s32 v8;
	vm0 =	vgt.f32 v4, v8;
	[tilespmem:s9+$0xFFFFFFF0] =	vst v6  }
0x71: {  	v4 =	vtrunc.f32 v2;
	v6 =	vld [tilespmem:s14+$0xFFFFFFF0];
	p0 =	slt.u32 s10, $0x1FC;
	v8 =	vtrunc.f32 v3;
	v11 =	vsel vm0, $0x1, v1;
	[tilespmem:s9+$0x0] =	vst v7  }
0x72: {  	v13 =	vcvt.f32.s32 v4;
	s9 =	sadd.s32 $0x40, s9;
	v7 =	vld [tilespmem:s14+$0x0];
	v12 =	vtrunc.f32 v10;
	v11 =	vadd.s32 v5, v11  }
.Ltmp1:
0x73: {  	vm1 =	vgt.f32 v2, v4;
	v5 =	vld [tilespmem:s14+$0xFFFFFFE0];
	v14 =	vcvt.f32.s32 v12;
	vm0 =	vgt.f32 v10, v12;
	[tilespmem:s9+$0x10] =	vst v11;
	(pc) =	sbr.rel @p0 .LBB2_4-.Ltmp1, $4  }
0x74: {  	v11 =	vcvt.f32.s32 v8;
	v10 =	vsel vm0, $0x1, v1;
	vm0 =	vgt.f32 v3, v8  }
0x75: {  	v3 =	vsel vm1, $0x1, v1;
	v4 =	vmul.f32 $2.500000000e+00, v9;
	v9 =	vsel vm0, $0x1, v1  }
0x76: {  	v10 =	vadd.s32 v14, v10;
	v2 =	vmul.f32 $2.500000000e+00, v6;
	v6 =	vadd.s32 v13, v3  }
0x77: {  	s14 =	sadd.s32 $0x40, s14;
	v3 =	vmul.f32 $2.500000000e+00, v7;
	v8 =	vtrunc.f32 v4;
	[tilespmem:s9+$0xFFFFFFE0] =	vst v10;
	v7 =	vadd.s32 v11, v9  }
0x78: {  	v5 =	vmul.f32 $2.500000000e+00, v5;
	v9 =	vcvt.f32.s32 v8  }
0x79: {  	vm0 =	vgt.f32 v4, v8;
	v4 =	vtrunc.f32 v2;
	v8 =	vtrunc.f32 v3  }
0x7a: {  	v10 =	vsel vm0, $0x1, v1;
	v12 =	vcvt.f32.s32 v4;
	vm1 =	vgt.f32 v2, v4  }
0x7b: {  	[tilespmem:s9+$0xFFFFFFF0] =	vst v6;
	v11 =	vtrunc.f32 v5;
	v6 =	vadd.s32 v9, v10;
	vm11 =	vgt.f32 v3, v8  }
0x7c: {  	[tilespmem:s9+$0x0] =	vst v7;
	s10 =	sadd.s32 $0x40, s9;
	v3 =	vsel vm1, $0x1, v1;
	v57 =	vcvt.f32.s32 v11;
	vm10 =	vgt.f32 v5, v11  }
0x7d: {  	v4 =	vcvt.f32.s32 v8;
	[tilespmem:s10+$0x10] =	vst v6;
	v3 =	vadd.s32 v12, v3;
	v2 =	vsel vm10, $0x1, v1  }
0x7e: {  	v5 =	vsel vm11, $0x1, v1;
	[tilespmem:s10+$0xFFFFFFF0] =	vst v3;
	v2 =	vadd.s32 v57, v2  }
0x7f: {  	[tilespmem:s10+$0xFFFFFFE0] =	vst v2;
	v2 =	vadd.s32 v4, v5  }
0x80: {  	[tilespmem:s10+$0x0] =	vst v2  }
0x81: {  	s10 =	simm.s32 $0x10000;
	s9 =	rddreg [dreg:$0x6]  }
0x82: {  	[hbm4b:s9+s22] =	stream.strided.scatter [tilespmem:s10], [sflag:$0x5], $0x2000, s28, s22, $0x38;
	[tilespmem:$0x1E000] =	vst v63  }
0x83: {  	_ =	swait.ge [sflag:s4], $0x2000  }
0x84: {  	[sflag:s4] =	ssyncset.done $0x0  }
0x85: {  	s10 =	simm.s32 $0x2020;
	s14 =	rddreg [dreg:$0x7];
	[sflag:s4] =	ssyncadd.s32 $0xFFFFE000  }
0x86: {  	[hbm4b:s14+s22] =	stream.strided.scatter [tilespmem:s24], [sflag:$0x3], $0x2000, s28, s22, $0x38;
	[tilespmem:$0x1E000] =	vst v63  }
0x87: {  	v2 =	vld [tilespmem:s10+$0x10]  }
0x88: {  	v3 =	vld [tilespmem:s10+$0xFFFFFFF0]  }
0x89: {  	v4 =	vld [tilespmem:s10+$0x0]  }
0x8a: {  	v5 =	vld [tilespmem:s10+$0xFFFFFFE0];
	_ =	sdelay $0x2  }
0x8b: {  	s14 =	simm.s32 $0x2060  }
0x8c: {  	v60 =	vld [tilespmem:s14+$0x0];
	v2 =	vadd.f32 $5.000000000e+01, v2;
	v4 =	vadd.f32 $5.000000000e+01, v4  }
0x8d: {  	v3 =	vadd.f32 $5.000000000e+01, v3;
	v5 =	vadd.f32 $5.000000000e+01, v5  }
0x8e: {  	v7 =	vld [tilespmem:s14+$0x10];
	v2 =	vmul.f32 $2.500000000e+00, v2;
	v4 =	vmul.f32 $2.500000000e+00, v4  }
0x8f: {  	v3 =	vmul.f32 $2.500000000e+00, v3;
	v5 =	vmul.f32 $2.500000000e+00, v5  }
0x90: {  	v6 =	vtrunc.f32 v2;
	v58 =	vtrunc.f32 v4  }
0x91: {  	v63 =	vadd.f32 $5.000000000e+01, v60;
	v61 =	vtrunc.f32 v5;
	v8 =	vcvt.f32.s32 v6  }
0x92: {  	vm12 =	vgt.f32 v2, v6;
	v2 =	vld [tilespmem:s14+$0xFFFFFFF0];
	v6 =	vtrunc.f32 v3;
	v62 =	vcvt.f32.s32 v61  }
0x93: {  	vm13 =	vgt.f32 v5, v61;
	v5 =	vld [tilespmem:s14+$0xFFFFFFE0];
	vm15 =	vgt.f32 v4, v58;
	v4 =	vadd.f32 $5.000000000e+01, v7  }
0x94: {  	v59 =	vsel vm12, $0x1, v1;
	v13 =	vcvt.f32.s32 v6;
	vm14 =	vgt.f32 v3, v6  }
0x95: {  	s9 =	simm.s32 $0x12020;
	v3 =	vsel vm13, $0x1, v1;
	v6 =	vcvt.f32.s32 v58;
	v8 =	vadd.s32 v8, v59  }
0x96: {  	v7 =	vsel vm14, $0x1, v1;
	v3 =	vadd.s32 v62, v3;
	v4 =	vmul.f32 $2.500000000e+00, v4;
	[tilespmem:s9+$0x10] =	vst v8  }
0x97: {  	v8 =	vsel vm15, $0x1, v1;
	v7 =	vadd.s32 v13, v7;
	[tilespmem:s9+$0xFFFFFFE0] =	vst v3;
	v2 =	vadd.f32 $5.000000000e+01, v2  }
0x98: {  	v8 =	vadd.s32 v6, v8;
	[tilespmem:s9+$0xFFFFFFF0] =	vst v7;
	v6 =	vtrunc.f32 v4;
	v5 =	vadd.f32 $5.000000000e+01, v5  }
0x99: {  	s10 =	simm.s32 $0x20A0;
	s14 =	simm.s32 $0x4;
	[tilespmem:s9+$0x0] =	vst v8;
	v3 =	vmul.f32 $2.500000000e+00, v2;
	v2 =	vmul.f32 $2.500000000e+00, v63  }
.LBB2_6:
0x9a: {  	v7 =	vld [tilespmem:s10+$0x10];
	s14 =	sadd.s32 $0x4, s14;
	v5 =	vmul.f32 $2.500000000e+00, v5;
	v8 =	vcvt.f32.s32 v6;
	vm0 =	vgt.f32 v4, v6  }
0x9b: {  	v6 =	vtrunc.f32 v3;
	v4 =	vld [tilespmem:s10+$0xFFFFFFF0];
	p0 =	slt.u32 s14, $0x1FC;
	v9 =	vtrunc.f32 v2;
	v10 =	vsel vm0, $0x1, v1  }
0x9c: {  	s9 =	sadd.s32 $0x40, s9;
	v13 =	vcvt.f32.s32 v6;
	v11 =	vld [tilespmem:s10+$0x0];
	v12 =	vtrunc.f32 v5;
	v8 =	vadd.s32 v8, v10  }
0x9d: {  	vm1 =	vgt.f32 v3, v6;
	v10 =	vld [tilespmem:s10+$0xFFFFFFE0];
	v14 =	vcvt.f32.s32 v12;
	vm0 =	vgt.f32 v5, v12;
	[tilespmem:s9+$0x10] =	vst v8  }
0x9e: {  	v5 =	vcvt.f32.s32 v9;
	v3 =	vsel vm0, $0x1, v1;
	vm0 =	vgt.f32 v2, v9  }
.Ltmp2:
0x9f: {  	v6 =	vsel vm1, $0x1, v1;
	v2 =	vadd.f32 $5.000000000e+01, v7;
	v7 =	vsel vm0, $0x1, v1;
	(pc) =	sbr.rel @p0 .LBB2_6-.Ltmp2, $4  }
0xa0: {  	v6 =	vadd.s32 v13, v6;
	v3 =	vadd.s32 v14, v3;
	v8 =	vadd.f32 $5.000000000e+01, v4  }
0xa1: {  	v7 =	vadd.s32 v5, v7;
	v9 =	vadd.f32 $5.000000000e+01, v11;
	v4 =	vmul.f32 $2.500000000e+00, v2;
	[tilespmem:s9+$0xFFFFFFE0] =	vst v3  }
0xa2: {  	v5 =	vadd.f32 $5.000000000e+01, v10;
	v3 =	vmul.f32 $2.500000000e+00, v8;
	[tilespmem:s9+$0xFFFFFFF0] =	vst v6  }
0xa3: {  	s10 =	sadd.s32 $0x40, s10;
	v2 =	vmul.f32 $2.500000000e+00, v9;
	v6 =	vtrunc.f32 v4;
	[tilespmem:s9+$0x0] =	vst v7  }
0xa4: {  	v5 =	vmul.f32 $2.500000000e+00, v5;
	v7 =	vcvt.f32.s32 v6  }
0xa5: {  	vm0 =	vgt.f32 v4, v6;
	v4 =	vtrunc.f32 v3;
	v6 =	vtrunc.f32 v2  }
0xa6: {  	v8 =	vsel vm0, $0x1, v1;
	v10 =	vcvt.f32.s32 v4;
	vm1 =	vgt.f32 v3, v4  }
0xa7: {  	v9 =	vtrunc.f32 v5;
	v7 =	vadd.s32 v7, v8;
	vm11 =	vgt.f32 v2, v6  }
0xa8: {  	s9 =	sadd.s32 $0x40, s9;
	v2 =	vsel vm1, $0x1, v1;
	v8 =	vcvt.f32.s32 v9;
	vm10 =	vgt.f32 v5, v9  }
0xa9: {  	v4 =	vcvt.f32.s32 v6;
	[tilespmem:s9+$0x10] =	vst v7;
	v2 =	vadd.s32 v10, v2;
	v3 =	vsel vm10, $0x1, v1  }
0xaa: {  	v5 =	vsel vm11, $0x1, v1;
	[tilespmem:s9+$0xFFFFFFF0] =	vst v2;
	v3 =	vadd.s32 v8, v3  }
0xab: {  	[tilespmem:s9+$0xFFFFFFE0] =	vst v3;
	v3 =	vadd.s32 v4, v5  }
0xac: {  	[tilespmem:s9+$0x0] =	vst v3  }
0xad: {  	s10 =	simm.s32 $0x12000;
	s9 =	rddreg [dreg:$0x8]  }
0xae: {  	[hbm4b:s9+s22] =	stream.strided.scatter [tilespmem:s10], [sflag:$0x5], $0x2000, s28, s22, $0x38;
	[tilespmem:$0x1E000] =	vst v63  }
0xaf: {  	_ =	swait.ge [sflag:s4], $0x2000  }
0xb0: {  	[sflag:s4] =	ssyncset.done $0x0  }
0xb1: {  	s10 =	simm.s32 $0x4020;
	s14 =	rddreg [dreg:$0x9];
	[sflag:s4] =	ssyncadd.s32 $0xFFFFE000  }
0xb2: {  	[hbm4b:s14+s22] =	stream.strided.scatter [tilespmem:s25], [sflag:$0x3], $0x2000, s28, s22, $0x38;
	[tilespmem:$0x1E000] =	vst v63  }
0xb3: {  	v2 =	vld [tilespmem:s10+$0x10]  }
0xb4: {  	v3 =	vld [tilespmem:s10+$0xFFFFFFF0]  }
0xb5: {  	v4 =	vld [tilespmem:s10+$0x0]  }
0xb6: {  	v5 =	vld [tilespmem:s10+$0xFFFFFFE0];
	_ =	sdelay $0x2  }
0xb7: {  	s14 =	simm.s32 $0x4060  }
0xb8: {  	v11 =	vld [tilespmem:s14+$0x0];
	v2 =	vadd.f32 $2.000000000e+00, v2;
	v4 =	vadd.f32 $2.000000000e+00, v4  }
0xb9: {  	v3 =	vadd.f32 $2.000000000e+00, v3;
	v5 =	vadd.f32 $2.000000000e+00, v5  }
0xba: {  	v7 =	vld [tilespmem:s14+$0x10];
	v2 =	vmul.f32 $2.500000000e+00, v2;
	v4 =	vmul.f32 $2.500000000e+00, v4  }
0xbb: {  	v3 =	vmul.f32 $2.500000000e+00, v3;
	v5 =	vmul.f32 $2.500000000e+00, v5  }
0xbc: {  	v6 =	vtrunc.f32 v2;
	v60 =	vtrunc.f32 v4  }
0xbd: {  	v63 =	vadd.f32 $2.000000000e+00, v11;
	v12 =	vtrunc.f32 v5;
	v8 =	vcvt.f32.s32 v6  }
0xbe: {  	vm12 =	vgt.f32 v2, v6;
	v2 =	vld [tilespmem:s14+$0xFFFFFFF0];
	v6 =	vtrunc.f32 v3;
	v62 =	vcvt.f32.s32 v12  }
0xbf: {  	vm13 =	vgt.f32 v5, v12;
	v5 =	vld [tilespmem:s14+$0xFFFFFFE0];
	vm15 =	vgt.f32 v4, v60;
	v4 =	vadd.f32 $2.000000000e+00, v7  }
0xc0: {  	v61 =	vsel vm12, $0x1, v1;
	v13 =	vcvt.f32.s32 v6;
	vm14 =	vgt.f32 v3, v6  }
0xc1: {  	s9 =	simm.s32 $0x14020;
	v3 =	vsel vm13, $0x1, v1;
	v6 =	vcvt.f32.s32 v60;
	v8 =	vadd.s32 v8, v61  }
0xc2: {  	v7 =	vsel vm14, $0x1, v1;
	v3 =	vadd.s32 v62, v3;
	v4 =	vmul.f32 $2.500000000e+00, v4;
	[tilespmem:s9+$0x10] =	vst v8  }
0xc3: {  	v8 =	vsel vm15, $0x1, v1;
	v7 =	vadd.s32 v13, v7;
	[tilespmem:s9+$0xFFFFFFE0] =	vst v3;
	v2 =	vadd.f32 $2.000000000e+00, v2  }
0xc4: {  	v8 =	vadd.s32 v6, v8;
	[tilespmem:s9+$0xFFFFFFF0] =	vst v7;
	v6 =	vtrunc.f32 v4;
	v5 =	vadd.f32 $2.000000000e+00, v5  }
0xc5: {  	s10 =	simm.s32 $0x40A0;
	s14 =	simm.s32 $0x4;
	[tilespmem:s9+$0x0] =	vst v8;
	v3 =	vmul.f32 $2.500000000e+00, v2;
	v2 =	vmul.f32 $2.500000000e+00, v63  }
.LBB2_8:
0xc6: {  	v7 =	vld [tilespmem:s10+$0x10];
	s14 =	sadd.s32 $0x4, s14;
	v5 =	vmul.f32 $2.500000000e+00, v5;
	v8 =	vcvt.f32.s32 v6;
	vm0 =	vgt.f32 v4, v6  }
0xc7: {  	v6 =	vtrunc.f32 v3;
	v4 =	vld [tilespmem:s10+$0xFFFFFFF0];
	p0 =	slt.u32 s14, $0x1FC;
	v9 =	vtrunc.f32 v2;
	v10 =	vsel vm0, $0x1, v1  }
0xc8: {  	s9 =	sadd.s32 $0x40, s9;
	v13 =	vcvt.f32.s32 v6;
	v11 =	vld [tilespmem:s10+$0x0];
	v12 =	vtrunc.f32 v5;
	v8 =	vadd.s32 v8, v10  }
0xc9: {  	vm1 =	vgt.f32 v3, v6;
	v10 =	vld [tilespmem:s10+$0xFFFFFFE0];
	v14 =	vcvt.f32.s32 v12;
	vm0 =	vgt.f32 v5, v12;
	[tilespmem:s9+$0x10] =	vst v8  }
0xca: {  	v5 =	vcvt.f32.s32 v9;
	v3 =	vsel vm0, $0x1, v1;
	vm0 =	vgt.f32 v2, v9  }
.Ltmp3:
0xcb: {  	v6 =	vsel vm1, $0x1, v1;
	v2 =	vadd.f32 $2.000000000e+00, v7;
	v7 =	vsel vm0, $0x1, v1;
	(pc) =	sbr.rel @p0 .LBB2_8-.Ltmp3, $4  }
0xcc: {  	v6 =	vadd.s32 v13, v6;
	v3 =	vadd.s32 v14, v3;
	v8 =	vadd.f32 $2.000000000e+00, v4  }
0xcd: {  	v7 =	vadd.s32 v5, v7;
	v9 =	vadd.f32 $2.000000000e+00, v11;
	v4 =	vmul.f32 $2.500000000e+00, v2;
	[tilespmem:s9+$0xFFFFFFE0] =	vst v3  }
0xce: {  	v5 =	vadd.f32 $2.000000000e+00, v10;
	v3 =	vmul.f32 $2.500000000e+00, v8;
	[tilespmem:s9+$0xFFFFFFF0] =	vst v6  }
0xcf: {  	s10 =	sadd.s32 $0x40, s10;
	v2 =	vmul.f32 $2.500000000e+00, v9;
	v6 =	vtrunc.f32 v4;
	[tilespmem:s9+$0x0] =	vst v7  }
0xd0: {  	v5 =	vmul.f32 $2.500000000e+00, v5;
	v7 =	vcvt.f32.s32 v6  }
0xd1: {  	vm0 =	vgt.f32 v4, v6;
	v4 =	vtrunc.f32 v3;
	v6 =	vtrunc.f32 v2  }
0xd2: {  	v8 =	vsel vm0, $0x1, v1;
	v10 =	vcvt.f32.s32 v4;
	vm1 =	vgt.f32 v3, v4  }
0xd3: {  	v9 =	vtrunc.f32 v5;
	v7 =	vadd.s32 v7, v8;
	vm11 =	vgt.f32 v2, v6  }
0xd4: {  	s9 =	sadd.s32 $0x40, s9;
	v2 =	vsel vm1, $0x1, v1;
	v8 =	vcvt.f32.s32 v9;
	vm10 =	vgt.f32 v5, v9  }
0xd5: {  	v4 =	vcvt.f32.s32 v6;
	[tilespmem:s9+$0x10] =	vst v7;
	v2 =	vadd.s32 v10, v2;
	v3 =	vsel vm10, $0x1, v1  }
0xd6: {  	v5 =	vsel vm11, $0x1, v1;
	[tilespmem:s9+$0xFFFFFFF0] =	vst v2;
	v3 =	vadd.s32 v8, v3  }
0xd7: {  	[tilespmem:s9+$0xFFFFFFE0] =	vst v3;
	v3 =	vadd.s32 v4, v5  }
0xd8: {  	[tilespmem:s9+$0x0] =	vst v3  }
0xd9: {  	s10 =	simm.s32 $0x14000;
	s9 =	rddreg [dreg:$0xa]  }
0xda: {  	[hbm4b:s9+s22] =	stream.strided.scatter [tilespmem:s10], [sflag:$0x5], $0x2000, s28, s22, $0x38;
	[tilespmem:$0x1E000] =	vst v63  }
0xdb: {  	_ =	swait.ge [sflag:s4], $0x2000  }
0xdc: {  	[sflag:s4] =	ssyncset.done $0x0  }
0xdd: {  	s10 =	rddreg [dreg:$0xb];
	[sflag:s4] =	ssyncadd.s32 $0xFFFFE000  }
0xde: {  	[hbm4b:s10+s22] =	stream.strided.scatter [tilespmem:s26], [sflag:$0x3], $0x2000, s28, s22, $0x38;
	[tilespmem:$0x1E000] =	vst v63  }
0xdf: {  	_ =	swait.ge [sflag:s7], $0x2000  }
0xe0: {  	[sflag:s7] =	ssyncset.done $0x0  }
0xe1: {  	[sflag:s7] =	ssyncadd.s32 $0xFFFFE000  }
0xe2: {  	_ =	swait.ge [sflag:s6], $0x2000  }
0xe3: {  	[sflag:s6] =	ssyncset.done $0x0  }
0xe4: {  	[sflag:s6] =	ssyncadd.s32 $0xFFFFE000  }
0xe5: {  	_ =	swait.ge [sflag:s7], $0x2000  }
0xe6: {  	[sflag:s7] =	ssyncset.done $0x0  }
0xe7: {  	[sflag:s7] =	ssyncadd.s32 $0xFFFFE000  }
0xe8: {  	_ =	swait.ge [sflag:s6], $0x2000  }
0xe9: {  	[sflag:s6] =	ssyncset.done $0x0  }
0xea: {  	[sflag:s6] =	ssyncadd.s32 $0xFFFFE000  }
0xeb: {  	_ =	swait.ge [sflag:s7], $0x2000  }
0xec: {  	[sflag:s7] =	ssyncset.done $0x0  }
0xed: {  	[sflag:s7] =	ssyncadd.s32 $0xFFFFE000  }
0xee: {  	_ =	swait.ge [sflag:s6], $0x2000  }
0xef: {  	[sflag:s6] =	ssyncset.done $0x0  }
0xf0: {  	[sflag:s6] =	ssyncadd.s32 $0xFFFFE000  }
0xf1: {  	_ =	swait.ge [sflag:s7], $0x2000  }
0xf2: {  	s14 =	sld [smem:$0x7FD]  }
0xf3: {  	[sflag:s7] =	ssyncset.done $0x0  }
0xf4: {  	[sflag:s7] =	ssyncadd.s32 $0xFFFFE000  }
0xf5: {  	[tilespmem:s1], [sflag:$0x1] =	stream.strided.gather [hbm4b:s14+s22], $0x2000, s23, s22, $0x38;
	[tilespmem:$0x1E000] =	vst v63  }
0xf6: {  	_ = 	snop  }
0xf7: {  	[tilespmem:s24], [sflag:$0x1] =	stream.strided.gather [hbm4b:s15+s22], $0x2000, s23, s22, $0x38;
	[tilespmem:$0x1E000] =	vst v63  }
0xf8: {  	_ = 	snop  }
0xf9: {  	[tilespmem:s25], [sflag:$0x1] =	stream.strided.gather [hbm4b:s16+s22], $0x2000, s23, s22, $0x38;
	[tilespmem:$0x1E000] =	vst v63  }
0xfa: {  	_ = 	snop  }
0xfb: {  	[tilespmem:s26], [sflag:$0x1] =	stream.strided.gather [hbm4b:s17+s22], $0x2000, s23, s22, $0x38;
	[tilespmem:$0x1E000] =	vst v63  }
0xfc: {  	_ =	swait.ge [sflag:s8], $0x2000  }
0xfd: {  	[sflag:s8] =	ssyncset.done $0x0  }
0xfe: {  	s14 =	simm.s32 $0x8020;
	s10 =	rddreg [dreg:$0xc];
	[sflag:s8] =	ssyncadd.s32 $0xFFFFE000  }
0xff: {  	[hbm4b:s10+s22] =	stream.strided.scatter [tilespmem:s31], [sflag:$0x4], $0x2000, s28, s22, $0x38;
	[tilespmem:$0x1E000] =	vst v63  }
0x100: {  	v2 =	vld [tilespmem:s14+$0x10]  }
0x101: {  	v3 =	vld [tilespmem:s14+$0xFFFFFFF0]  }
0x102: {  	v4 =	vld [tilespmem:s14+$0x0]  }
0x103: {  	v5 =	vld [tilespmem:s14+$0xFFFFFFE0];
	_ =	sdelay $0x2  }
0x104: {  	v2 =	vmul.f32 $2.500000000e+00, v2  }
0x105: {  	s14 =	simm.s32 $0x8060;
	v3 =	vmul.f32 $2.500000000e+00, v3;
	v4 =	vmul.f32 $2.500000000e+00, v4  }
0x106: {  	v7 =	vld [tilespmem:s14+$0x10];
	v5 =	vmul.f32 $2.500000000e+00, v5;
	v6 =	vtrunc.f32 v2  }
0x107: {  	v8 =	vcvt.f32.s32 v6;
	vm12 =	vgt.f32 v2, v6;
	v6 =	vtrunc.f32 v3  }
0x108: {  	v11 =	vld [tilespmem:s14+$0x0];
	v12 =	vtrunc.f32 v5;
	v13 =	vcvt.f32.s32 v6;
	vm14 =	vgt.f32 v3, v6  }
0x109: {  	v9 =	vtrunc.f32 v4;
	v2 =	vld [tilespmem:s14+$0xFFFFFFF0];
	vm13 =	vgt.f32 v5, v12;
	v5 =	vsel vm14, $0x1, v1  }
0x10a: {  	vm15 =	vgt.f32 v4, v9;
	v10 =	vsel vm12, $0x1, v1;
	v6 =	vadd.s32 v13, v5;
	v5 =	vld [tilespmem:s14+$0xFFFFFFE0]  }
0x10b: {  	v4 =	vmul.f32 $2.500000000e+00, v7;
	v8 =	vadd.s32 v8, v10;
	v10 =	vcvt.f32.s32 v12  }
0x10c: {  	s9 =	simm.s32 $0x16020;
	v63 =	vcvt.f32.s32 v9;
	v3 =	vsel vm13, $0x1, v1  }
0x10d: {  	v7 =	vsel vm15, $0x1, v1;
	[tilespmem:s9+$0x10] =	vst v8;
	v8 =	vtrunc.f32 v4;
	v9 =	vadd.s32 v10, v3  }
0x10e: {  	s10 =	simm.s32 $0x4;
	v7 =	vadd.s32 v63, v7;
	s14 =	simm.s32 $0x80A0;
	v3 =	vmul.f32 $2.500000000e+00, v11;
	v2 =	vmul.f32 $2.500000000e+00, v2;
	[tilespmem:s9+$0xFFFFFFE0] =	vst v9  }
.LBB2_10:
0x10f: {  	v9 =	vld [tilespmem:s14+$0x10];
	s10 =	sadd.s32 $0x4, s10;
	v10 =	vmul.f32 $2.500000000e+00, v5;
	v5 =	vcvt.f32.s32 v8;
	vm0 =	vgt.f32 v4, v8;
	[tilespmem:s9+$0xFFFFFFF0] =	vst v6  }
0x110: {  	v4 =	vtrunc.f32 v2;
	v6 =	vld [tilespmem:s14+$0xFFFFFFF0];
	p0 =	slt.u32 s10, $0x1FC;
	v8 =	vtrunc.f32 v3;
	v11 =	vsel vm0, $0x1, v1;
	[tilespmem:s9+$0x0] =	vst v7  }
0x111: {  	v13 =	vcvt.f32.s32 v4;
	s9 =	sadd.s32 $0x40, s9;
	v7 =	vld [tilespmem:s14+$0x0];
	v12 =	vtrunc.f32 v10;
	v11 =	vadd.s32 v5, v11  }
.Ltmp4:
0x112: {  	vm1 =	vgt.f32 v2, v4;
	v5 =	vld [tilespmem:s14+$0xFFFFFFE0];
	v14 =	vcvt.f32.s32 v12;
	vm0 =	vgt.f32 v10, v12;
	[tilespmem:s9+$0x10] =	vst v11;
	(pc) =	sbr.rel @p0 .LBB2_10-.Ltmp4, $4  }
0x113: {  	v11 =	vcvt.f32.s32 v8;
	v10 =	vsel vm0, $0x1, v1;
	vm0 =	vgt.f32 v3, v8  }
0x114: {  	v3 =	vsel vm1, $0x1, v1;
	v4 =	vmul.f32 $2.500000000e+00, v9;
	v9 =	vsel vm0, $0x1, v1  }
0x115: {  	v10 =	vadd.s32 v14, v10;
	v2 =	vmul.f32 $2.500000000e+00, v6;
	v6 =	vadd.s32 v13, v3  }
0x116: {  	s14 =	sadd.s32 $0x40, s14;
	v3 =	vmul.f32 $2.500000000e+00, v7;
	v8 =	vtrunc.f32 v4;
	[tilespmem:s9+$0xFFFFFFE0] =	vst v10;
	v7 =	vadd.s32 v11, v9  }
0x117: {  	v5 =	vmul.f32 $2.500000000e+00, v5;
	v9 =	vcvt.f32.s32 v8  }
0x118: {  	vm0 =	vgt.f32 v4, v8;
	v4 =	vtrunc.f32 v2;
	v8 =	vtrunc.f32 v3  }
0x119: {  	v10 =	vsel vm0, $0x1, v1;
	v12 =	vcvt.f32.s32 v4;
	vm1 =	vgt.f32 v2, v4  }
0x11a: {  	[tilespmem:s9+$0xFFFFFFF0] =	vst v6;
	v11 =	vtrunc.f32 v5;
	v6 =	vadd.s32 v9, v10;
	vm11 =	vgt.f32 v3, v8  }
0x11b: {  	[tilespmem:s9+$0x0] =	vst v7;
	s10 =	sadd.s32 $0x40, s9;
	v3 =	vsel vm1, $0x1, v1;
	v57 =	vcvt.f32.s32 v11;
	vm10 =	vgt.f32 v5, v11  }
0x11c: {  	v4 =	vcvt.f32.s32 v8;
	[tilespmem:s10+$0x10] =	vst v6;
	v3 =	vadd.s32 v12, v3;
	v2 =	vsel vm10, $0x1, v1  }
0x11d: {  	v5 =	vsel vm11, $0x1, v1;
	[tilespmem:s10+$0xFFFFFFF0] =	vst v3;
	v2 =	vadd.s32 v57, v2  }
0x11e: {  	[tilespmem:s10+$0xFFFFFFE0] =	vst v2;
	v2 =	vadd.s32 v4, v5  }
0x11f: {  	[tilespmem:s10+$0x0] =	vst v2  }
0x120: {  	s10 =	simm.s32 $0x16000;
	s9 =	rddreg [dreg:$0xd]  }
0x121: {  	[hbm4b:s9+s22] =	stream.strided.scatter [tilespmem:s10], [sflag:$0x6], $0x2000, s28, s22, $0x38;
	[tilespmem:$0x1E000] =	vst v63  }
0x122: {  	_ =	swait.ge [sflag:s8], $0x2000  }
0x123: {  	[sflag:s8] =	ssyncset.done $0x0  }
0x124: {  	s10 =	simm.s32 $0xA020;
	s14 =	rddreg [dreg:$0xe];
	[sflag:s8] =	ssyncadd.s32 $0xFFFFE000  }
0x125: {  	[hbm4b:s14+s22] =	stream.strided.scatter [tilespmem:s30], [sflag:$0x4], $0x2000, s28, s22, $0x38;
	[tilespmem:$0x1E000] =	vst v63  }
0x126: {  	v2 =	vld [tilespmem:s10+$0x10]  }
0x127: {  	v3 =	vld [tilespmem:s10+$0xFFFFFFF0]  }
0x128: {  	v4 =	vld [tilespmem:s10+$0x0]  }
0x129: {  	v5 =	vld [tilespmem:s10+$0xFFFFFFE0];
	_ =	sdelay $0x2  }
0x12a: {  	s14 =	simm.s32 $0xA060  }
0x12b: {  	v60 =	vld [tilespmem:s14+$0x0];
	v2 =	vadd.f32 $5.000000000e+01, v2;
	v4 =	vadd.f32 $5.000000000e+01, v4  }
0x12c: {  	v3 =	vadd.f32 $5.000000000e+01, v3;
	v5 =	vadd.f32 $5.000000000e+01, v5  }
0x12d: {  	v7 =	vld [tilespmem:s14+$0x10];
	v2 =	vmul.f32 $2.500000000e+00, v2;
	v4 =	vmul.f32 $2.500000000e+00, v4  }
0x12e: {  	v3 =	vmul.f32 $2.500000000e+00, v3;
	v5 =	vmul.f32 $2.500000000e+00, v5  }
0x12f: {  	v6 =	vtrunc.f32 v2;
	v58 =	vtrunc.f32 v4  }
0x130: {  	v63 =	vadd.f32 $5.000000000e+01, v60;
	v61 =	vtrunc.f32 v5;
	v8 =	vcvt.f32.s32 v6  }
0x131: {  	vm12 =	vgt.f32 v2, v6;
	v2 =	vld [tilespmem:s14+$0xFFFFFFF0];
	v6 =	vtrunc.f32 v3;
	v62 =	vcvt.f32.s32 v61  }
0x132: {  	vm13 =	vgt.f32 v5, v61;
	v5 =	vld [tilespmem:s14+$0xFFFFFFE0];
	vm15 =	vgt.f32 v4, v58;
	v4 =	vadd.f32 $5.000000000e+01, v7  }
0x133: {  	v59 =	vsel vm12, $0x1, v1;
	v13 =	vcvt.f32.s32 v6;
	vm14 =	vgt.f32 v3, v6  }
0x134: {  	s9 =	simm.s32 $0x18020;
	v3 =	vsel vm13, $0x1, v1;
	v6 =	vcvt.f32.s32 v58;
	v8 =	vadd.s32 v8, v59  }
0x135: {  	v7 =	vsel vm14, $0x1, v1;
	v3 =	vadd.s32 v62, v3;
	v4 =	vmul.f32 $2.500000000e+00, v4;
	[tilespmem:s9+$0x10] =	vst v8  }
0x136: {  	v8 =	vsel vm15, $0x1, v1;
	v7 =	vadd.s32 v13, v7;
	[tilespmem:s9+$0xFFFFFFE0] =	vst v3;
	v2 =	vadd.f32 $5.000000000e+01, v2  }
0x137: {  	v8 =	vadd.s32 v6, v8;
	[tilespmem:s9+$0xFFFFFFF0] =	vst v7;
	v6 =	vtrunc.f32 v4;
	v5 =	vadd.f32 $5.000000000e+01, v5  }
0x138: {  	s10 =	simm.s32 $0xA0A0;
	s14 =	simm.s32 $0x4;
	[tilespmem:s9+$0x0] =	vst v8;
	v3 =	vmul.f32 $2.500000000e+00, v2;
	v2 =	vmul.f32 $2.500000000e+00, v63  }
.LBB2_12:
0x139: {  	v7 =	vld [tilespmem:s10+$0x10];
	s14 =	sadd.s32 $0x4, s14;
	v5 =	vmul.f32 $2.500000000e+00, v5;
	v8 =	vcvt.f32.s32 v6;
	vm0 =	vgt.f32 v4, v6  }
0x13a: {  	v6 =	vtrunc.f32 v3;
	v4 =	vld [tilespmem:s10+$0xFFFFFFF0];
	p0 =	slt.u32 s14, $0x1FC;
	v9 =	vtrunc.f32 v2;
	v10 =	vsel vm0, $0x1, v1  }
0x13b: {  	s9 =	sadd.s32 $0x40, s9;
	v13 =	vcvt.f32.s32 v6;
	v11 =	vld [tilespmem:s10+$0x0];
	v12 =	vtrunc.f32 v5;
	v8 =	vadd.s32 v8, v10  }
0x13c: {  	vm1 =	vgt.f32 v3, v6;
	v10 =	vld [tilespmem:s10+$0xFFFFFFE0];
	v14 =	vcvt.f32.s32 v12;
	vm0 =	vgt.f32 v5, v12;
	[tilespmem:s9+$0x10] =	vst v8  }
0x13d: {  	v5 =	vcvt.f32.s32 v9;
	v3 =	vsel vm0, $0x1, v1;
	vm0 =	vgt.f32 v2, v9  }
.Ltmp5:
0x13e: {  	v6 =	vsel vm1, $0x1, v1;
	v2 =	vadd.f32 $5.000000000e+01, v7;
	v7 =	vsel vm0, $0x1, v1;
	(pc) =	sbr.rel @p0 .LBB2_12-.Ltmp5, $4  }
0x13f: {  	v6 =	vadd.s32 v13, v6;
	v3 =	vadd.s32 v14, v3;
	v8 =	vadd.f32 $5.000000000e+01, v4  }
0x140: {  	v7 =	vadd.s32 v5, v7;
	v9 =	vadd.f32 $5.000000000e+01, v11;
	v4 =	vmul.f32 $2.500000000e+00, v2;
	[tilespmem:s9+$0xFFFFFFE0] =	vst v3  }
0x141: {  	v5 =	vadd.f32 $5.000000000e+01, v10;
	v3 =	vmul.f32 $2.500000000e+00, v8;
	[tilespmem:s9+$0xFFFFFFF0] =	vst v6  }
0x142: {  	s10 =	sadd.s32 $0x40, s10;
	v2 =	vmul.f32 $2.500000000e+00, v9;
	v6 =	vtrunc.f32 v4;
	[tilespmem:s9+$0x0] =	vst v7  }
0x143: {  	v5 =	vmul.f32 $2.500000000e+00, v5;
	v7 =	vcvt.f32.s32 v6  }
0x144: {  	vm0 =	vgt.f32 v4, v6;
	v4 =	vtrunc.f32 v3;
	v6 =	vtrunc.f32 v2  }
0x145: {  	v8 =	vsel vm0, $0x1, v1;
	v10 =	vcvt.f32.s32 v4;
	vm1 =	vgt.f32 v3, v4  }
0x146: {  	v9 =	vtrunc.f32 v5;
	v7 =	vadd.s32 v7, v8;
	vm11 =	vgt.f32 v2, v6  }
0x147: {  	s9 =	sadd.s32 $0x40, s9;
	v2 =	vsel vm1, $0x1, v1;
	v8 =	vcvt.f32.s32 v9;
	vm10 =	vgt.f32 v5, v9  }
0x148: {  	v4 =	vcvt.f32.s32 v6;
	[tilespmem:s9+$0x10] =	vst v7;
	v2 =	vadd.s32 v10, v2;
	v3 =	vsel vm10, $0x1, v1  }
0x149: {  	v5 =	vsel vm11, $0x1, v1;
	[tilespmem:s9+$0xFFFFFFF0] =	vst v2;
	v3 =	vadd.s32 v8, v3  }
0x14a: {  	[tilespmem:s9+$0xFFFFFFE0] =	vst v3;
	v3 =	vadd.s32 v4, v5  }
0x14b: {  	[tilespmem:s9+$0x0] =	vst v3  }
0x14c: {  	s10 =	simm.s32 $0x18000;
	s9 =	rddreg [dreg:$0xf]  }
0x14d: {  	[hbm4b:s9+s22] =	stream.strided.scatter [tilespmem:s10], [sflag:$0x6], $0x2000, s28, s22, $0x38;
	[tilespmem:$0x1E000] =	vst v63  }
0x14e: {  	_ =	swait.ge [sflag:s8], $0x2000  }
0x14f: {  	[sflag:s8] =	ssyncset.done $0x0  }
0x150: {  	s10 =	simm.s32 $0xC020;
	s14 =	rddreg [dreg:$0x10];
	[sflag:s8] =	ssyncadd.s32 $0xFFFFE000  }
0x151: {  	[hbm4b:s14+s22] =	stream.strided.scatter [tilespmem:s0], [sflag:$0x4], $0x2000, s28, s22, $0x38;
	[tilespmem:$0x1E000] =	vst v63  }
0x152: {  	v2 =	vld [tilespmem:s10+$0x10]  }
0x153: {  	v3 =	vld [tilespmem:s10+$0xFFFFFFF0]  }
0x154: {  	v4 =	vld [tilespmem:s10+$0x0]  }
0x155: {  	v5 =	vld [tilespmem:s10+$0xFFFFFFE0];
	_ =	sdelay $0x2  }
0x156: {  	s14 =	simm.s32 $0xC060  }
0x157: {  	v11 =	vld [tilespmem:s14+$0x0];
	v2 =	vadd.f32 $2.000000000e+00, v2;
	v4 =	vadd.f32 $2.000000000e+00, v4  }
0x158: {  	v3 =	vadd.f32 $2.000000000e+00, v3;
	v5 =	vadd.f32 $2.000000000e+00, v5  }
0x159: {  	v7 =	vld [tilespmem:s14+$0x10];
	v2 =	vmul.f32 $2.500000000e+00, v2;
	v4 =	vmul.f32 $2.500000000e+00, v4  }
0x15a: {  	v3 =	vmul.f32 $2.500000000e+00, v3;
	v5 =	vmul.f32 $2.500000000e+00, v5  }
0x15b: {  	v6 =	vtrunc.f32 v2;
	v60 =	vtrunc.f32 v4  }
0x15c: {  	v63 =	vadd.f32 $2.000000000e+00, v11;
	v12 =	vtrunc.f32 v5;
	v8 =	vcvt.f32.s32 v6  }
0x15d: {  	vm12 =	vgt.f32 v2, v6;
	v2 =	vld [tilespmem:s14+$0xFFFFFFF0];
	v6 =	vtrunc.f32 v3;
	v62 =	vcvt.f32.s32 v12  }
0x15e: {  	vm13 =	vgt.f32 v5, v12;
	v5 =	vld [tilespmem:s14+$0xFFFFFFE0];
	vm15 =	vgt.f32 v4, v60;
	v4 =	vadd.f32 $2.000000000e+00, v7  }
0x15f: {  	v61 =	vsel vm12, $0x1, v1;
	v13 =	vcvt.f32.s32 v6;
	vm14 =	vgt.f32 v3, v6  }
0x160: {  	s9 =	simm.s32 $0x1A020;
	v3 =	vsel vm13, $0x1, v1;
	v6 =	vcvt.f32.s32 v60;
	v8 =	vadd.s32 v8, v61  }
0x161: {  	v7 =	vsel vm14, $0x1, v1;
	v3 =	vadd.s32 v62, v3;
	v4 =	vmul.f32 $2.500000000e+00, v4;
	[tilespmem:s9+$0x10] =	vst v8  }
0x162: {  	v8 =	vsel vm15, $0x1, v1;
	v7 =	vadd.s32 v13, v7;
	[tilespmem:s9+$0xFFFFFFE0] =	vst v3;
	v2 =	vadd.f32 $2.000000000e+00, v2  }
0x163: {  	v8 =	vadd.s32 v6, v8;
	[tilespmem:s9+$0xFFFFFFF0] =	vst v7;
	v6 =	vtrunc.f32 v4;
	v5 =	vadd.f32 $2.000000000e+00, v5  }
0x164: {  	s10 =	simm.s32 $0xC0A0;
	s14 =	simm.s32 $0x4;
	[tilespmem:s9+$0x0] =	vst v8;
	v3 =	vmul.f32 $2.500000000e+00, v2;
	v2 =	vmul.f32 $2.500000000e+00, v63  }
.LBB2_14:
0x165: {  	v7 =	vld [tilespmem:s10+$0x10];
	s14 =	sadd.s32 $0x4, s14;
	v5 =	vmul.f32 $2.500000000e+00, v5;
	v8 =	vcvt.f32.s32 v6;
	vm0 =	vgt.f32 v4, v6  }
0x166: {  	v6 =	vtrunc.f32 v3;
	v4 =	vld [tilespmem:s10+$0xFFFFFFF0];
	p0 =	slt.u32 s14, $0x1FC;
	v9 =	vtrunc.f32 v2;
	v10 =	vsel vm0, $0x1, v1  }
0x167: {  	s9 =	sadd.s32 $0x40, s9;
	v13 =	vcvt.f32.s32 v6;
	v11 =	vld [tilespmem:s10+$0x0];
	v12 =	vtrunc.f32 v5;
	v8 =	vadd.s32 v8, v10  }
0x168: {  	vm1 =	vgt.f32 v3, v6;
	v10 =	vld [tilespmem:s10+$0xFFFFFFE0];
	v14 =	vcvt.f32.s32 v12;
	vm0 =	vgt.f32 v5, v12;
	[tilespmem:s9+$0x10] =	vst v8  }
0x169: {  	v5 =	vcvt.f32.s32 v9;
	v3 =	vsel vm0, $0x1, v1;
	vm0 =	vgt.f32 v2, v9  }
.Ltmp6:
0x16a: {  	v6 =	vsel vm1, $0x1, v1;
	v2 =	vadd.f32 $2.000000000e+00, v7;
	v7 =	vsel vm0, $0x1, v1;
	(pc) =	sbr.rel @p0 .LBB2_14-.Ltmp6, $4  }
0x16b: {  	v6 =	vadd.s32 v13, v6;
	v3 =	vadd.s32 v14, v3;
	v8 =	vadd.f32 $2.000000000e+00, v4  }
0x16c: {  	v7 =	vadd.s32 v5, v7;
	v9 =	vadd.f32 $2.000000000e+00, v11;
	v4 =	vmul.f32 $2.500000000e+00, v2;
	[tilespmem:s9+$0xFFFFFFE0] =	vst v3  }
0x16d: {  	v5 =	vadd.f32 $2.000000000e+00, v10;
	v3 =	vmul.f32 $2.500000000e+00, v8;
	[tilespmem:s9+$0xFFFFFFF0] =	vst v6  }
0x16e: {  	s10 =	sadd.s32 $0x40, s10;
	v2 =	vmul.f32 $2.500000000e+00, v9;
	v6 =	vtrunc.f32 v4;
	[tilespmem:s9+$0x0] =	vst v7  }
0x16f: {  	v5 =	vmul.f32 $2.500000000e+00, v5;
	v7 =	vcvt.f32.s32 v6  }
0x170: {  	vm0 =	vgt.f32 v4, v6;
	v4 =	vtrunc.f32 v3;
	v6 =	vtrunc.f32 v2  }
0x171: {  	v8 =	vsel vm0, $0x1, v1;
	v10 =	vcvt.f32.s32 v4;
	vm1 =	vgt.f32 v3, v4  }
0x172: {  	v9 =	vtrunc.f32 v5;
	v7 =	vadd.s32 v7, v8;
	vm11 =	vgt.f32 v2, v6  }
0x173: {  	s9 =	sadd.s32 $0x40, s9;
	v2 =	vsel vm1, $0x1, v1;
	v8 =	vcvt.f32.s32 v9;
	vm10 =	vgt.f32 v5, v9  }
0x174: {  	v4 =	vcvt.f32.s32 v6;
	[tilespmem:s9+$0x10] =	vst v7;
	v2 =	vadd.s32 v10, v2;
	v3 =	vsel vm10, $0x1, v1  }
0x175: {  	v5 =	vsel vm11, $0x1, v1;
	[tilespmem:s9+$0xFFFFFFF0] =	vst v2;
	v3 =	vadd.s32 v8, v3  }
0x176: {  	[tilespmem:s9+$0xFFFFFFE0] =	vst v3;
	v3 =	vadd.s32 v4, v5  }
0x177: {  	[tilespmem:s9+$0x0] =	vst v3  }
0x178: {  	s10 =	simm.s32 $0x1A000;
	s9 =	rddreg [dreg:$0x11]  }
0x179: {  	[hbm4b:s9+s22] =	stream.strided.scatter [tilespmem:s10], [sflag:$0x6], $0x2000, s28, s22, $0x38;
	[tilespmem:$0x1E000] =	vst v63  }
0x17a: {  	_ =	swait.ge [sflag:s8], $0x2000  }
0x17b: {  	[sflag:s8] =	ssyncset.done $0x0  }
0x17c: {  	s14 =	rddreg [dreg:$0x12];
	[sflag:s8] =	ssyncadd.s32 $0xFFFFE000  }
0x17d: {  	[hbm4b:s14+s22] =	stream.strided.scatter [tilespmem:s3], [sflag:$0x4], $0x2000, s28, s22, $0x38;
	[tilespmem:$0x1E000] =	vst v63  }
0x17e: {  	_ =	swait.ge [sflag:s11], $0x2000  }
0x17f: {  	[sflag:s11] =	ssyncset.done $0x0  }
0x180: {  	[sflag:s11] =	ssyncadd.s32 $0xFFFFE000  }
0x181: {  	_ =	swait.ge [sflag:s12], $0x2000  }
0x182: {  	[sflag:s12] =	ssyncset.done $0x0  }
0x183: {  	[sflag:s12] =	ssyncadd.s32 $0xFFFFE000  }
0x184: {  	_ =	swait.ge [sflag:s11], $0x2000  }
0x185: {  	[sflag:s11] =	ssyncset.done $0x0  }
0x186: {  	[sflag:s11] =	ssyncadd.s32 $0xFFFFE000  }
0x187: {  	_ =	swait.ge [sflag:s12], $0x2000  }
0x188: {  	[sflag:s12] =	ssyncset.done $0x0  }
0x189: {  	[sflag:s12] =	ssyncadd.s32 $0xFFFFE000  }
0x18a: {  	_ =	swait.ge [sflag:s11], $0x2000  }
0x18b: {  	[sflag:s11] =	ssyncset.done $0x0  }
0x18c: {  	[sflag:s11] =	ssyncadd.s32 $0xFFFFE000  }
0x18d: {  	_ =	swait.ge [sflag:s12], $0x2000  }
0x18e: {  	[sflag:s12] =	ssyncset.done $0x0  }
0x18f: {  	[sflag:s12] =	ssyncadd.s32 $0xFFFFE000  }
0x190: {  	_ =	swait.ge [sflag:s11], $0x2000  }
0x191: {  	[sflag:s11] =	ssyncset.done $0x0  }
0x192: {  	[sflag:s11] =	ssyncadd.s32 $0xFFFFE000  }
0x193: {  	[tilespmem:s31], [sflag:$0x2] =	stream.strided.gather [hbm4b:s18+s22], $0x2000, s23, s22, $0x38;
	[tilespmem:$0x1E000] =	vst v63  }
0x194: {  	_ = 	snop  }
0x195: {  	[tilespmem:s30], [sflag:$0x2] =	stream.strided.gather [hbm4b:s19+s22], $0x2000, s23, s22, $0x38;
	[tilespmem:$0x1E000] =	vst v63  }
0x196: {  	_ = 	snop  }
0x197: {  	[tilespmem:s0], [sflag:$0x2] =	stream.strided.gather [hbm4b:s20+s22], $0x2000, s23, s22, $0x38;
	[tilespmem:$0x1E000] =	vst v63  }
0x198: {  	_ = 	snop  }
0x199: {  	[tilespmem:s3], [sflag:$0x2] =	stream.strided.gather [hbm4b:s21+s22], $0x2000, s23, s22, $0x38;
	[tilespmem:$0x1E000] =	vst v63  }
0x19a: {  	_ =	swait.ge [sflag:s4], $0x2000  }
0x19b: {  	[sflag:s4] =	ssyncset.done $0x0  }
0x19c: {  	s14 =	simm.s32 $0x20;
	s10 =	rddreg [dreg:$0x13];
	[sflag:s4] =	ssyncadd.s32 $0xFFFFE000  }
0x19d: {  	[hbm4b:s10+s22] =	stream.strided.scatter [tilespmem:s1], [sflag:$0x3], $0x2000, s28, s22, $0x38;
	[tilespmem:$0x1E000] =	vst v63  }
0x19e: {  	v2 =	vld [tilespmem:s14+$0x10]  }
0x19f: {  	v3 =	vld [tilespmem:s14+$0xFFFFFFF0]  }
0x1a0: {  	v4 =	vld [tilespmem:s14+$0x0]  }
0x1a1: {  	v5 =	vld [tilespmem:s14+$0xFFFFFFE0];
	_ =	sdelay $0x2  }
0x1a2: {  	v2 =	vmul.f32 $2.500000000e+00, v2  }
0x1a3: {  	s14 =	simm.s32 $0x60;
	v3 =	vmul.f32 $2.500000000e+00, v3;
	v4 =	vmul.f32 $2.500000000e+00, v4  }
0x1a4: {  	v7 =	vld [tilespmem:s14+$0x10];
	v5 =	vmul.f32 $2.500000000e+00, v5;
	v6 =	vtrunc.f32 v2  }
0x1a5: {  	v8 =	vcvt.f32.s32 v6;
	vm12 =	vgt.f32 v2, v6;
	v6 =	vtrunc.f32 v3  }
0x1a6: {  	v11 =	vld [tilespmem:s14+$0x0];
	v12 =	vtrunc.f32 v5;
	v13 =	vcvt.f32.s32 v6;
	vm14 =	vgt.f32 v3, v6  }
0x1a7: {  	v9 =	vtrunc.f32 v4;
	v2 =	vld [tilespmem:s14+$0xFFFFFFF0];
	vm13 =	vgt.f32 v5, v12;
	v5 =	vsel vm14, $0x1, v1  }
0x1a8: {  	vm15 =	vgt.f32 v4, v9;
	v10 =	vsel vm12, $0x1, v1;
	v6 =	vadd.s32 v13, v5;
	v5 =	vld [tilespmem:s14+$0xFFFFFFE0]  }
0x1a9: {  	v4 =	vmul.f32 $2.500000000e+00, v7;
	v8 =	vadd.s32 v8, v10;
	v10 =	vcvt.f32.s32 v12  }
0x1aa: {  	s9 =	simm.s32 $0x10020;
	v63 =	vcvt.f32.s32 v9;
	v3 =	vsel vm13, $0x1, v1  }
0x1ab: {  	v7 =	vsel vm15, $0x1, v1;
	[tilespmem:s9+$0x10] =	vst v8;
	v8 =	vtrunc.f32 v4;
	v9 =	vadd.s32 v10, v3  }
0x1ac: {  	s10 =	simm.s32 $0x4;
	v7 =	vadd.s32 v63, v7;
	s14 =	simm.s32 $0xA0;
	v3 =	vmul.f32 $2.500000000e+00, v11;
	v2 =	vmul.f32 $2.500000000e+00, v2;
	[tilespmem:s9+$0xFFFFFFE0] =	vst v9  }
.LBB2_16:
0x1ad: {  	v9 =	vld [tilespmem:s14+$0x10];
	s10 =	sadd.s32 $0x4, s10;
	v10 =	vmul.f32 $2.500000000e+00, v5;
	v5 =	vcvt.f32.s32 v8;
	vm0 =	vgt.f32 v4, v8;
	[tilespmem:s9+$0xFFFFFFF0] =	vst v6  }
0x1ae: {  	v4 =	vtrunc.f32 v2;
	v6 =	vld [tilespmem:s14+$0xFFFFFFF0];
	p0 =	slt.u32 s10, $0x1FC;
	v8 =	vtrunc.f32 v3;
	v11 =	vsel vm0, $0x1, v1;
	[tilespmem:s9+$0x0] =	vst v7  }
0x1af: {  	v13 =	vcvt.f32.s32 v4;
	s9 =	sadd.s32 $0x40, s9;
	v7 =	vld [tilespmem:s14+$0x0];
	v12 =	vtrunc.f32 v10;
	v11 =	vadd.s32 v5, v11  }
.Ltmp7:
0x1b0: {  	vm1 =	vgt.f32 v2, v4;
	v5 =	vld [tilespmem:s14+$0xFFFFFFE0];
	v14 =	vcvt.f32.s32 v12;
	vm0 =	vgt.f32 v10, v12;
	[tilespmem:s9+$0x10] =	vst v11;
	(pc) =	sbr.rel @p0 .LBB2_16-.Ltmp7, $4  }
0x1b1: {  	v11 =	vcvt.f32.s32 v8;
	v10 =	vsel vm0, $0x1, v1;
	vm0 =	vgt.f32 v3, v8  }
0x1b2: {  	v3 =	vsel vm1, $0x1, v1;
	v4 =	vmul.f32 $2.500000000e+00, v9;
	v9 =	vsel vm0, $0x1, v1  }
0x1b3: {  	v10 =	vadd.s32 v14, v10;
	v2 =	vmul.f32 $2.500000000e+00, v6;
	v6 =	vadd.s32 v13, v3  }
0x1b4: {  	s14 =	sadd.s32 $0x40, s14;
	v3 =	vmul.f32 $2.500000000e+00, v7;
	v8 =	vtrunc.f32 v4;
	[tilespmem:s9+$0xFFFFFFE0] =	vst v10;
	v7 =	vadd.s32 v11, v9  }
0x1b5: {  	v5 =	vmul.f32 $2.500000000e+00, v5;
	v9 =	vcvt.f32.s32 v8  }
0x1b6: {  	vm0 =	vgt.f32 v4, v8;
	v4 =	vtrunc.f32 v2;
	v8 =	vtrunc.f32 v3  }
0x1b7: {  	v10 =	vsel vm0, $0x1, v1;
	v12 =	vcvt.f32.s32 v4;
	vm1 =	vgt.f32 v2, v4  }
0x1b8: {  	[tilespmem:s9+$0xFFFFFFF0] =	vst v6;
	v11 =	vtrunc.f32 v5;
	v6 =	vadd.s32 v9, v10;
	vm11 =	vgt.f32 v3, v8  }
0x1b9: {  	[tilespmem:s9+$0x0] =	vst v7;
	s10 =	sadd.s32 $0x40, s9;
	v3 =	vsel vm1, $0x1, v1;
	v57 =	vcvt.f32.s32 v11;
	vm10 =	vgt.f32 v5, v11  }
0x1ba: {  	v4 =	vcvt.f32.s32 v8;
	[tilespmem:s10+$0x10] =	vst v6;
	v3 =	vadd.s32 v12, v3;
	v2 =	vsel vm10, $0x1, v1  }
0x1bb: {  	v5 =	vsel vm11, $0x1, v1;
	[tilespmem:s10+$0xFFFFFFF0] =	vst v3;
	v2 =	vadd.s32 v57, v2  }
0x1bc: {  	[tilespmem:s10+$0xFFFFFFE0] =	vst v2;
	v2 =	vadd.s32 v4, v5  }
0x1bd: {  	[tilespmem:s10+$0x0] =	vst v2  }
0x1be: {  	s10 =	simm.s32 $0x10000;
	s9 =	rddreg [dreg:$0x18]  }
0x1bf: {  	[hbm4b:s9+s22] =	stream.strided.scatter [tilespmem:s10], [sflag:$0x5], $0x2000, s28, s22, $0x38;
	[tilespmem:$0x1E000] =	vst v63  }
0x1c0: {  	_ =	swait.ge [sflag:s4], $0x2000  }
0x1c1: {  	[sflag:s4] =	ssyncset.done $0x0  }
0x1c2: {  	s10 =	simm.s32 $0x2020;
	s14 =	rddreg [dreg:$0x16];
	[sflag:s4] =	ssyncadd.s32 $0xFFFFE000  }
0x1c3: {  	[hbm4b:s14+s22] =	stream.strided.scatter [tilespmem:s24], [sflag:$0x3], $0x2000, s28, s22, $0x38;
	[tilespmem:$0x1E000] =	vst v63  }
0x1c4: {  	v2 =	vld [tilespmem:s10+$0x10]  }
0x1c5: {  	v3 =	vld [tilespmem:s10+$0xFFFFFFF0]  }
0x1c6: {  	v4 =	vld [tilespmem:s10+$0x0]  }
0x1c7: {  	v5 =	vld [tilespmem:s10+$0xFFFFFFE0];
	_ =	sdelay $0x2  }
0x1c8: {  	s14 =	simm.s32 $0x2060  }
0x1c9: {  	v60 =	vld [tilespmem:s14+$0x0];
	v2 =	vadd.f32 $5.000000000e+01, v2;
	v4 =	vadd.f32 $5.000000000e+01, v4  }
0x1ca: {  	v3 =	vadd.f32 $5.000000000e+01, v3;
	v5 =	vadd.f32 $5.000000000e+01, v5  }
0x1cb: {  	v7 =	vld [tilespmem:s14+$0x10];
	v2 =	vmul.f32 $2.500000000e+00, v2;
	v4 =	vmul.f32 $2.500000000e+00, v4  }
0x1cc: {  	v3 =	vmul.f32 $2.500000000e+00, v3;
	v5 =	vmul.f32 $2.500000000e+00, v5  }
0x1cd: {  	v6 =	vtrunc.f32 v2;
	v58 =	vtrunc.f32 v4  }
0x1ce: {  	v63 =	vadd.f32 $5.000000000e+01, v60;
	v61 =	vtrunc.f32 v5;
	v8 =	vcvt.f32.s32 v6  }
0x1cf: {  	vm12 =	vgt.f32 v2, v6;
	v2 =	vld [tilespmem:s14+$0xFFFFFFF0];
	v6 =	vtrunc.f32 v3;
	v62 =	vcvt.f32.s32 v61  }
0x1d0: {  	vm13 =	vgt.f32 v5, v61;
	v5 =	vld [tilespmem:s14+$0xFFFFFFE0];
	vm15 =	vgt.f32 v4, v58;
	v4 =	vadd.f32 $5.000000000e+01, v7  }
0x1d1: {  	v59 =	vsel vm12, $0x1, v1;
	v13 =	vcvt.f32.s32 v6;
	vm14 =	vgt.f32 v3, v6  }
0x1d2: {  	s9 =	simm.s32 $0x12020;
	v3 =	vsel vm13, $0x1, v1;
	v6 =	vcvt.f32.s32 v58;
	v8 =	vadd.s32 v8, v59  }
0x1d3: {  	v7 =	vsel vm14, $0x1, v1;
	v3 =	vadd.s32 v62, v3;
	v4 =	vmul.f32 $2.500000000e+00, v4;
	[tilespmem:s9+$0x10] =	vst v8  }
0x1d4: {  	v8 =	vsel vm15, $0x1, v1;
	v7 =	vadd.s32 v13, v7;
	[tilespmem:s9+$0xFFFFFFE0] =	vst v3;
	v2 =	vadd.f32 $5.000000000e+01, v2  }
0x1d5: {  	v8 =	vadd.s32 v6, v8;
	[tilespmem:s9+$0xFFFFFFF0] =	vst v7;
	v6 =	vtrunc.f32 v4;
	v5 =	vadd.f32 $5.000000000e+01, v5  }
0x1d6: {  	s10 =	simm.s32 $0x20A0;
	s14 =	simm.s32 $0x4;
	[tilespmem:s9+$0x0] =	vst v8;
	v3 =	vmul.f32 $2.500000000e+00, v2;
	v2 =	vmul.f32 $2.500000000e+00, v63  }
.LBB2_18:
0x1d7: {  	v7 =	vld [tilespmem:s10+$0x10];
	s14 =	sadd.s32 $0x4, s14;
	v5 =	vmul.f32 $2.500000000e+00, v5;
	v8 =	vcvt.f32.s32 v6;
	vm0 =	vgt.f32 v4, v6  }
0x1d8: {  	v6 =	vtrunc.f32 v3;
	v4 =	vld [tilespmem:s10+$0xFFFFFFF0];
	p0 =	slt.u32 s14, $0x1FC;
	v9 =	vtrunc.f32 v2;
	v10 =	vsel vm0, $0x1, v1  }
0x1d9: {  	s9 =	sadd.s32 $0x40, s9;
	v13 =	vcvt.f32.s32 v6;
	v11 =	vld [tilespmem:s10+$0x0];
	v12 =	vtrunc.f32 v5;
	v8 =	vadd.s32 v8, v10  }
0x1da: {  	vm1 =	vgt.f32 v3, v6;
	v10 =	vld [tilespmem:s10+$0xFFFFFFE0];
	v14 =	vcvt.f32.s32 v12;
	vm0 =	vgt.f32 v5, v12;
	[tilespmem:s9+$0x10] =	vst v8  }
0x1db: {  	v5 =	vcvt.f32.s32 v9;
	v3 =	vsel vm0, $0x1, v1;
	vm0 =	vgt.f32 v2, v9  }
.Ltmp8:
0x1dc: {  	v6 =	vsel vm1, $0x1, v1;
	v2 =	vadd.f32 $5.000000000e+01, v7;
	v7 =	vsel vm0, $0x1, v1;
	(pc) =	sbr.rel @p0 .LBB2_18-.Ltmp8, $4  }
0x1dd: {  	v6 =	vadd.s32 v13, v6;
	v3 =	vadd.s32 v14, v3;
	v8 =	vadd.f32 $5.000000000e+01, v4  }
0x1de: {  	v7 =	vadd.s32 v5, v7;
	v9 =	vadd.f32 $5.000000000e+01, v11;
	v4 =	vmul.f32 $2.500000000e+00, v2;
	[tilespmem:s9+$0xFFFFFFE0] =	vst v3  }
0x1df: {  	v5 =	vadd.f32 $5.000000000e+01, v10;
	v3 =	vmul.f32 $2.500000000e+00, v8;
	[tilespmem:s9+$0xFFFFFFF0] =	vst v6  }
0x1e0: {  	s10 =	sadd.s32 $0x40, s10;
	v2 =	vmul.f32 $2.500000000e+00, v9;
	v6 =	vtrunc.f32 v4;
	[tilespmem:s9+$0x0] =	vst v7  }
0x1e1: {  	v5 =	vmul.f32 $2.500000000e+00, v5;
	v7 =	vcvt.f32.s32 v6  }
0x1e2: {  	vm0 =	vgt.f32 v4, v6;
	v4 =	vtrunc.f32 v3;
	v6 =	vtrunc.f32 v2  }
0x1e3: {  	v8 =	vsel vm0, $0x1, v1;
	v10 =	vcvt.f32.s32 v4;
	vm1 =	vgt.f32 v3, v4  }
0x1e4: {  	v9 =	vtrunc.f32 v5;
	v7 =	vadd.s32 v7, v8;
	vm11 =	vgt.f32 v2, v6  }
0x1e5: {  	s9 =	sadd.s32 $0x40, s9;
	v2 =	vsel vm1, $0x1, v1;
	v8 =	vcvt.f32.s32 v9;
	vm10 =	vgt.f32 v5, v9  }
0x1e6: {  	v4 =	vcvt.f32.s32 v6;
	[tilespmem:s9+$0x10] =	vst v7;
	v2 =	vadd.s32 v10, v2;
	v3 =	vsel vm10, $0x1, v1  }
0x1e7: {  	v5 =	vsel vm11, $0x1, v1;
	[tilespmem:s9+$0xFFFFFFF0] =	vst v2;
	v3 =	vadd.s32 v8, v3  }
0x1e8: {  	[tilespmem:s9+$0xFFFFFFE0] =	vst v3;
	v3 =	vadd.s32 v4, v5  }
0x1e9: {  	[tilespmem:s9+$0x0] =	vst v3  }
0x1ea: {  	s10 =	simm.s32 $0x12000;
	s9 =	rddreg [dreg:$0x14]  }
0x1eb: {  	[hbm4b:s9+s22] =	stream.strided.scatter [tilespmem:s10], [sflag:$0x5], $0x2000, s28, s22, $0x38;
	[tilespmem:$0x1E000] =	vst v63  }
0x1ec: {  	_ =	swait.ge [sflag:s4], $0x2000  }
0x1ed: {  	[sflag:s4] =	ssyncset.done $0x0  }
0x1ee: {  	s10 =	simm.s32 $0x4020;
	s14 =	rddreg [dreg:$0x15];
	[sflag:s4] =	ssyncadd.s32 $0xFFFFE000  }
0x1ef: {  	[hbm4b:s14+s22] =	stream.strided.scatter [tilespmem:s25], [sflag:$0x3], $0x2000, s28, s22, $0x38;
	[tilespmem:$0x1E000] =	vst v63  }
0x1f0: {  	v2 =	vld [tilespmem:s10+$0x10]  }
0x1f1: {  	v3 =	vld [tilespmem:s10+$0xFFFFFFF0]  }
0x1f2: {  	v4 =	vld [tilespmem:s10+$0x0]  }
0x1f3: {  	v5 =	vld [tilespmem:s10+$0xFFFFFFE0];
	_ =	sdelay $0x2  }
0x1f4: {  	s14 =	simm.s32 $0x4060  }
0x1f5: {  	v11 =	vld [tilespmem:s14+$0x0];
	v2 =	vadd.f32 $2.000000000e+00, v2;
	v4 =	vadd.f32 $2.000000000e+00, v4  }
0x1f6: {  	v3 =	vadd.f32 $2.000000000e+00, v3;
	v5 =	vadd.f32 $2.000000000e+00, v5  }
0x1f7: {  	v7 =	vld [tilespmem:s14+$0x10];
	v2 =	vmul.f32 $2.500000000e+00, v2;
	v4 =	vmul.f32 $2.500000000e+00, v4  }
0x1f8: {  	v3 =	vmul.f32 $2.500000000e+00, v3;
	v5 =	vmul.f32 $2.500000000e+00, v5  }
0x1f9: {  	v6 =	vtrunc.f32 v2;
	v60 =	vtrunc.f32 v4  }
0x1fa: {  	v63 =	vadd.f32 $2.000000000e+00, v11;
	v12 =	vtrunc.f32 v5;
	v8 =	vcvt.f32.s32 v6  }
0x1fb: {  	vm12 =	vgt.f32 v2, v6;
	v2 =	vld [tilespmem:s14+$0xFFFFFFF0];
	v6 =	vtrunc.f32 v3;
	v62 =	vcvt.f32.s32 v12  }
0x1fc: {  	vm13 =	vgt.f32 v5, v12;
	v5 =	vld [tilespmem:s14+$0xFFFFFFE0];
	vm15 =	vgt.f32 v4, v60;
	v4 =	vadd.f32 $2.000000000e+00, v7  }
0x1fd: {  	v61 =	vsel vm12, $0x1, v1;
	v13 =	vcvt.f32.s32 v6;
	vm14 =	vgt.f32 v3, v6  }
0x1fe: {  	s9 =	simm.s32 $0x14020;
	v3 =	vsel vm13, $0x1, v1;
	v6 =	vcvt.f32.s32 v60;
	v8 =	vadd.s32 v8, v61  }
0x1ff: {  	v7 =	vsel vm14, $0x1, v1;
	v3 =	vadd.s32 v62, v3;
	v4 =	vmul.f32 $2.500000000e+00, v4;
	[tilespmem:s9+$0x10] =	vst v8  }
0x200: {  	v8 =	vsel vm15, $0x1, v1;
	v7 =	vadd.s32 v13, v7;
	[tilespmem:s9+$0xFFFFFFE0] =	vst v3;
	v2 =	vadd.f32 $2.000000000e+00, v2  }
0x201: {  	v8 =	vadd.s32 v6, v8;
	[tilespmem:s9+$0xFFFFFFF0] =	vst v7;
	v6 =	vtrunc.f32 v4;
	v5 =	vadd.f32 $2.000000000e+00, v5  }
0x202: {  	s10 =	simm.s32 $0x40A0;
	s14 =	simm.s32 $0x4;
	[tilespmem:s9+$0x0] =	vst v8;
	v3 =	vmul.f32 $2.500000000e+00, v2;
	v2 =	vmul.f32 $2.500000000e+00, v63  }
.LBB2_20:
0x203: {  	v7 =	vld [tilespmem:s10+$0x10];
	s14 =	sadd.s32 $0x4, s14;
	v5 =	vmul.f32 $2.500000000e+00, v5;
	v8 =	vcvt.f32.s32 v6;
	vm0 =	vgt.f32 v4, v6  }
0x204: {  	v6 =	vtrunc.f32 v3;
	v4 =	vld [tilespmem:s10+$0xFFFFFFF0];
	p0 =	slt.u32 s14, $0x1FC;
	v9 =	vtrunc.f32 v2;
	v10 =	vsel vm0, $0x1, v1  }
0x205: {  	s9 =	sadd.s32 $0x40, s9;
	v13 =	vcvt.f32.s32 v6;
	v11 =	vld [tilespmem:s10+$0x0];
	v12 =	vtrunc.f32 v5;
	v8 =	vadd.s32 v8, v10  }
0x206: {  	vm1 =	vgt.f32 v3, v6;
	v10 =	vld [tilespmem:s10+$0xFFFFFFE0];
	v14 =	vcvt.f32.s32 v12;
	vm0 =	vgt.f32 v5, v12;
	[tilespmem:s9+$0x10] =	vst v8  }
0x207: {  	v5 =	vcvt.f32.s32 v9;
	v3 =	vsel vm0, $0x1, v1;
	vm0 =	vgt.f32 v2, v9  }
.Ltmp9:
0x208: {  	v6 =	vsel vm1, $0x1, v1;
	v2 =	vadd.f32 $2.000000000e+00, v7;
	v7 =	vsel vm0, $0x1, v1;
	(pc) =	sbr.rel @p0 .LBB2_20-.Ltmp9, $4  }
0x209: {  	v6 =	vadd.s32 v13, v6;
	v3 =	vadd.s32 v14, v3;
	v8 =	vadd.f32 $2.000000000e+00, v4  }
0x20a: {  	v7 =	vadd.s32 v5, v7;
	v9 =	vadd.f32 $2.000000000e+00, v11;
	v4 =	vmul.f32 $2.500000000e+00, v2;
	[tilespmem:s9+$0xFFFFFFE0] =	vst v3  }
0x20b: {  	v5 =	vadd.f32 $2.000000000e+00, v10;
	v3 =	vmul.f32 $2.500000000e+00, v8;
	[tilespmem:s9+$0xFFFFFFF0] =	vst v6  }
0x20c: {  	s10 =	sadd.s32 $0x40, s10;
	v2 =	vmul.f32 $2.500000000e+00, v9;
	v6 =	vtrunc.f32 v4;
	[tilespmem:s9+$0x0] =	vst v7  }
0x20d: {  	v5 =	vmul.f32 $2.500000000e+00, v5;
	v7 =	vcvt.f32.s32 v6  }
0x20e: {  	vm0 =	vgt.f32 v4, v6;
	v4 =	vtrunc.f32 v3;
	v6 =	vtrunc.f32 v2  }
0x20f: {  	v8 =	vsel vm0, $0x1, v1;
	v10 =	vcvt.f32.s32 v4;
	vm1 =	vgt.f32 v3, v4  }
0x210: {  	v9 =	vtrunc.f32 v5;
	v7 =	vadd.s32 v7, v8;
	vm11 =	vgt.f32 v2, v6  }
0x211: {  	s9 =	sadd.s32 $0x40, s9;
	v2 =	vsel vm1, $0x1, v1;
	v8 =	vcvt.f32.s32 v9;
	vm10 =	vgt.f32 v5, v9  }
0x212: {  	v4 =	vcvt.f32.s32 v6;
	[tilespmem:s9+$0x10] =	vst v7;
	v2 =	vadd.s32 v10, v2;
	v3 =	vsel vm10, $0x1, v1  }
0x213: {  	v5 =	vsel vm11, $0x1, v1;
	[tilespmem:s9+$0xFFFFFFF0] =	vst v2;
	v3 =	vadd.s32 v8, v3  }
0x214: {  	[tilespmem:s9+$0xFFFFFFE0] =	vst v3;
	v3 =	vadd.s32 v4, v5  }
0x215: {  	[tilespmem:s9+$0x0] =	vst v3  }
0x216: {  	s10 =	simm.s32 $0x14000;
	s9 =	rddreg [dreg:$0x17]  }
0x217: {  	[hbm4b:s9+s22] =	stream.strided.scatter [tilespmem:s10], [sflag:$0x5], $0x2000, s28, s22, $0x38;
	[tilespmem:$0x1E000] =	vst v63  }
0x218: {  	_ =	swait.ge [sflag:s4], $0x2000  }
0x219: {  	[sflag:s4] =	ssyncset.done $0x0  }
0x21a: {  	s14 =	rddreg [dreg:$0x19];
	[sflag:s4] =	ssyncadd.s32 $0xFFFFE000  }
0x21b: {  	[hbm4b:s14+s22] =	stream.strided.scatter [tilespmem:s26], [sflag:$0x3], $0x2000, s28, s22, $0x38;
	[tilespmem:$0x1E000] =	vst v63  }
0x21c: {  	_ =	swait.ge [sflag:s8], $0x2000  }
0x21d: {  	[sflag:s8] =	ssyncset.done $0x0  }
0x21e: {  	s14 =	simm.s32 $0x8020;
	s10 =	rddreg [dreg:$0x1b];
	[sflag:s8] =	ssyncadd.s32 $0xFFFFE000  }
0x21f: {  	[hbm4b:s10+s22] =	stream.strided.scatter [tilespmem:s31], [sflag:$0x4], $0x2000, s28, s22, $0x38;
	[tilespmem:$0x1E000] =	vst v63  }
0x220: {  	v2 =	vld [tilespmem:s14+$0x10]  }
0x221: {  	v3 =	vld [tilespmem:s14+$0xFFFFFFF0]  }
0x222: {  	v4 =	vld [tilespmem:s14+$0x0]  }
0x223: {  	v5 =	vld [tilespmem:s14+$0xFFFFFFE0];
	_ =	sdelay $0x2  }
0x224: {  	v2 =	vmul.f32 $2.500000000e+00, v2  }
0x225: {  	s14 =	simm.s32 $0x8060;
	v3 =	vmul.f32 $2.500000000e+00, v3;
	v4 =	vmul.f32 $2.500000000e+00, v4  }
0x226: {  	v7 =	vld [tilespmem:s14+$0x10];
	v5 =	vmul.f32 $2.500000000e+00, v5;
	v6 =	vtrunc.f32 v2  }
0x227: {  	v8 =	vcvt.f32.s32 v6;
	vm12 =	vgt.f32 v2, v6;
	v6 =	vtrunc.f32 v3  }
0x228: {  	v11 =	vld [tilespmem:s14+$0x0];
	v12 =	vtrunc.f32 v5;
	v13 =	vcvt.f32.s32 v6;
	vm14 =	vgt.f32 v3, v6  }
0x229: {  	v9 =	vtrunc.f32 v4;
	v2 =	vld [tilespmem:s14+$0xFFFFFFF0];
	vm13 =	vgt.f32 v5, v12;
	v5 =	vsel vm14, $0x1, v1  }
0x22a: {  	vm15 =	vgt.f32 v4, v9;
	v10 =	vsel vm12, $0x1, v1;
	v6 =	vadd.s32 v13, v5;
	v5 =	vld [tilespmem:s14+$0xFFFFFFE0]  }
0x22b: {  	v4 =	vmul.f32 $2.500000000e+00, v7;
	v8 =	vadd.s32 v8, v10;
	v10 =	vcvt.f32.s32 v12  }
0x22c: {  	s9 =	simm.s32 $0x16020;
	v63 =	vcvt.f32.s32 v9;
	v3 =	vsel vm13, $0x1, v1  }
0x22d: {  	v7 =	vsel vm15, $0x1, v1;
	[tilespmem:s9+$0x10] =	vst v8;
	v8 =	vtrunc.f32 v4;
	v9 =	vadd.s32 v10, v3  }
0x22e: {  	s10 =	simm.s32 $0x4;
	v7 =	vadd.s32 v63, v7;
	s14 =	simm.s32 $0x80A0;
	v3 =	vmul.f32 $2.500000000e+00, v11;
	v2 =	vmul.f32 $2.500000000e+00, v2;
	[tilespmem:s9+$0xFFFFFFE0] =	vst v9  }
.LBB2_22:
0x22f: {  	v9 =	vld [tilespmem:s14+$0x10];
	s10 =	sadd.s32 $0x4, s10;
	v10 =	vmul.f32 $2.500000000e+00, v5;
	v5 =	vcvt.f32.s32 v8;
	vm0 =	vgt.f32 v4, v8;
	[tilespmem:s9+$0xFFFFFFF0] =	vst v6  }
0x230: {  	v4 =	vtrunc.f32 v2;
	v6 =	vld [tilespmem:s14+$0xFFFFFFF0];
	p0 =	slt.u32 s10, $0x1FC;
	v8 =	vtrunc.f32 v3;
	v11 =	vsel vm0, $0x1, v1;
	[tilespmem:s9+$0x0] =	vst v7  }
0x231: {  	v13 =	vcvt.f32.s32 v4;
	s9 =	sadd.s32 $0x40, s9;
	v7 =	vld [tilespmem:s14+$0x0];
	v12 =	vtrunc.f32 v10;
	v11 =	vadd.s32 v5, v11  }
.Ltmp10:
0x232: {  	vm1 =	vgt.f32 v2, v4;
	v5 =	vld [tilespmem:s14+$0xFFFFFFE0];
	v14 =	vcvt.f32.s32 v12;
	vm0 =	vgt.f32 v10, v12;
	[tilespmem:s9+$0x10] =	vst v11;
	(pc) =	sbr.rel @p0 .LBB2_22-.Ltmp10, $4  }
0x233: {  	v11 =	vcvt.f32.s32 v8;
	v10 =	vsel vm0, $0x1, v1;
	vm0 =	vgt.f32 v3, v8  }
0x234: {  	v3 =	vsel vm1, $0x1, v1;
	v4 =	vmul.f32 $2.500000000e+00, v9;
	v9 =	vsel vm0, $0x1, v1  }
0x235: {  	v10 =	vadd.s32 v14, v10;
	v2 =	vmul.f32 $2.500000000e+00, v6;
	v6 =	vadd.s32 v13, v3  }
0x236: {  	s14 =	sadd.s32 $0x40, s14;
	v3 =	vmul.f32 $2.500000000e+00, v7;
	v8 =	vtrunc.f32 v4;
	[tilespmem:s9+$0xFFFFFFE0] =	vst v10;
	v7 =	vadd.s32 v11, v9  }
0x237: {  	v5 =	vmul.f32 $2.500000000e+00, v5;
	v9 =	vcvt.f32.s32 v8  }
0x238: {  	vm0 =	vgt.f32 v4, v8;
	v4 =	vtrunc.f32 v2;
	v8 =	vtrunc.f32 v3  }
0x239: {  	v10 =	vsel vm0, $0x1, v1;
	v12 =	vcvt.f32.s32 v4;
	vm1 =	vgt.f32 v2, v4  }
0x23a: {  	[tilespmem:s9+$0xFFFFFFF0] =	vst v6;
	v11 =	vtrunc.f32 v5;
	v6 =	vadd.s32 v9, v10;
	vm11 =	vgt.f32 v3, v8  }
0x23b: {  	[tilespmem:s9+$0x0] =	vst v7;
	s10 =	sadd.s32 $0x40, s9;
	v3 =	vsel vm1, $0x1, v1;
	v57 =	vcvt.f32.s32 v11;
	vm10 =	vgt.f32 v5, v11  }
0x23c: {  	v4 =	vcvt.f32.s32 v8;
	[tilespmem:s10+$0x10] =	vst v6;
	v3 =	vadd.s32 v12, v3;
	v2 =	vsel vm10, $0x1, v1  }
0x23d: {  	v5 =	vsel vm11, $0x1, v1;
	[tilespmem:s10+$0xFFFFFFF0] =	vst v3;
	v2 =	vadd.s32 v57, v2  }
0x23e: {  	[tilespmem:s10+$0xFFFFFFE0] =	vst v2;
	v2 =	vadd.s32 v4, v5  }
0x23f: {  	[tilespmem:s10+$0x0] =	vst v2  }
0x240: {  	s9 =	sld [smem:$0x7F1];
	_ =	sdelay $0x1  }
0x241: {  	s10 =	simm.s32 $0x16000  }
0x242: {  	[hbm4b:s9+s22] =	stream.strided.scatter [tilespmem:s10], [sflag:$0x6], $0x2000, s28, s22, $0x38;
	[tilespmem:$0x1E000] =	vst v63  }
0x243: {  	_ =	swait.ge [sflag:s8], $0x2000  }
0x244: {  	[sflag:s8] =	ssyncset.done $0x0  }
0x245: {  	s10 =	simm.s32 $0xA020;
	s14 =	rddreg [dreg:$0x1e];
	[sflag:s8] =	ssyncadd.s32 $0xFFFFE000  }
0x246: {  	[hbm4b:s14+s22] =	stream.strided.scatter [tilespmem:s30], [sflag:$0x4], $0x2000, s28, s22, $0x38;
	[tilespmem:$0x1E000] =	vst v63  }
0x247: {  	v2 =	vld [tilespmem:s10+$0x10]  }
0x248: {  	v3 =	vld [tilespmem:s10+$0xFFFFFFF0]  }
0x249: {  	v4 =	vld [tilespmem:s10+$0x0]  }
0x24a: {  	v5 =	vld [tilespmem:s10+$0xFFFFFFE0];
	_ =	sdelay $0x2  }
0x24b: {  	s14 =	simm.s32 $0xA060  }
0x24c: {  	v60 =	vld [tilespmem:s14+$0x0];
	v2 =	vadd.f32 $5.000000000e+01, v2;
	v4 =	vadd.f32 $5.000000000e+01, v4  }
0x24d: {  	v3 =	vadd.f32 $5.000000000e+01, v3;
	v5 =	vadd.f32 $5.000000000e+01, v5  }
0x24e: {  	v7 =	vld [tilespmem:s14+$0x10];
	v2 =	vmul.f32 $2.500000000e+00, v2;
	v4 =	vmul.f32 $2.500000000e+00, v4  }
0x24f: {  	v3 =	vmul.f32 $2.500000000e+00, v3;
	v5 =	vmul.f32 $2.500000000e+00, v5  }
0x250: {  	v6 =	vtrunc.f32 v2;
	v58 =	vtrunc.f32 v4  }
0x251: {  	v63 =	vadd.f32 $5.000000000e+01, v60;
	v61 =	vtrunc.f32 v5;
	v8 =	vcvt.f32.s32 v6  }
0x252: {  	vm12 =	vgt.f32 v2, v6;
	v2 =	vld [tilespmem:s14+$0xFFFFFFF0];
	v6 =	vtrunc.f32 v3;
	v62 =	vcvt.f32.s32 v61  }
0x253: {  	vm13 =	vgt.f32 v5, v61;
	v5 =	vld [tilespmem:s14+$0xFFFFFFE0];
	vm15 =	vgt.f32 v4, v58;
	v4 =	vadd.f32 $5.000000000e+01, v7  }
0x254: {  	v59 =	vsel vm12, $0x1, v1;
	v13 =	vcvt.f32.s32 v6;
	vm14 =	vgt.f32 v3, v6  }
0x255: {  	s9 =	simm.s32 $0x18020;
	v3 =	vsel vm13, $0x1, v1;
	v6 =	vcvt.f32.s32 v58;
	v8 =	vadd.s32 v8, v59  }
0x256: {  	v7 =	vsel vm14, $0x1, v1;
	v3 =	vadd.s32 v62, v3;
	v4 =	vmul.f32 $2.500000000e+00, v4;
	[tilespmem:s9+$0x10] =	vst v8  }
0x257: {  	v8 =	vsel vm15, $0x1, v1;
	v7 =	vadd.s32 v13, v7;
	[tilespmem:s9+$0xFFFFFFE0] =	vst v3;
	v2 =	vadd.f32 $5.000000000e+01, v2  }
0x258: {  	v8 =	vadd.s32 v6, v8;
	[tilespmem:s9+$0xFFFFFFF0] =	vst v7;
	v6 =	vtrunc.f32 v4;
	v5 =	vadd.f32 $5.000000000e+01, v5  }
0x259: {  	s10 =	simm.s32 $0xA0A0;
	s14 =	simm.s32 $0x4;
	[tilespmem:s9+$0x0] =	vst v8;
	v3 =	vmul.f32 $2.500000000e+00, v2;
	v2 =	vmul.f32 $2.500000000e+00, v63  }
.LBB2_24:
0x25a: {  	v7 =	vld [tilespmem:s10+$0x10];
	s14 =	sadd.s32 $0x4, s14;
	v5 =	vmul.f32 $2.500000000e+00, v5;
	v8 =	vcvt.f32.s32 v6;
	vm0 =	vgt.f32 v4, v6  }
0x25b: {  	v6 =	vtrunc.f32 v3;
	v4 =	vld [tilespmem:s10+$0xFFFFFFF0];
	p0 =	slt.u32 s14, $0x1FC;
	v9 =	vtrunc.f32 v2;
	v10 =	vsel vm0, $0x1, v1  }
0x25c: {  	s9 =	sadd.s32 $0x40, s9;
	v13 =	vcvt.f32.s32 v6;
	v11 =	vld [tilespmem:s10+$0x0];
	v12 =	vtrunc.f32 v5;
	v8 =	vadd.s32 v8, v10  }
0x25d: {  	vm1 =	vgt.f32 v3, v6;
	v10 =	vld [tilespmem:s10+$0xFFFFFFE0];
	v14 =	vcvt.f32.s32 v12;
	vm0 =	vgt.f32 v5, v12;
	[tilespmem:s9+$0x10] =	vst v8  }
0x25e: {  	v5 =	vcvt.f32.s32 v9;
	v3 =	vsel vm0, $0x1, v1;
	vm0 =	vgt.f32 v2, v9  }
.Ltmp11:
0x25f: {  	v6 =	vsel vm1, $0x1, v1;
	v2 =	vadd.f32 $5.000000000e+01, v7;
	v7 =	vsel vm0, $0x1, v1;
	(pc) =	sbr.rel @p0 .LBB2_24-.Ltmp11, $4  }
0x260: {  	v6 =	vadd.s32 v13, v6;
	v3 =	vadd.s32 v14, v3;
	v8 =	vadd.f32 $5.000000000e+01, v4  }
0x261: {  	v7 =	vadd.s32 v5, v7;
	v9 =	vadd.f32 $5.000000000e+01, v11;
	v4 =	vmul.f32 $2.500000000e+00, v2;
	[tilespmem:s9+$0xFFFFFFE0] =	vst v3  }
0x262: {  	v5 =	vadd.f32 $5.000000000e+01, v10;
	v3 =	vmul.f32 $2.500000000e+00, v8;
	[tilespmem:s9+$0xFFFFFFF0] =	vst v6  }
0x263: {  	s10 =	sadd.s32 $0x40, s10;
	v2 =	vmul.f32 $2.500000000e+00, v9;
	v6 =	vtrunc.f32 v4;
	[tilespmem:s9+$0x0] =	vst v7  }
0x264: {  	v5 =	vmul.f32 $2.500000000e+00, v5;
	v7 =	vcvt.f32.s32 v6  }
0x265: {  	vm0 =	vgt.f32 v4, v6;
	v4 =	vtrunc.f32 v3;
	v6 =	vtrunc.f32 v2  }
0x266: {  	v8 =	vsel vm0, $0x1, v1;
	v10 =	vcvt.f32.s32 v4;
	vm1 =	vgt.f32 v3, v4  }
0x267: {  	v9 =	vtrunc.f32 v5;
	v7 =	vadd.s32 v7, v8;
	vm11 =	vgt.f32 v2, v6  }
0x268: {  	s9 =	sadd.s32 $0x40, s9;
	v2 =	vsel vm1, $0x1, v1;
	v8 =	vcvt.f32.s32 v9;
	vm10 =	vgt.f32 v5, v9  }
0x269: {  	v4 =	vcvt.f32.s32 v6;
	[tilespmem:s9+$0x10] =	vst v7;
	v2 =	vadd.s32 v10, v2;
	v3 =	vsel vm10, $0x1, v1  }
0x26a: {  	v5 =	vsel vm11, $0x1, v1;
	[tilespmem:s9+$0xFFFFFFF0] =	vst v2;
	v3 =	vadd.s32 v8, v3  }
0x26b: {  	[tilespmem:s9+$0xFFFFFFE0] =	vst v3;
	v3 =	vadd.s32 v4, v5  }
0x26c: {  	[tilespmem:s9+$0x0] =	vst v3  }
0x26d: {  	s9 =	sld [smem:$0x7F2];
	_ =	sdelay $0x1  }
0x26e: {  	s10 =	simm.s32 $0x18000  }
0x26f: {  	[hbm4b:s9+s22] =	stream.strided.scatter [tilespmem:s10], [sflag:$0x6], $0x2000, s28, s22, $0x38;
	[tilespmem:$0x1E000] =	vst v63  }
0x270: {  	_ =	swait.ge [sflag:s8], $0x2000  }
0x271: {  	s14 =	sld [smem:$0x7F3]  }
0x272: {  	[sflag:s8] =	ssyncset.done $0x0  }
0x273: {  	s10 =	simm.s32 $0xC020;
	[sflag:s8] =	ssyncadd.s32 $0xFFFFE000  }
0x274: {  	[hbm4b:s14+s22] =	stream.strided.scatter [tilespmem:s0], [sflag:$0x4], $0x2000, s28, s22, $0x38;
	[tilespmem:$0x1E000] =	vst v63  }
0x275: {  	v2 =	vld [tilespmem:s10+$0x10]  }
0x276: {  	v3 =	vld [tilespmem:s10+$0xFFFFFFF0]  }
0x277: {  	v4 =	vld [tilespmem:s10+$0x0]  }
0x278: {  	v5 =	vld [tilespmem:s10+$0xFFFFFFE0];
	_ =	sdelay $0x2  }
0x279: {  	s14 =	simm.s32 $0xC060  }
0x27a: {  	v11 =	vld [tilespmem:s14+$0x0];
	v2 =	vadd.f32 $2.000000000e+00, v2;
	v4 =	vadd.f32 $2.000000000e+00, v4  }
0x27b: {  	v3 =	vadd.f32 $2.000000000e+00, v3;
	v5 =	vadd.f32 $2.000000000e+00, v5  }
0x27c: {  	v7 =	vld [tilespmem:s14+$0x10];
	v2 =	vmul.f32 $2.500000000e+00, v2;
	v4 =	vmul.f32 $2.500000000e+00, v4  }
0x27d: {  	v3 =	vmul.f32 $2.500000000e+00, v3;
	v5 =	vmul.f32 $2.500000000e+00, v5  }
0x27e: {  	v6 =	vtrunc.f32 v2;
	v60 =	vtrunc.f32 v4  }
0x27f: {  	v63 =	vadd.f32 $2.000000000e+00, v11;
	v12 =	vtrunc.f32 v5;
	v8 =	vcvt.f32.s32 v6  }
0x280: {  	vm12 =	vgt.f32 v2, v6;
	v2 =	vld [tilespmem:s14+$0xFFFFFFF0];
	v6 =	vtrunc.f32 v3;
	v62 =	vcvt.f32.s32 v12  }
0x281: {  	vm13 =	vgt.f32 v5, v12;
	v5 =	vld [tilespmem:s14+$0xFFFFFFE0];
	vm15 =	vgt.f32 v4, v60;
	v4 =	vadd.f32 $2.000000000e+00, v7  }
0x282: {  	v61 =	vsel vm12, $0x1, v1;
	v13 =	vcvt.f32.s32 v6;
	vm14 =	vgt.f32 v3, v6  }
0x283: {  	s9 =	simm.s32 $0x1A020;
	v3 =	vsel vm13, $0x1, v1;
	v6 =	vcvt.f32.s32 v60;
	v8 =	vadd.s32 v8, v61  }
0x284: {  	v7 =	vsel vm14, $0x1, v1;
	v3 =	vadd.s32 v62, v3;
	v4 =	vmul.f32 $2.500000000e+00, v4;
	[tilespmem:s9+$0x10] =	vst v8  }
0x285: {  	v8 =	vsel vm15, $0x1, v1;
	v7 =	vadd.s32 v13, v7;
	[tilespmem:s9+$0xFFFFFFE0] =	vst v3;
	v2 =	vadd.f32 $2.000000000e+00, v2  }
0x286: {  	v8 =	vadd.s32 v6, v8;
	[tilespmem:s9+$0xFFFFFFF0] =	vst v7;
	v6 =	vtrunc.f32 v4;
	v5 =	vadd.f32 $2.000000000e+00, v5  }
0x287: {  	s10 =	simm.s32 $0xC0A0;
	s14 =	simm.s32 $0x4;
	[tilespmem:s9+$0x0] =	vst v8;
	v3 =	vmul.f32 $2.500000000e+00, v2;
	v2 =	vmul.f32 $2.500000000e+00, v63  }
.LBB2_26:
0x288: {  	v7 =	vld [tilespmem:s10+$0x10];
	s14 =	sadd.s32 $0x4, s14;
	v5 =	vmul.f32 $2.500000000e+00, v5;
	v8 =	vcvt.f32.s32 v6;
	vm0 =	vgt.f32 v4, v6  }
0x289: {  	v6 =	vtrunc.f32 v3;
	v4 =	vld [tilespmem:s10+$0xFFFFFFF0];
	p0 =	slt.u32 s14, $0x1FC;
	v9 =	vtrunc.f32 v2;
	v10 =	vsel vm0, $0x1, v1  }
0x28a: {  	s9 =	sadd.s32 $0x40, s9;
	v13 =	vcvt.f32.s32 v6;
	v11 =	vld [tilespmem:s10+$0x0];
	v12 =	vtrunc.f32 v5;
	v8 =	vadd.s32 v8, v10  }
0x28b: {  	vm1 =	vgt.f32 v3, v6;
	v10 =	vld [tilespmem:s10+$0xFFFFFFE0];
	v14 =	vcvt.f32.s32 v12;
	vm0 =	vgt.f32 v5, v12;
	[tilespmem:s9+$0x10] =	vst v8  }
0x28c: {  	v5 =	vcvt.f32.s32 v9;
	v3 =	vsel vm0, $0x1, v1;
	vm0 =	vgt.f32 v2, v9  }
.Ltmp12:
0x28d: {  	v6 =	vsel vm1, $0x1, v1;
	v2 =	vadd.f32 $2.000000000e+00, v7;
	v7 =	vsel vm0, $0x1, v1;
	(pc) =	sbr.rel @p0 .LBB2_26-.Ltmp12, $4  }
0x28e: {  	v6 =	vadd.s32 v13, v6;
	v3 =	vadd.s32 v14, v3;
	v8 =	vadd.f32 $2.000000000e+00, v4  }
0x28f: {  	v7 =	vadd.s32 v5, v7;
	v9 =	vadd.f32 $2.000000000e+00, v11;
	v4 =	vmul.f32 $2.500000000e+00, v2;
	[tilespmem:s9+$0xFFFFFFE0] =	vst v3  }
0x290: {  	v5 =	vadd.f32 $2.000000000e+00, v10;
	v3 =	vmul.f32 $2.500000000e+00, v8;
	[tilespmem:s9+$0xFFFFFFF0] =	vst v6  }
0x291: {  	s10 =	sadd.s32 $0x40, s10;
	v2 =	vmul.f32 $2.500000000e+00, v9;
	v6 =	vtrunc.f32 v4;
	[tilespmem:s9+$0x0] =	vst v7  }
0x292: {  	v5 =	vmul.f32 $2.500000000e+00, v5;
	v7 =	vcvt.f32.s32 v6  }
0x293: {  	vm0 =	vgt.f32 v4, v6;
	v59 =	vtrunc.f32 v3;
	v60 =	vtrunc.f32 v2  }
0x294: {  	v8 =	vsel vm0, $0x1, v1;
	v10 =	vcvt.f32.s32 v59;
	vm1 =	vgt.f32 v3, v59  }
0x295: {  	v9 =	vtrunc.f32 v5;
	v7 =	vadd.s32 v7, v8;
	vm15 =	vgt.f32 v2, v60  }
0x296: {  	s9 =	sadd.s32 $0x40, s9;
	v2 =	vsel vm1, $0x1, v1;
	v61 =	vcvt.f32.s32 v9;
	vm14 =	vgt.f32 v5, v9  }
0x297: {  	v62 =	vcvt.f32.s32 v60;
	[tilespmem:s9+$0x10] =	vst v7;
	v2 =	vadd.s32 v10, v2;
	v3 =	vsel vm14, $0x1, v1  }
0x298: {  	v63 =	vsel vm15, $0x1, v1;
	[tilespmem:s9+$0xFFFFFFF0] =	vst v2;
	v3 =	vadd.s32 v61, v3  }
0x299: {  	[tilespmem:s9+$0xFFFFFFE0] =	vst v3;
	v3 =	vadd.s32 v62, v63  }
0x29a: {  	[tilespmem:s9+$0x0] =	vst v3  }
0x29b: {  	s10 =	simm.s32 $0x1A000;
	s9 =	rddreg [dreg:$0x1f]  }
0x29c: {  	[hbm4b:s9+s22] =	stream.strided.scatter [tilespmem:s10], [sflag:$0x6], $0x2000, s28, s22, $0x38;
	[tilespmem:$0x1E000] =	vst v63  }
0x29d: {  	_ =	swait.ge [sflag:s8], $0x2000  }
0x29e: {  	s10 =	sld [smem:$0x7F4]  }
0x29f: {  	[sflag:s8] =	ssyncset.done $0x0  }
0x2a0: {  	[sflag:s8] =	ssyncadd.s32 $0xFFFFE000  }
0x2a1: {  	[hbm4b:s10+s22] =	stream.strided.scatter [tilespmem:s3], [sflag:$0x4], $0x2000, s28, s22, $0x38;
	[tilespmem:$0x1E000] =	vst v63  }
0x2a2: {  	_ =	swait.ge [sflag:s7], $0x2000  }
0x2a3: {  	[sflag:s7] =	ssyncset.done $0x0  }
0x2a4: {  	[sflag:s7] =	ssyncadd.s32 $0xFFFFE000  }
0x2a5: {  	_ =	swait.ge [sflag:s6], $0x2000  }
0x2a6: {  	[sflag:s6] =	ssyncset.done $0x0  }
0x2a7: {  	[sflag:s6] =	ssyncadd.s32 $0xFFFFE000  }
0x2a8: {  	_ =	swait.ge [sflag:s7], $0x2000  }
0x2a9: {  	[sflag:s7] =	ssyncset.done $0x0  }
0x2aa: {  	[sflag:s7] =	ssyncadd.s32 $0xFFFFE000  }
0x2ab: {  	_ =	swait.ge [sflag:s6], $0x2000  }
0x2ac: {  	[sflag:s6] =	ssyncset.done $0x0  }
0x2ad: {  	[sflag:s6] =	ssyncadd.s32 $0xFFFFE000  }
0x2ae: {  	_ =	swait.ge [sflag:s7], $0x2000  }
0x2af: {  	[sflag:s7] =	ssyncset.done $0x0  }
0x2b0: {  	[sflag:s7] =	ssyncadd.s32 $0xFFFFE000  }
0x2b1: {  	_ =	swait.ge [sflag:s6], $0x2000  }
0x2b2: {  	[sflag:s6] =	ssyncset.done $0x0  }
0x2b3: {  	[sflag:s6] =	ssyncadd.s32 $0xFFFFE000  }
0x2b4: {  	_ =	swait.ge [sflag:s7], $0x2000  }
0x2b5: {  	[sflag:s7] =	ssyncset.done $0x0  }
0x2b6: {  	[sflag:s7] =	ssyncadd.s32 $0xFFFFE000  }
0x2b7: {  	_ =	swait.ge [sflag:s11], $0x2000  }
0x2b8: {  	[sflag:s11] =	ssyncset.done $0x0  }
0x2b9: {  	[sflag:s11] =	ssyncadd.s32 $0xFFFFE000  }
0x2ba: {  	_ =	swait.ge [sflag:s12], $0x2000  }
0x2bb: {  	[sflag:s12] =	ssyncset.done $0x0  }
0x2bc: {  	[sflag:s12] =	ssyncadd.s32 $0xFFFFE000  }
0x2bd: {  	_ =	swait.ge [sflag:s11], $0x2000  }
0x2be: {  	[sflag:s11] =	ssyncset.done $0x0  }
0x2bf: {  	[sflag:s11] =	ssyncadd.s32 $0xFFFFE000  }
0x2c0: {  	_ =	swait.ge [sflag:s12], $0x2000  }
0x2c1: {  	[sflag:s12] =	ssyncset.done $0x0  }
0x2c2: {  	[sflag:s12] =	ssyncadd.s32 $0xFFFFE000  }
0x2c3: {  	_ =	swait.ge [sflag:s11], $0x2000  }
0x2c4: {  	[sflag:s11] =	ssyncset.done $0x0  }
0x2c5: {  	[sflag:s11] =	ssyncadd.s32 $0xFFFFE000  }
0x2c6: {  	_ =	swait.ge [sflag:s12], $0x2000  }
0x2c7: {  	[sflag:s12] =	ssyncset.done $0x0  }
0x2c8: {  	[sflag:s12] =	ssyncadd.s32 $0xFFFFE000  }
0x2c9: {  	_ =	swait.ge [sflag:s11], $0x2000  }
0x2ca: {  	[sflag:s11] =	ssyncset.done $0x0  }
0x2cb: {  	[sflag:s11] =	ssyncadd.s32 $0xFFFFE000  }
0x2cc: {  	_ =	swait.ge [sflag:s5], $0x2000  }
0x2cd: {  	[sflag:s5] =	ssyncset.done $0x0  }
0x2ce: {  	[sflag:s5] =	ssyncadd.s32 $0xFFFFE000  }
0x2cf: {  	_ =	swait.ge [sflag:s5], $0x2000  }
0x2d0: {  	[sflag:s5] =	ssyncset.done $0x0  }
0x2d1: {  	[sflag:s5] =	ssyncadd.s32 $0xFFFFE000  }
0x2d2: {  	_ =	swait.ge [sflag:s5], $0x2000  }
0x2d3: {  	[sflag:s5] =	ssyncset.done $0x0  }
0x2d4: {  	[sflag:s5] =	ssyncadd.s32 $0xFFFFE000  }
0x2d5: {  	_ =	swait.ge [sflag:s5], $0x2000  }
0x2d6: {  	s14 =	sld [smem:$0x7F5];
	_ =	sdelay $0x1  }
0x2d7: {  	s13 =	sadd.s32 $0x1, s13  }
0x2d8: {  	p0 =	sne.s32 s13, s14  }
.Ltmp13:
0x2d9: {  	_ = 	snop;
	(pc) =	sbr.rel @p0 .LBB2_1-.Ltmp13, $3  }
0x2da: {  	_ =	sdelay $0x1  }
0x2db: {  	[sflag:s5] =	ssyncset.done $0x0  }
0x2dc: {  	[sflag:s5] =	ssyncadd.s32 $0xFFFFE000  }
0x2dd: {  	_ =	sfence.sel $0x180000  }
0x2de: {  	[bflag:$0x0] =	sbarrier.arrive $0xFFFF  }
0x2df: {  	_ =	strace $0x90000047  }
0x2e0: {  	s0 =	stileid.u32;
	[bflag:$0x2] =	sbarrier.arrive $0xFFFF  }
0x2e1: {  	p0 =	sne.s32 s0, $0x0;
	s0 =	rddreg [dreg:$0x3]  }
0x2e2: {  	s0 =	sadd.s32 @!p0 $0x100000, s0  }
0x2e3: {  	[sflag:s0] =	ssyncadd.tile.s32 @!p0 $0x1;
	_ =	shalt  }
.Lfunc_end2:
_tile_overlayer_lowered:
.L_overlay_start_2:
0x2e4: {  	(tag) =	ssettag $0x2  }
0x2e5: {  	s0 =	rddreg [dreg:$0x0];
	s2 =	stileid.u32  }
0x2e6: {  	s1 =	rddreg [dreg:$0x1];
	p0 =	sne.s32 s2, $0x0  }
0x2e7: {  	s3 =	rddreg [dreg:$0x2];
	[bflag:$0x3] =	sbarrier.arrive $0xFFFF;
	s2 =	simm.s32 @!p0 $0x1C08  }
0x2e8: {  	[timem:s3], [sflag:s2] =	dma.local @!p0 [hbm:s0], s1  }
0x2e9: {  	s0 =	simm.s32 @!p0 $0x8  }
0x2ea: {  	_ =	swait.ge @!p0 [sflag:s0], s1  }
0x2eb: {  	s1 =	ssub.s32 @!p0 $0x0, s1;
	[sflag:s0] =	ssyncset.done @!p0 $0x0  }
0x2ec: {  	[sflag:s0] =	ssyncadd.s32 @!p0 s1  }
0x2ed: {  	[bflag:$0x3] =	sbarrier.arrive $0xFFFF  }
0x2ee: {  	_ =	shalt  }

</sc_bundles>
